<compile_context>
chip_gen: v7x
topology: tpu7x:2x2x1
jax: 0.10.2.dev20260603
libtpu: 0.0.44.dev20260713+nightly
codegen_flags: <defaults>
</compile_context>

<pallas_src>
import functools

import jax
import jax.numpy as jnp
from jax import lax
from jax.experimental import pallas as pl
from jax.experimental.pallas import tpu as pltpu
from jax.experimental.pallas import tpu_sc as plsc

N = 10000
E = 320000
DN = 128
DE = 16
G = 128

NC = 2
NS = 16
NW = NC * NS
EH = E
EPW = EH // NW
C = 80
NCH = EPW // C
RPT = 624
TAIL = N - NS * RPT

EB = 8000
NEB = EH // EB
NB = 2000
NNB = N // NB


def _lrelu(v):
    return jnp.where(v >= 0, v, 0.01 * v)


def _tc0_body(x_ref, wnT, bn, we1aT, be1, w2a, be2, hv_ref, xw1p_ref, sn_ref):
    x = x_ref[...]
    hv = _lrelu(jnp.dot(x, wnT[...], preferred_element_type=jnp.float32) + bn[...])
    hv_ref[...] = hv
    xw1p_ref[...] = jnp.dot(x, we1aT[...], preferred_element_type=jnp.float32) + be1[...]
    sn_ref[...] = jnp.dot(hv, w2a[...], preferred_element_type=jnp.float32) + be2[...]


def _tc0(x, wnT, bn2, we1aT, be12, w2a, be22):
    return pl.pallas_call(
        _tc0_body,
        out_shape=(
            jax.ShapeDtypeStruct((N, G), jnp.float32),
            jax.ShapeDtypeStruct((N, G), jnp.float32),
            jax.ShapeDtypeStruct((N, 1), jnp.float32),
        ),
    )(x, wnT, bn2, we1aT, be12, w2a, be22)


_MESH = plsc.VectorSubcoreMesh(core_axis_name="c", subcore_axis_name="s")


@functools.partial(
    pl.kernel,
    mesh=_MESH,
    out_type=[
        jax.ShapeDtypeStruct((EH, G), jnp.float32),
        jax.ShapeDtypeStruct((NW, NCH, C), jnp.float32),
    ],
    scratch_types=[
        pltpu.VMEM((NCH, C), jnp.int32),
        pltpu.VMEM((NCH, C), jnp.int32),
        pltpu.VMEM((C, G), jnp.float32),
        pltpu.VMEM((C, G), jnp.float32),
        pltpu.VMEM((C, G), jnp.float32),
        pltpu.VMEM((C, G), jnp.float32),
        pltpu.VMEM((C, G), jnp.float32),
        pltpu.VMEM((NCH, C), jnp.float32),
        pltpu.SemaphoreType.DMA,
        pltpu.SemaphoreType.DMA,
        pltpu.SemaphoreType.DMA,
        pltpu.SemaphoreType.DMA,
        pltpu.SemaphoreType.DMA,
        pltpu.SemaphoreType.DMA,
        pltpu.SemaphoreType.DMA,
        pltpu.SemaphoreType.DMA,
        pltpu.SemaphoreType.DMA,
        pltpu.SemaphoreType.DMA,
        pltpu.SemaphoreType.DMA,
    ],
)
def _sc1(xw1p_hbm, snode_hbm, src_hbm, dst_hbm, g1_hbm, sdst_hbm,
         idxs_v, idxd_v, rows0, rows1, rows2, rows3, rows4, svals,
         gs0, gs1, gs2, gs3, gs4, ws0, ws1, ws2, ws3, ws4, ssem):
    w = lax.axis_index("s") * NC + lax.axis_index("c")
    pltpu.sync_copy(src_hbm.at[w], idxs_v)
    pltpu.sync_copy(dst_hbm.at[w], idxd_v)

    base = w * EPW
    rows = (rows0, rows1, rows2, rows3, rows4)
    gss = (gs0, gs1, gs2, gs3, gs4)
    wss = (ws0, ws1, ws2, ws3, ws4)

    def g_start(j, b):
        pltpu.async_copy(xw1p_hbm.at[idxs_v.at[j]], rows[b], gss[b])

    def g_wait(b):
        pltpu.make_async_copy(xw1p_hbm.at[idxs_v.at[0]], rows[b], gss[b]).wait()

    def w_start(j, b):
        pltpu.async_copy(rows[b], g1_hbm.at[pl.ds(base + j * C, C)], wss[b])

    def w_wait(b):
        pltpu.make_async_copy(rows[b], g1_hbm.at[pl.ds(base, C)], wss[b]).wait()

    def s_start(j):
        pltpu.async_copy(snode_hbm.at[idxd_v.at[j]], svals.at[j], ssem)

    def s_wait():
        pltpu.make_async_copy(snode_hbm.at[idxd_v.at[0]], svals.at[0], ssem).wait()

    for b in range(5):
        g_start(b, b)

    def body(i, carry):
        j = 5 * i
        for b in range(5):
            s_start(j + b)
        for b in range(5):
            g_wait(b)
            w_start(j + b, b)
        for b in range(5):
            w_wait(b)
            g_start(j + 5 + b, b)
        for b in range(5):
            s_wait()
        return carry

    lax.fori_loop(0, NCH // 5 - 1, body, 0)
    j = NCH - 5
    for b in range(5):
        s_start(j + b)
    for b in range(5):
        g_wait(b)
        w_start(j + b, b)
    for b in range(5):
        w_wait(b)
    for b in range(5):
        s_wait()
    pltpu.sync_copy(svals, sdst_hbm.at[w])


def _tc1_body(g1_ref, ea_ref, sd_ref, we1bT, w2bc, hx_ref, ex_ref):
    z = g1_ref[...] + jnp.dot(ea_ref[...], we1bT[...],
                              preferred_element_type=jnp.float32)
    h = _lrelu(z)
    t = jnp.dot(h, w2bc[...], preferred_element_type=jnp.float32)[:, 0] \
        + sd_ref[0, 0, :]
    ex = jnp.exp(_lrelu(t))
    hx_ref[...] = h * ex[:, None]
    ex_ref[0, 0, :] = ex


def _tc1(g1, ea, sd2, we1bT, w2b):
    return pl.pallas_call(
        _tc1_body,
        grid=(NEB,),
        in_specs=[
            pl.BlockSpec((EB, G), lambda i: (i, 0)),
            pl.BlockSpec((EB, DE), lambda i: (i, 0)),
            pl.BlockSpec((1, 1, EB), lambda i: (i, 0, 0)),
            pl.BlockSpec((DE, G), lambda i: (0, 0)),
            pl.BlockSpec((G, 1), lambda i: (0, 0)),
        ],
        out_specs=[
            pl.BlockSpec((EB, G), lambda i: (i, 0)),
            pl.BlockSpec((1, 1, EB), lambda i: (i, 0, 0)),
        ],
        out_shape=(
            jax.ShapeDtypeStruct((EH, G), jnp.float32),
            jax.ShapeDtypeStruct((NEB, 1, EB), jnp.float32),
        ),
    )(g1, ea, sd2, we1bT, w2b)


@functools.partial(
    pl.kernel,
    mesh=_MESH,
    out_type=[
        jax.ShapeDtypeStruct((NC, N, G), jnp.float32),
        jax.ShapeDtypeStruct((N,), jnp.float32),
        jax.ShapeDtypeStruct((N,), jnp.float32),
    ],
    scratch_types=[
        pltpu.VMEM((NCH, C), jnp.int32),
        pltpu.VMEM((1, C), jnp.float32),
        pltpu.VMEM((1, C), jnp.float32),
        pltpu.VMEM((1, C), jnp.float32),
        pltpu.VMEM((C, G), jnp.float32),
        pltpu.VMEM((C, G), jnp.float32),
        pltpu.VMEM((C, G), jnp.float32),
        pltpu.VMEM_SHARED((N, G), jnp.float32),
        pltpu.VMEM_SHARED((N,), jnp.float32),
        pltpu.SemaphoreType.DMA,
        pltpu.SemaphoreType.DMA,
        pltpu.SemaphoreType.DMA,
    ],
)
def _sc2(hx_hbm, ex_hbm, dst_hbm, zc_hbm, zs_hbm, cpart_hbm, s0_hbm, s1_hbm,
         idxd_v, exr0, exr1, exr2, rows0, rows1, rows2, cacc, sacc,
         rs0, rs1, rs2):
    c = lax.axis_index("c")
    s = lax.axis_index("s")
    w = s * NC + c
    pltpu.sync_copy(zc_hbm.at[pl.ds(s * RPT, RPT)], cacc.at[pl.ds(s * RPT, RPT)])

    @pl.when(s == NS - 1)
    def _zero_tail():
        pltpu.sync_copy(zc_hbm.at[pl.ds(NS * RPT, TAIL)],
                        cacc.at[pl.ds(NS * RPT, TAIL)])

    @pl.when(s == 0)
    def _zero_s():
        pltpu.sync_copy(zs_hbm, sacc)

    plsc.subcore_barrier()

    pltpu.sync_copy(dst_hbm.at[w], idxd_v)
    base = w * EPW
    wch = w * NCH
    rows = (rows0, rows1, rows2)
    exrs = (exr0, exr1, exr2)
    rss = (rs0, rs1, rs2)

    def r_start(j, b):
        pltpu.async_copy(hx_hbm.at[pl.ds(base + j * C, C)], rows[b], rss[b])
        pltpu.async_copy(ex_hbm.at[wch + j], exrs[b], rss[b])

    def r_wait(b):
        pltpu.make_async_copy(hx_hbm.at[pl.ds(base, C)], rows[b], rss[b]).wait()
        pltpu.make_async_copy(ex_hbm.at[wch], exrs[b], rss[b]).wait()

    def scat(j, b):
        pltpu.sync_copy(rows[b], cacc.at[idxd_v.at[j]], add=True)
        pltpu.sync_copy(exrs[b].at[0], sacc.at[idxd_v.at[j]], add=True)

    for b in range(3):
        r_start(b, b)

    def body(i, carry):
        j = 3 * i
        for b in range(3):
            r_wait(b)
            scat(j + b, b)
            r_start(j + 3 + b, b)
        return carry

    lax.fori_loop(0, NCH // 3 - 1, body, 0)
    j = NCH - 5
    r_wait(0)
    scat(j, 0)
    r_start(j + 3, 0)
    r_wait(1)
    scat(j + 1, 1)
    r_start(j + 4, 1)
    r_wait(2)
    scat(j + 2, 2)
    r_wait(0)
    scat(j + 3, 0)
    r_wait(1)
    scat(j + 4, 1)
    plsc.subcore_barrier()
    pltpu.sync_copy(cacc.at[pl.ds(s * RPT, RPT)],
                    cpart_hbm.at[c].at[pl.ds(s * RPT, RPT)])

    @pl.when(s == NS - 1)
    def _out_tail():
        pltpu.sync_copy(cacc.at[pl.ds(NS * RPT, TAIL)],
                        cpart_hbm.at[c].at[pl.ds(NS * RPT, TAIL)])

    @pl.when(jnp.logical_and(s == 0, c == 0))
    def _out_s0():
        pltpu.sync_copy(sacc, s0_hbm)

    @pl.when(jnp.logical_and(s == 0, c == 1))
    def _out_s1():
        pltpu.sync_copy(sacc, s1_hbm)


def _tc2_body(cp_ref, sp_ref, hv_ref, wtT, bt2, wihT, bih2, whhT, bhh2, out_ref):
    cs = cp_ref[0] + cp_ref[1]
    sv = sp_ref[0, :, 0] + sp_ref[1, :, 0]
    inv = 1.0 / (sv + 1e-16)
    cmean = cs * inv[:, None]
    cfull = jnp.dot(cmean, wtT[...], preferred_element_type=jnp.float32) \
        + (sv * inv)[:, None] * bt2[...]
    ctx = jnp.where(cfull > 0, cfull, jnp.exp(cfull) - 1.0)
    hv = hv_ref[...]
    gi = jnp.dot(ctx, wihT[...], preferred_element_type=jnp.float32) + bih2[...]
    gh = jnp.dot(hv, whhT[...], preferred_element_type=jnp.float32) + bhh2[...]
    r = jax.nn.sigmoid(gi[:, :G] + gh[:, :G])
    zz = jax.nn.sigmoid(gi[:, G:2 * G] + gh[:, G:2 * G])
    nn = jnp.tanh(gi[:, 2 * G:] + r * gh[:, 2 * G:])
    out_ref[...] = jnp.maximum((1.0 - zz) * nn + zz * hv, 0.0)


def _tc2(cpa, sp3, hv, wtT, bt2, wihT, bih2, whhT, bhh2):
    return pl.pallas_call(
        _tc2_body,
        grid=(NNB,),
        in_specs=[
            pl.BlockSpec((NC, NB, G), lambda i: (0, i, 0)),
            pl.BlockSpec((NC, NB, 1), lambda i: (0, i, 0)),
            pl.BlockSpec((NB, G), lambda i: (i, 0)),
            pl.BlockSpec((G, G), lambda i: (0, 0)),
            pl.BlockSpec((1, G), lambda i: (0, 0)),
            pl.BlockSpec((G, 3 * G), lambda i: (0, 0)),
            pl.BlockSpec((1, 3 * G), lambda i: (0, 0)),
            pl.BlockSpec((G, 3 * G), lambda i: (0, 0)),
            pl.BlockSpec((1, 3 * G), lambda i: (0, 0)),
        ],
        out_specs=pl.BlockSpec((NB, G), lambda i: (i, 0)),
        out_shape=jax.ShapeDtypeStruct((N, G), jnp.float32),
    )(cpa, sp3, hv, wtT, bt2, wihT, bih2, whhT, bhh2)


def kernel(x, edge_index, edge_attr, Wn, bn, We1, be1, We2, be2, Wt, bt,
           Wih, bih, Whh, bhh):
    src = edge_index[0]
    dst = edge_index[1]
    wnT = Wn.T
    we1aT = We1[:, :DN].T
    we1bT = We1[:, DN:].T
    w2a = We2[0, :G].reshape(G, 1)
    w2b = We2[0, G:].reshape(G, 1)

    hv, xw1p, snode = _tc0(x, wnT, bn.reshape(1, G), we1aT, be1.reshape(1, G),
                           w2a, be2.reshape(1, 1))

    sn1 = snode.reshape(N)
    zc = jnp.zeros((N, G), jnp.float32)
    zs = jnp.zeros((N,), jnp.float32)

    src2 = src.reshape(NW, NCH, C)
    dst2 = dst.reshape(NW, NCH, C)

    g1, sdst = _sc1(xw1p, sn1, src2, dst2)
    hx, ex3 = _tc1(g1, edge_attr, sdst.reshape(NEB, 1, EB), we1bT, w2b)
    cpart, s0, s1 = _sc2(hx, ex3.reshape(NW * NCH, 1, C), dst2, zc, zs)
    spart = jnp.stack([s0, s1]).reshape(NC, N, 1)

    return _tc2(cpart, spart, hv, Wt.T, bt.reshape(1, G),
                Wih.T, bih.reshape(1, 3 * G), Whh.T, bhh.reshape(1, 3 * G))

# --- scband reference (transcript-rebuilt; emitter-appended) ---
"""Pipeline reference for scband-get-context-11287174053943 (READ-ONLY COPY).

The authoritative reference and input builder live on the scoring server;
editing this copy changes nothing except your own understanding.
"""

import jax, jax.numpy as jnp
import numpy as np

N = 10000
E = 320000
D_NODE = 128
D_EDGE = 16
G = 128

def _lin_init(key, fan_in, fan_out):
    k1, k2 = jax.random.split(key)
    bound = 1.0 / np.sqrt(fan_in)
    W = jax.random.uniform(k1, (fan_out, fan_in), minval=-bound, maxval=bound, dtype=jnp.float32)
    b = jax.random.uniform(k2, (fan_out,), minval=-bound, maxval=bound, dtype=jnp.float32)
    return W, b

def setup_inputs(seed: int = 0):
    key = jax.random.key(seed)
    ks = jax.random.split(key, 10)
    x = jax.random.normal(ks[0], (N, D_NODE), dtype=jnp.float32)
    edge_index = jax.random.randint(ks[1], (2, E), 0, N, dtype=jnp.int32)
    edge_attr = jax.random.normal(ks[2], (E, D_EDGE), dtype=jnp.float32)
    Wn, bn = _lin_init(ks[3], D_NODE, G)
    We1, be1 = _lin_init(ks[4], D_NODE + D_EDGE, G)
    We2, be2 = _lin_init(ks[5], 2 * G, 1)
    Wt, bt = _lin_init(ks[6], G, G)
    Wih, bih = _lin_init(ks[7], G, 3 * G)
    Whh, bhh = _lin_init(ks[8], G, 3 * G)
    return {"x": x, "edge_index": edge_index, "edge_attr": edge_attr,
            "Wn": Wn, "bn": bn, "We1": We1, "be1": be1, "We2": We2, "be2": be2,
            "Wt": Wt, "bt": bt, "Wih": Wih, "bih": bih, "Whh": Whh, "bhh": bhh}

def _edge_softmax(logits, dst, num_nodes):
    # softmax over edges grouped by destination node (DGL edge_softmax semantics)
    m = jax.ops.segment_max(logits, dst, num_segments=num_nodes)
    m = jnp.where(jnp.isfinite(m), m, 0.0)
    ex = jnp.exp(logits - m[dst])
    s = jax.ops.segment_sum(ex, dst, num_segments=num_nodes)
    return ex / (s[dst] + 1e-16)

def _gru_cell(xg, h, Wih, bih, Whh, bhh):
    # PyTorch nn.GRUCell math
    gi = xg @ Wih.T + bih
    gh = h @ Whh.T + bhh
    ir, iz, i_n = jnp.split(gi, 3, axis=-1)
    hr, hz, h_n = jnp.split(gh, 3, axis=-1)
    r = jax.nn.sigmoid(ir + hr)
    z = jax.nn.sigmoid(iz + hz)
    n = jnp.tanh(i_n + r * h_n)
    return (1.0 - z) * n + z * h

def reference(x, edge_index, edge_attr, Wn, bn, We1, be1, We2, be2, Wt, bt, Wih, bih, Whh, bhh):
    src = edge_index[0]
    dst = edge_index[1]
    # GetContext.forward (dropout=0.0 so Dropout layers are identity)
    hv_new = jax.nn.leaky_relu(x @ Wn.T + bn)                         # project_node
    he1_in = jnp.concatenate([x[src], edge_attr], axis=1)             # apply_edges1: [src hv, he]
    he1 = jax.nn.leaky_relu(he1_in @ We1.T + be1)                     # project_edge1
    he2_in = jnp.concatenate([hv_new[dst], he1], axis=1)              # apply_edges2: [dst hv_new, he1]
    logits = jax.nn.leaky_relu(he2_in @ We2.T + be2)[:, 0]            # project_edge2
    # AttentiveGRU1
    a = _edge_softmax(logits, dst, N)
    et = he1 @ Wt.T + bt                                              # edge_transform
    e = a[:, None] * et
    c = jax.ops.segment_sum(e, dst, num_segments=N)                   # update_all copy_e + sum
    context = jax.nn.elu(c)
    return jax.nn.relu(_gru_cell(context, hv_new, Wih, bih, Whh, bhh))

if __name__ == "__main__":
    import jax
    _d = setup_inputs()
    print(jax.jit(kernel)(*tuple(_d.values())))

</pallas_src>

<mosaic_0001>
#map = affine_map<(d0, d1) -> (0, 0)>
#map1 = affine_map<(d0, d1) -> (0, 0, 0)>
#map2 = affine_map<(d0, d1) -> (0)>
module attributes {stable_mosaic.version = 14 : i64} {
  func.func @_sc2(%arg0: i32, %arg1: i32, %arg2: memref<320000x128xf32, #tpu.memory_space<hbm>>, %arg3: memref<4000x1x80xf32, #tpu.memory_space<hbm>>, %arg4: memref<32x125x80xi32, #tpu.memory_space<hbm>>, %arg5: memref<10000x128xf32, #tpu.memory_space<hbm>>, %arg6: memref<10000xf32, #tpu.memory_space<hbm>>, %arg7: memref<2x10000x128xf32, #tpu.memory_space<hbm>>, %arg8: memref<10000xf32, #tpu.memory_space<hbm>>, %arg9: memref<10000xf32, #tpu.memory_space<hbm>>, %arg10: memref<125x80xi32, #tpu.memory_space<vmem>>, %arg11: memref<1x80xf32, #tpu.memory_space<vmem>>, %arg12: memref<1x80xf32, #tpu.memory_space<vmem>>, %arg13: memref<1x80xf32, #tpu.memory_space<vmem>>, %arg14: memref<80x128xf32, #tpu.memory_space<vmem>>, %arg15: memref<80x128xf32, #tpu.memory_space<vmem>>, %arg16: memref<80x128xf32, #tpu.memory_space<vmem>>, %arg17: memref<10000x128xf32, #tpu.memory_space<vmem_shared>>, %arg18: memref<10000xf32, #tpu.memory_space<vmem_shared>>, %arg19: memref<!tpu.dma_semaphore, #tpu.memory_space<semaphore_mem>>, %arg20: memref<!tpu.dma_semaphore, #tpu.memory_space<semaphore_mem>>, %arg21: memref<!tpu.dma_semaphore, #tpu.memory_space<semaphore_mem>>) attributes {dimension_semantics = [#tpu.dimension_semantics<core_parallel>, #tpu.dimension_semantics<subcore_parallel>], iteration_bounds = array<i64: 2, 16>, scalar_prefetch = 0 : i64, scratch_operands = 12 : i64, tpu.core_type = #tpu.core_type<sc_vector_subcore>, window_params = [{transform_indices = #map}, {transform_indices = #map1}, {transform_indices = #map1}, {transform_indices = #map}, {transform_indices = #map2}, {transform_indices = #map1}, {transform_indices = #map2}, {transform_indices = #map2}]} {
    %mul3A = arith.constant 2 : i32
    %mul3A_0 = arith.muli %arg1, %mul3A : i32
    %add3A = arith.addi %mul3A_0, %arg0 : i32
    %mul3A_1 = arith.constant 624 : i32
    %mul3A_2 = arith.muli %arg1, %mul3A_1 : i32
    %mul3A_3 = arith.constant 624 : i32
    %mul3A_4 = arith.muli %arg1, %mul3A_3 : i32
    "tpu.region"() ({
      %run_scoped3A_198 = tpu.sem_alloc : memref<!tpu.dma_semaphore, #tpu.memory_space<semaphore_mem>>
      %dma_start3A_199 = arith.constant 0 : i32
      %dma_start3A_200 = tpu.memref_slice %arg17[%mul3A_4, %dma_start3A_199] : memref<10000x128xf32, #tpu.memory_space<vmem_shared>> -> memref<624x128xf32, #tpu.memory_space<vmem_shared>>
      %dma_start3A_201 = arith.constant 0 : i32
      %dma_start3A_202 = tpu.memref_slice %arg5[%mul3A_2, %dma_start3A_201] : memref<10000x128xf32, #tpu.memory_space<hbm>> -> memref<624x128xf32, #tpu.memory_space<hbm>>
      tpu.enqueue_dma source(%dma_start3A_202 : memref<624x128xf32, #tpu.memory_space<hbm>>) target(%dma_start3A_200 : memref<624x128xf32, #tpu.memory_space<vmem_shared>>) target_semaphore(%run_scoped3A_198 : memref<!tpu.dma_semaphore, #tpu.memory_space<semaphore_mem>>)
      %dma_wait3A_203 = arith.constant 0 : i32
      %dma_wait3A_204 = tpu.memref_slice %arg17[%mul3A_4, %dma_wait3A_203] : memref<10000x128xf32, #tpu.memory_space<vmem_shared>> -> memref<624x128xf32, #tpu.memory_space<vmem_shared>>
      %dma_wait3A_205 = arith.constant 0 : i32
      %dma_wait3A_206 = tpu.memref_slice %arg5[%mul3A_2, %dma_wait3A_205] : memref<10000x128xf32, #tpu.memory_space<hbm>> -> memref<624x128xf32, #tpu.memory_space<hbm>>
      tpu.wait_dma2 semaphore(%run_scoped3A_198 : memref<!tpu.dma_semaphore, #tpu.memory_space<semaphore_mem>>) src(%dma_wait3A_206 : memref<624x128xf32, #tpu.memory_space<hbm>>) dst(%dma_wait3A_204 : memref<624x128xf32, #tpu.memory_space<vmem_shared>>)
      tpu.yield
    }) : () -> ()
    %eq3A = arith.constant 15 : i32
    %eq3A_5 = arith.cmpi eq, %arg1, %eq3A : i32
    %convert_element_type3A = arith.extui %eq3A_5 : i1 to i32
    %cond3A = arith.constant 0 : i32
    %cond3A_6 = arith.cmpi ne, %convert_element_type3A, %cond3A : i32
    scf.if %cond3A_6 {
      "tpu.region"() ({
        %run_scoped3A_198 = tpu.sem_alloc : memref<!tpu.dma_semaphore, #tpu.memory_space<semaphore_mem>>
        %dma_start3A_199 = arith.constant 9984 : i32
        %dma_start3A_200 = arith.constant 0 : i32
        %dma_start3A_201 = tpu.memref_slice %arg17[%dma_start3A_199, %dma_start3A_200] : memref<10000x128xf32, #tpu.memory_space<vmem_shared>> -> memref<16x128xf32, #tpu.memory_space<vmem_shared>>
        %dma_start3A_202 = arith.constant 9984 : i32
        %dma_start3A_203 = arith.constant 0 : i32
        %dma_start3A_204 = tpu.memref_slice %arg5[%dma_start3A_202, %dma_start3A_203] : memref<10000x128xf32, #tpu.memory_space<hbm>> -> memref<16x128xf32, #tpu.memory_space<hbm>>
        tpu.enqueue_dma source(%dma_start3A_204 : memref<16x128xf32, #tpu.memory_space<hbm>>) target(%dma_start3A_201 : memref<16x128xf32, #tpu.memory_space<vmem_shared>>) target_semaphore(%run_scoped3A_198 : memref<!tpu.dma_semaphore, #tpu.memory_space<semaphore_mem>>)
        %dma_wait3A_205 = arith.constant 9984 : i32
        %dma_wait3A_206 = arith.constant 0 : i32
        %dma_wait3A_207 = tpu.memref_slice %arg17[%dma_wait3A_205, %dma_wait3A_206] : memref<10000x128xf32, #tpu.memory_space<vmem_shared>> -> memref<16x128xf32, #tpu.memory_space<vmem_shared>>
        %dma_wait3A_208 = arith.constant 9984 : i32
        %dma_wait3A_209 = arith.constant 0 : i32
        %dma_wait3A_210 = tpu.memref_slice %arg5[%dma_wait3A_208, %dma_wait3A_209] : memref<10000x128xf32, #tpu.memory_space<hbm>> -> memref<16x128xf32, #tpu.memory_space<hbm>>
        tpu.wait_dma2 semaphore(%run_scoped3A_198 : memref<!tpu.dma_semaphore, #tpu.memory_space<semaphore_mem>>) src(%dma_wait3A_210 : memref<16x128xf32, #tpu.memory_space<hbm>>) dst(%dma_wait3A_207 : memref<16x128xf32, #tpu.memory_space<vmem_shared>>)
        tpu.yield
      }) : () -> ()
    } else {
    }
    %eq3A_7 = arith.constant 0 : i32
    %eq3A_8 = arith.cmpi eq, %arg1, %eq3A_7 : i32
    %convert_element_type3A_9 = arith.extui %eq3A_8 : i1 to i32
    %cond3A_10 = arith.constant 0 : i32
    %cond3A_11 = arith.cmpi ne, %convert_element_type3A_9, %cond3A_10 : i32
    scf.if %cond3A_11 {
      "tpu.region"() ({
        %run_scoped3A_198 = tpu.sem_alloc : memref<!tpu.dma_semaphore, #tpu.memory_space<semaphore_mem>>
        tpu.enqueue_dma source(%arg6 : memref<10000xf32, #tpu.memory_space<hbm>>) target(%arg18 : memref<10000xf32, #tpu.memory_space<vmem_shared>>) target_semaphore(%run_scoped3A_198 : memref<!tpu.dma_semaphore, #tpu.memory_space<semaphore_mem>>)
        tpu.wait_dma2 semaphore(%run_scoped3A_198 : memref<!tpu.dma_semaphore, #tpu.memory_space<semaphore_mem>>) src(%arg6 : memref<10000xf32, #tpu.memory_space<hbm>>) dst(%arg18 : memref<10000xf32, #tpu.memory_space<vmem_shared>>)
        tpu.yield
      }) : () -> ()
    } else {
    }
    %barrier3A = arith.constant 0 : index
    tpu.barrier barrier_id(%barrier3A)
    "tpu.region"() ({
      %run_scoped3A_198 = tpu.sem_alloc : memref<!tpu.dma_semaphore, #tpu.memory_space<semaphore_mem>>
      %dma_start3A_199 = arith.constant 0 : i32
      %dma_start3A_200 = arith.constant 0 : i32
      %dma_start3A_201 = tpu.memref_slice %arg4[%add3A, %dma_start3A_199, %dma_start3A_200] : memref<32x125x80xi32, #tpu.memory_space<hbm>> -> memref<1x125x80xi32, #tpu.memory_space<hbm>>
      %dma_start3A_202 = tpu.memref_squeeze %dma_start3A_201 : memref<1x125x80xi32, #tpu.memory_space<hbm>> -> memref<125x80xi32, #tpu.memory_space<hbm>>
      %dma_start3A_203 = arith.constant 0 : i32
      %dma_start3A_204 = arith.constant 0 : i32
      %dma_start3A_205 = tpu.memref_slice %arg4[%add3A, %dma_start3A_203, %dma_start3A_204] : memref<32x125x80xi32, #tpu.memory_space<hbm>> -> memref<1x125x80xi32, #tpu.memory_space<hbm>>
      %dma_start3A_206 = tpu.memref_squeeze %dma_start3A_205 : memref<1x125x80xi32, #tpu.memory_space<hbm>> -> memref<125x80xi32, #tpu.memory_space<hbm>>
      tpu.enqueue_dma source(%dma_start3A_206 : memref<125x80xi32, #tpu.memory_space<hbm>>) target(%arg10 : memref<125x80xi32, #tpu.memory_space<vmem>>) target_semaphore(%run_scoped3A_198 : memref<!tpu.dma_semaphore, #tpu.memory_space<semaphore_mem>>)
      %dma_wait3A_207 = arith.constant 0 : i32
      %dma_wait3A_208 = arith.constant 0 : i32
      %dma_wait3A_209 = tpu.memref_slice %arg4[%add3A, %dma_wait3A_207, %dma_wait3A_208] : memref<32x125x80xi32, #tpu.memory_space<hbm>> -> memref<1x125x80xi32, #tpu.memory_space<hbm>>
      %dma_wait3A_210 = tpu.memref_squeeze %dma_wait3A_209 : memref<1x125x80xi32, #tpu.memory_space<hbm>> -> memref<125x80xi32, #tpu.memory_space<hbm>>
      %dma_wait3A_211 = arith.constant 0 : i32
      %dma_wait3A_212 = arith.constant 0 : i32
      %dma_wait3A_213 = tpu.memref_slice %arg4[%add3A, %dma_wait3A_211, %dma_wait3A_212] : memref<32x125x80xi32, #tpu.memory_space<hbm>> -> memref<1x125x80xi32, #tpu.memory_space<hbm>>
      %dma_wait3A_214 = tpu.memref_squeeze %dma_wait3A_213 : memref<1x125x80xi32, #tpu.memory_space<hbm>> -> memref<125x80xi32, #tpu.memory_space<hbm>>
      tpu.wait_dma2 semaphore(%run_scoped3A_198 : memref<!tpu.dma_semaphore, #tpu.memory_space<semaphore_mem>>) src(%dma_wait3A_214 : memref<125x80xi32, #tpu.memory_space<hbm>>) dst(%arg10 : memref<125x80xi32, #tpu.memory_space<vmem>>)
      tpu.yield
    }) : () -> ()
    %mul3A_12 = arith.constant 10000 : i32
    %mul3A_13 = arith.muli %add3A, %mul3A_12 : i32
    %mul3A_14 = arith.constant 125 : i32
    %mul3A_15 = arith.muli %add3A, %mul3A_14 : i32
    %add3A_16 = arith.constant 0 : i32
    %add3A_17 = arith.addi %mul3A_13, %add3A_16 : i32
    %dma_start3A = arith.constant 0 : i32
    %dma_start3A_18 = tpu.memref_slice %arg2[%add3A_17, %dma_start3A] : memref<320000x128xf32, #tpu.memory_space<hbm>> -> memref<80x128xf32, #tpu.memory_space<hbm>>
    %dma_start3A_19 = arith.constant 0 : i32
    %dma_start3A_20 = tpu.memref_slice %arg2[%add3A_17, %dma_start3A_19] : memref<320000x128xf32, #tpu.memory_space<hbm>> -> memref<80x128xf32, #tpu.memory_space<hbm>>
    tpu.enqueue_dma source(%dma_start3A_20 : memref<80x128xf32, #tpu.memory_space<hbm>>) target(%arg14 : memref<80x128xf32, #tpu.memory_space<vmem>>) target_semaphore(%arg19 : memref<!tpu.dma_semaphore, #tpu.memory_space<semaphore_mem>>)
    %add3A_21 = arith.constant 0 : i32
    %add3A_22 = arith.addi %mul3A_15, %add3A_21 : i32
    %dma_start3A_23 = arith.constant 0 : i32
    %dma_start3A_24 = arith.constant 0 : i32
    %dma_start3A_25 = tpu.memref_slice %arg3[%add3A_22, %dma_start3A_23, %dma_start3A_24] : memref<4000x1x80xf32, #tpu.memory_space<hbm>> -> memref<1x1x80xf32, #tpu.memory_space<hbm>>
    %dma_start3A_26 = tpu.memref_squeeze %dma_start3A_25 : memref<1x1x80xf32, #tpu.memory_space<hbm>> -> memref<1x80xf32, #tpu.memory_space<hbm>>
    %dma_start3A_27 = arith.constant 0 : i32
    %dma_start3A_28 = arith.constant 0 : i32
    %dma_start3A_29 = tpu.memref_slice %arg3[%add3A_22, %dma_start3A_27, %dma_start3A_28] : memref<4000x1x80xf32, #tpu.memory_space<hbm>> -> memref<1x1x80xf32, #tpu.memory_space<hbm>>
    %dma_start3A_30 = tpu.memref_squeeze %dma_start3A_29 : memref<1x1x80xf32, #tpu.memory_space<hbm>> -> memref<1x80xf32, #tpu.memory_space<hbm>>
    tpu.enqueue_dma source(%dma_start3A_30 : memref<1x80xf32, #tpu.memory_space<hbm>>) target(%arg11 : memref<1x80xf32, #tpu.memory_space<vmem>>) target_semaphore(%arg19 : memref<!tpu.dma_semaphore, #tpu.memory_space<semaphore_mem>>)
    %add3A_31 = arith.constant 80 : i32
    %add3A_32 = arith.addi %mul3A_13, %add3A_31 : i32
    %dma_start3A_33 = arith.constant 0 : i32
    %dma_start3A_34 = tpu.memref_slice %arg2[%add3A_32, %dma_start3A_33] : memref<320000x128xf32, #tpu.memory_space<hbm>> -> memref<80x128xf32, #tpu.memory_space<hbm>>
    %dma_start3A_35 = arith.constant 0 : i32
    %dma_start3A_36 = tpu.memref_slice %arg2[%add3A_32, %dma_start3A_35] : memref<320000x128xf32, #tpu.memory_space<hbm>> -> memref<80x128xf32, #tpu.memory_space<hbm>>
    tpu.enqueue_dma source(%dma_start3A_36 : memref<80x128xf32, #tpu.memory_space<hbm>>) target(%arg15 : memref<80x128xf32, #tpu.memory_space<vmem>>) target_semaphore(%arg20 : memref<!tpu.dma_semaphore, #tpu.memory_space<semaphore_mem>>)
    %add3A_37 = arith.constant 1 : i32
    %add3A_38 = arith.addi %mul3A_15, %add3A_37 : i32
    %dma_start3A_39 = arith.constant 0 : i32
    %dma_start3A_40 = arith.constant 0 : i32
    %dma_start3A_41 = tpu.memref_slice %arg3[%add3A_38, %dma_start3A_39, %dma_start3A_40] : memref<4000x1x80xf32, #tpu.memory_space<hbm>> -> memref<1x1x80xf32, #tpu.memory_space<hbm>>
    %dma_start3A_42 = tpu.memref_squeeze %dma_start3A_41 : memref<1x1x80xf32, #tpu.memory_space<hbm>> -> memref<1x80xf32, #tpu.memory_space<hbm>>
    %dma_start3A_43 = arith.constant 0 : i32
    %dma_start3A_44 = arith.constant 0 : i32
    %dma_start3A_45 = tpu.memref_slice %arg3[%add3A_38, %dma_start3A_43, %dma_start3A_44] : memref<4000x1x80xf32, #tpu.memory_space<hbm>> -> memref<1x1x80xf32, #tpu.memory_space<hbm>>
    %dma_start3A_46 = tpu.memref_squeeze %dma_start3A_45 : memref<1x1x80xf32, #tpu.memory_space<hbm>> -> memref<1x80xf32, #tpu.memory_space<hbm>>
    tpu.enqueue_dma source(%dma_start3A_46 : memref<1x80xf32, #tpu.memory_space<hbm>>) target(%arg12 : memref<1x80xf32, #tpu.memory_space<vmem>>) target_semaphore(%arg20 : memref<!tpu.dma_semaphore, #tpu.memory_space<semaphore_mem>>)
    %add3A_47 = arith.constant 160 : i32
    %add3A_48 = arith.addi %mul3A_13, %add3A_47 : i32
    %dma_start3A_49 = arith.constant 0 : i32
    %dma_start3A_50 = tpu.memref_slice %arg2[%add3A_48, %dma_start3A_49] : memref<320000x128xf32, #tpu.memory_space<hbm>> -> memref<80x128xf32, #tpu.memory_space<hbm>>
    %dma_start3A_51 = arith.constant 0 : i32
    %dma_start3A_52 = tpu.memref_slice %arg2[%add3A_48, %dma_start3A_51] : memref<320000x128xf32, #tpu.memory_space<hbm>> -> memref<80x128xf32, #tpu.memory_space<hbm>>
    tpu.enqueue_dma source(%dma_start3A_52 : memref<80x128xf32, #tpu.memory_space<hbm>>) target(%arg16 : memref<80x128xf32, #tpu.memory_space<vmem>>) target_semaphore(%arg21 : memref<!tpu.dma_semaphore, #tpu.memory_space<semaphore_mem>>)
    %add3A_53 = arith.constant 2 : i32
    %add3A_54 = arith.addi %mul3A_15, %add3A_53 : i32
    %dma_start3A_55 = arith.constant 0 : i32
    %dma_start3A_56 = arith.constant 0 : i32
    %dma_start3A_57 = tpu.memref_slice %arg3[%add3A_54, %dma_start3A_55, %dma_start3A_56] : memref<4000x1x80xf32, #tpu.memory_space<hbm>> -> memref<1x1x80xf32, #tpu.memory_space<hbm>>
    %dma_start3A_58 = tpu.memref_squeeze %dma_start3A_57 : memref<1x1x80xf32, #tpu.memory_space<hbm>> -> memref<1x80xf32, #tpu.memory_space<hbm>>
    %dma_start3A_59 = arith.constant 0 : i32
    %dma_start3A_60 = arith.constant 0 : i32
    %dma_start3A_61 = tpu.memref_slice %arg3[%add3A_54, %dma_start3A_59, %dma_start3A_60] : memref<4000x1x80xf32, #tpu.memory_space<hbm>> -> memref<1x1x80xf32, #tpu.memory_space<hbm>>
    %dma_start3A_62 = tpu.memref_squeeze %dma_start3A_61 : memref<1x1x80xf32, #tpu.memory_space<hbm>> -> memref<1x80xf32, #tpu.memory_space<hbm>>
    tpu.enqueue_dma source(%dma_start3A_62 : memref<1x80xf32, #tpu.memory_space<hbm>>) target(%arg13 : memref<1x80xf32, #tpu.memory_space<vmem>>) target_semaphore(%arg21 : memref<!tpu.dma_semaphore, #tpu.memory_space<semaphore_mem>>)
    %scan3A = arith.constant 0 : i32
    %scan3A_63 = arith.constant 0 : i32
    %scan3A_64 = arith.constant 40 : i32
    %scan3A_65 = arith.addi %scan3A_63, %scan3A_64 : i32
    %scan3A_66 = arith.constant 1 : i32
    scf.for %scan3A_198 = %scan3A_63 to %scan3A_65 step %scan3A_66  : i32 {
      %mul3A_199 = arith.constant 3 : i32
      %mul3A_200 = arith.muli %mul3A_199, %scan3A_198 : i32
      %dma_wait3A_201 = arith.constant 0 : i32
      %dma_wait3A_202 = tpu.memref_slice %arg2[%mul3A_13, %dma_wait3A_201] : memref<320000x128xf32, #tpu.memory_space<hbm>> -> memref<80x128xf32, #tpu.memory_space<hbm>>
      %dma_wait3A_203 = arith.constant 0 : i32
      %dma_wait3A_204 = tpu.memref_slice %arg2[%mul3A_13, %dma_wait3A_203] : memref<320000x128xf32, #tpu.memory_space<hbm>> -> memref<80x128xf32, #tpu.memory_space<hbm>>
      tpu.wait_dma2 semaphore(%arg19 : memref<!tpu.dma_semaphore, #tpu.memory_space<semaphore_mem>>) src(%dma_wait3A_204 : memref<80x128xf32, #tpu.memory_space<hbm>>) dst(%arg14 : memref<80x128xf32, #tpu.memory_space<vmem>>)
      %dma_wait3A_205 = arith.constant 0 : i32
      %dma_wait3A_206 = arith.constant 0 : i32
      %dma_wait3A_207 = tpu.memref_slice %arg3[%mul3A_15, %dma_wait3A_205, %dma_wait3A_206] : memref<4000x1x80xf32, #tpu.memory_space<hbm>> -> memref<1x1x80xf32, #tpu.memory_space<hbm>>
      %dma_wait3A_208 = tpu.memref_squeeze %dma_wait3A_207 : memref<1x1x80xf32, #tpu.memory_space<hbm>> -> memref<1x80xf32, #tpu.memory_space<hbm>>
      %dma_wait3A_209 = arith.constant 0 : i32
      %dma_wait3A_210 = arith.constant 0 : i32
      %dma_wait3A_211 = tpu.memref_slice %arg3[%mul3A_15, %dma_wait3A_209, %dma_wait3A_210] : memref<4000x1x80xf32, #tpu.memory_space<hbm>> -> memref<1x1x80xf32, #tpu.memory_space<hbm>>
      %dma_wait3A_212 = tpu.memref_squeeze %dma_wait3A_211 : memref<1x1x80xf32, #tpu.memory_space<hbm>> -> memref<1x80xf32, #tpu.memory_space<hbm>>
      tpu.wait_dma2 semaphore(%arg19 : memref<!tpu.dma_semaphore, #tpu.memory_space<semaphore_mem>>) src(%dma_wait3A_212 : memref<1x80xf32, #tpu.memory_space<hbm>>) dst(%arg11 : memref<1x80xf32, #tpu.memory_space<vmem>>)
      %add3A_213 = arith.constant 0 : i32
      %add3A_214 = arith.addi %mul3A_200, %add3A_213 : i32
      "tpu.region"() ({
        %run_scoped3A_306 = tpu.sem_alloc : memref<!tpu.dma_semaphore, #tpu.memory_space<semaphore_mem>>
        %dma_start3A_307 = arith.constant 0 : i32
        %dma_start3A_308 = tpu.memref_slice %arg10[%add3A_214, %dma_start3A_307] : memref<125x80xi32, #tpu.memory_space<vmem>> -> memref<1x80xi32, #tpu.memory_space<vmem>>
        %dma_start3A_309 = tpu.memref_squeeze %dma_start3A_308 : memref<1x80xi32, #tpu.memory_space<vmem>> -> memref<80xi32, #tpu.memory_space<vmem>>
        %dma_start3A_310 = arith.constant 0 : i32
        %dma_start3A_311 = arith.constant 0 : i32
        %dma_start3A_312 = tpu.memref_slice %arg17[%dma_start3A_310, %dma_start3A_311] : memref<10000x128xf32, #tpu.memory_space<vmem_shared>> -> memref<10000x128xf32, #tpu.memory_space<vmem_shared>>
        tpu.enqueue_indirect_dma source(%arg14 : memref<80x128xf32, #tpu.memory_space<vmem>>) target(%dma_start3A_312 : memref<10000x128xf32, #tpu.memory_space<vmem_shared>>) offsets(%dma_start3A_309 : memref<80xi32, #tpu.memory_space<vmem>>) semaphore(%run_scoped3A_306 : memref<!tpu.dma_semaphore, #tpu.memory_space<semaphore_mem>>) {add = true}
        %dma_wait3A_313 = arith.constant 0 : i32
        %dma_wait3A_314 = tpu.memref_slice %arg10[%add3A_214, %dma_wait3A_313] : memref<125x80xi32, #tpu.memory_space<vmem>> -> memref<1x80xi32, #tpu.memory_space<vmem>>
        %dma_wait3A_315 = tpu.memref_squeeze %dma_wait3A_314 : memref<1x80xi32, #tpu.memory_space<vmem>> -> memref<80xi32, #tpu.memory_space<vmem>>
        %dma_wait3A_316 = arith.constant 0 : i32
        %dma_wait3A_317 = arith.constant 0 : i32
        %dma_wait3A_318 = tpu.memref_slice %arg17[%dma_wait3A_316, %dma_wait3A_317] : memref<10000x128xf32, #tpu.memory_space<vmem_shared>> -> memref<10000x128xf32, #tpu.memory_space<vmem_shared>>
        tpu.wait_indirect_dma semaphore(%run_scoped3A_306 : memref<!tpu.dma_semaphore, #tpu.memory_space<semaphore_mem>>) src(%arg14 : memref<80x128xf32, #tpu.memory_space<vmem>>) dst(%dma_wait3A_318 : memref<10000x128xf32, #tpu.memory_space<vmem_shared>>)
        tpu.yield
      }) : () -> ()
      %run_scoped3A_215 = arith.constant 0 : i32
      "tpu.region"() ({
        %run_scoped3A_306 = tpu.sem_alloc : memref<!tpu.dma_semaphore, #tpu.memory_space<semaphore_mem>>
        %dma_start3A_307 = arith.constant 0 : i32
        %dma_start3A_308 = tpu.memref_slice %arg11[%run_scoped3A_215, %dma_start3A_307] : memref<1x80xf32, #tpu.memory_space<vmem>> -> memref<1x80xf32, #tpu.memory_space<vmem>>
        %dma_start3A_309 = tpu.memref_squeeze %dma_start3A_308 : memref<1x80xf32, #tpu.memory_space<vmem>> -> memref<80xf32, #tpu.memory_space<vmem>>
        %dma_start3A_310 = arith.constant 0 : i32
        %dma_start3A_311 = tpu.memref_slice %arg10[%add3A_214, %dma_start3A_310] : memref<125x80xi32, #tpu.memory_space<vmem>> -> memref<1x80xi32, #tpu.memory_space<vmem>>
        %dma_start3A_312 = tpu.memref_squeeze %dma_start3A_311 : memref<1x80xi32, #tpu.memory_space<vmem>> -> memref<80xi32, #tpu.memory_space<vmem>>
        %dma_start3A_313 = arith.constant 0 : i32
        %dma_start3A_314 = tpu.memref_slice %arg18[%dma_start3A_313] : memref<10000xf32, #tpu.memory_space<vmem_shared>> -> memref<10000xf32, #tpu.memory_space<vmem_shared>>
        tpu.enqueue_indirect_dma source(%dma_start3A_309 : memref<80xf32, #tpu.memory_space<vmem>>) target(%dma_start3A_314 : memref<10000xf32, #tpu.memory_space<vmem_shared>>) offsets(%dma_start3A_312 : memref<80xi32, #tpu.memory_space<vmem>>) semaphore(%run_scoped3A_306 : memref<!tpu.dma_semaphore, #tpu.memory_space<semaphore_mem>>) {add = true}
        %dma_wait3A_315 = arith.constant 0 : i32
        %dma_wait3A_316 = tpu.memref_slice %arg11[%run_scoped3A_215, %dma_wait3A_315] : memref<1x80xf32, #tpu.memory_space<vmem>> -> memref<1x80xf32, #tpu.memory_space<vmem>>
        %dma_wait3A_317 = tpu.memref_squeeze %dma_wait3A_316 : memref<1x80xf32, #tpu.memory_space<vmem>> -> memref<80xf32, #tpu.memory_space<vmem>>
        %dma_wait3A_318 = arith.constant 0 : i32
        %dma_wait3A_319 = tpu.memref_slice %arg10[%add3A_214, %dma_wait3A_318] : memref<125x80xi32, #tpu.memory_space<vmem>> -> memref<1x80xi32, #tpu.memory_space<vmem>>
        %dma_wait3A_320 = tpu.memref_squeeze %dma_wait3A_319 : memref<1x80xi32, #tpu.memory_space<vmem>> -> memref<80xi32, #tpu.memory_space<vmem>>
        %dma_wait3A_321 = arith.constant 0 : i32
        %dma_wait3A_322 = tpu.memref_slice %arg18[%dma_wait3A_321] : memref<10000xf32, #tpu.memory_space<vmem_shared>> -> memref<10000xf32, #tpu.memory_space<vmem_shared>>
        tpu.wait_indirect_dma semaphore(%run_scoped3A_306 : memref<!tpu.dma_semaphore, #tpu.memory_space<semaphore_mem>>) src(%dma_wait3A_317 : memref<80xf32, #tpu.memory_space<vmem>>) dst(%dma_wait3A_322 : memref<10000xf32, #tpu.memory_space<vmem_shared>>)
        tpu.yield
      }) : () -> ()
      %add3A_216 = arith.constant 3 : i32
      %add3A_217 = arith.addi %mul3A_200, %add3A_216 : i32
      %add3A_218 = arith.constant 0 : i32
      %add3A_219 = arith.addi %add3A_217, %add3A_218 : i32
      %mul3A_220 = arith.constant 80 : i32
      %mul3A_221 = arith.muli %add3A_219, %mul3A_220 : i32
      %add3A_222 = arith.addi %mul3A_13, %mul3A_221 : i32
      %dma_start3A_223 = arith.constant 0 : i32
      %dma_start3A_224 = tpu.memref_slice %arg2[%add3A_222, %dma_start3A_223] : memref<320000x128xf32, #tpu.memory_space<hbm>> -> memref<80x128xf32, #tpu.memory_space<hbm>>
      %dma_start3A_225 = arith.constant 0 : i32
      %dma_start3A_226 = tpu.memref_slice %arg2[%add3A_222, %dma_start3A_225] : memref<320000x128xf32, #tpu.memory_space<hbm>> -> memref<80x128xf32, #tpu.memory_space<hbm>>
      tpu.enqueue_dma source(%dma_start3A_226 : memref<80x128xf32, #tpu.memory_space<hbm>>) target(%arg14 : memref<80x128xf32, #tpu.memory_space<vmem>>) target_semaphore(%arg19 : memref<!tpu.dma_semaphore, #tpu.memory_space<semaphore_mem>>)
      %add3A_227 = arith.addi %mul3A_15, %add3A_219 : i32
      %dma_start3A_228 = arith.constant 0 : i32
      %dma_start3A_229 = arith.constant 0 : i32
      %dma_start3A_230 = tpu.memref_slice %arg3[%add3A_227, %dma_start3A_228, %dma_start3A_229] : memref<4000x1x80xf32, #tpu.memory_space<hbm>> -> memref<1x1x80xf32, #tpu.memory_space<hbm>>
      %dma_start3A_231 = tpu.memref_squeeze %dma_start3A_230 : memref<1x1x80xf32, #tpu.memory_space<hbm>> -> memref<1x80xf32, #tpu.memory_space<hbm>>
      %dma_start3A_232 = arith.constant 0 : i32
      %dma_start3A_233 = arith.constant 0 : i32
      %dma_start3A_234 = tpu.memref_slice %arg3[%add3A_227, %dma_start3A_232, %dma_start3A_233] : memref<4000x1x80xf32, #tpu.memory_space<hbm>> -> memref<1x1x80xf32, #tpu.memory_space<hbm>>
      %dma_start3A_235 = tpu.memref_squeeze %dma_start3A_234 : memref<1x1x80xf32, #tpu.memory_space<hbm>> -> memref<1x80xf32, #tpu.memory_space<hbm>>
      tpu.enqueue_dma source(%dma_start3A_235 : memref<1x80xf32, #tpu.memory_space<hbm>>) target(%arg11 : memref<1x80xf32, #tpu.memory_space<vmem>>) target_semaphore(%arg19 : memref<!tpu.dma_semaphore, #tpu.memory_space<semaphore_mem>>)
      %dma_wait3A_236 = arith.constant 0 : i32
      %dma_wait3A_237 = tpu.memref_slice %arg2[%mul3A_13, %dma_wait3A_236] : memref<320000x128xf32, #tpu.memory_space<hbm>> -> memref<80x128xf32, #tpu.memory_space<hbm>>
      %dma_wait3A_238 = arith.constant 0 : i32
      %dma_wait3A_239 = tpu.memref_slice %arg2[%mul3A_13, %dma_wait3A_238] : memref<320000x128xf32, #tpu.memory_space<hbm>> -> memref<80x128xf32, #tpu.memory_space<hbm>>
      tpu.wait_dma2 semaphore(%arg20 : memref<!tpu.dma_semaphore, #tpu.memory_space<semaphore_mem>>) src(%dma_wait3A_239 : memref<80x128xf32, #tpu.memory_space<hbm>>) dst(%arg15 : memref<80x128xf32, #tpu.memory_space<vmem>>)
      %dma_wait3A_240 = arith.constant 0 : i32
      %dma_wait3A_241 = arith.constant 0 : i32
      %dma_wait3A_242 = tpu.memref_slice %arg3[%mul3A_15, %dma_wait3A_240, %dma_wait3A_241] : memref<4000x1x80xf32, #tpu.memory_space<hbm>> -> memref<1x1x80xf32, #tpu.memory_space<hbm>>
      %dma_wait3A_243 = tpu.memref_squeeze %dma_wait3A_242 : memref<1x1x80xf32, #tpu.memory_space<hbm>> -> memref<1x80xf32, #tpu.memory_space<hbm>>
      %dma_wait3A_244 = arith.constant 0 : i32
      %dma_wait3A_245 = arith.constant 0 : i32
      %dma_wait3A_246 = tpu.memref_slice %arg3[%mul3A_15, %dma_wait3A_244, %dma_wait3A_245] : memref<4000x1x80xf32, #tpu.memory_space<hbm>> -> memref<1x1x80xf32, #tpu.memory_space<hbm>>
      %dma_wait3A_247 = tpu.memref_squeeze %dma_wait3A_246 : memref<1x1x80xf32, #tpu.memory_space<hbm>> -> memref<1x80xf32, #tpu.memory_space<hbm>>
      tpu.wait_dma2 semaphore(%arg20 : memref<!tpu.dma_semaphore, #tpu.memory_space<semaphore_mem>>) src(%dma_wait3A_247 : memref<1x80xf32, #tpu.memory_space<hbm>>) dst(%arg12 : memref<1x80xf32, #tpu.memory_space<vmem>>)
      %add3A_248 = arith.constant 1 : i32
      %add3A_249 = arith.addi %mul3A_200, %add3A_248 : i32
      "tpu.region"() ({
        %run_scoped3A_306 = tpu.sem_alloc : memref<!tpu.dma_semaphore, #tpu.memory_space<semaphore_mem>>
        %dma_start3A_307 = arith.constant 0 : i32
        %dma_start3A_308 = tpu.memref_slice %arg10[%add3A_249, %dma_start3A_307] : memref<125x80xi32, #tpu.memory_space<vmem>> -> memref<1x80xi32, #tpu.memory_space<vmem>>
        %dma_start3A_309 = tpu.memref_squeeze %dma_start3A_308 : memref<1x80xi32, #tpu.memory_space<vmem>> -> memref<80xi32, #tpu.memory_space<vmem>>
        %dma_start3A_310 = arith.constant 0 : i32
        %dma_start3A_311 = arith.constant 0 : i32
        %dma_start3A_312 = tpu.memref_slice %arg17[%dma_start3A_310, %dma_start3A_311] : memref<10000x128xf32, #tpu.memory_space<vmem_shared>> -> memref<10000x128xf32, #tpu.memory_space<vmem_shared>>
        tpu.enqueue_indirect_dma source(%arg15 : memref<80x128xf32, #tpu.memory_space<vmem>>) target(%dma_start3A_312 : memref<10000x128xf32, #tpu.memory_space<vmem_shared>>) offsets(%dma_start3A_309 : memref<80xi32, #tpu.memory_space<vmem>>) semaphore(%run_scoped3A_306 : memref<!tpu.dma_semaphore, #tpu.memory_space<semaphore_mem>>) {add = true}
        %dma_wait3A_313 = arith.constant 0 : i32
        %dma_wait3A_314 = tpu.memref_slice %arg10[%add3A_249, %dma_wait3A_313] : memref<125x80xi32, #tpu.memory_space<vmem>> -> memref<1x80xi32, #tpu.memory_space<vmem>>
        %dma_wait3A_315 = tpu.memref_squeeze %dma_wait3A_314 : memref<1x80xi32, #tpu.memory_space<vmem>> -> memref<80xi32, #tpu.memory_space<vmem>>
        %dma_wait3A_316 = arith.constant 0 : i32
        %dma_wait3A_317 = arith.constant 0 : i32
        %dma_wait3A_318 = tpu.memref_slice %arg17[%dma_wait3A_316, %dma_wait3A_317] : memref<10000x128xf32, #tpu.memory_space<vmem_shared>> -> memref<10000x128xf32, #tpu.memory_space<vmem_shared>>
        tpu.wait_indirect_dma semaphore(%run_scoped3A_306 : memref<!tpu.dma_semaphore, #tpu.memory_space<semaphore_mem>>) src(%arg15 : memref<80x128xf32, #tpu.memory_space<vmem>>) dst(%dma_wait3A_318 : memref<10000x128xf32, #tpu.memory_space<vmem_shared>>)
        tpu.yield
      }) : () -> ()
      %run_scoped3A_250 = arith.constant 0 : i32
      "tpu.region"() ({
        %run_scoped3A_306 = tpu.sem_alloc : memref<!tpu.dma_semaphore, #tpu.memory_space<semaphore_mem>>
        %dma_start3A_307 = arith.constant 0 : i32
        %dma_start3A_308 = tpu.memref_slice %arg12[%run_scoped3A_250, %dma_start3A_307] : memref<1x80xf32, #tpu.memory_space<vmem>> -> memref<1x80xf32, #tpu.memory_space<vmem>>
        %dma_start3A_309 = tpu.memref_squeeze %dma_start3A_308 : memref<1x80xf32, #tpu.memory_space<vmem>> -> memref<80xf32, #tpu.memory_space<vmem>>
        %dma_start3A_310 = arith.constant 0 : i32
        %dma_start3A_311 = tpu.memref_slice %arg10[%add3A_249, %dma_start3A_310] : memref<125x80xi32, #tpu.memory_space<vmem>> -> memref<1x80xi32, #tpu.memory_space<vmem>>
        %dma_start3A_312 = tpu.memref_squeeze %dma_start3A_311 : memref<1x80xi32, #tpu.memory_space<vmem>> -> memref<80xi32, #tpu.memory_space<vmem>>
        %dma_start3A_313 = arith.constant 0 : i32
        %dma_start3A_314 = tpu.memref_slice %arg18[%dma_start3A_313] : memref<10000xf32, #tpu.memory_space<vmem_shared>> -> memref<10000xf32, #tpu.memory_space<vmem_shared>>
        tpu.enqueue_indirect_dma source(%dma_start3A_309 : memref<80xf32, #tpu.memory_space<vmem>>) target(%dma_start3A_314 : memref<10000xf32, #tpu.memory_space<vmem_shared>>) offsets(%dma_start3A_312 : memref<80xi32, #tpu.memory_space<vmem>>) semaphore(%run_scoped3A_306 : memref<!tpu.dma_semaphore, #tpu.memory_space<semaphore_mem>>) {add = true}
        %dma_wait3A_315 = arith.constant 0 : i32
        %dma_wait3A_316 = tpu.memref_slice %arg12[%run_scoped3A_250, %dma_wait3A_315] : memref<1x80xf32, #tpu.memory_space<vmem>> -> memref<1x80xf32, #tpu.memory_space<vmem>>
        %dma_wait3A_317 = tpu.memref_squeeze %dma_wait3A_316 : memref<1x80xf32, #tpu.memory_space<vmem>> -> memref<80xf32, #tpu.memory_space<vmem>>
        %dma_wait3A_318 = arith.constant 0 : i32
        %dma_wait3A_319 = tpu.memref_slice %arg10[%add3A_249, %dma_wait3A_318] : memref<125x80xi32, #tpu.memory_space<vmem>> -> memref<1x80xi32, #tpu.memory_space<vmem>>
        %dma_wait3A_320 = tpu.memref_squeeze %dma_wait3A_319 : memref<1x80xi32, #tpu.memory_space<vmem>> -> memref<80xi32, #tpu.memory_space<vmem>>
        %dma_wait3A_321 = arith.constant 0 : i32
        %dma_wait3A_322 = tpu.memref_slice %arg18[%dma_wait3A_321] : memref<10000xf32, #tpu.memory_space<vmem_shared>> -> memref<10000xf32, #tpu.memory_space<vmem_shared>>
        tpu.wait_indirect_dma semaphore(%run_scoped3A_306 : memref<!tpu.dma_semaphore, #tpu.memory_space<semaphore_mem>>) src(%dma_wait3A_317 : memref<80xf32, #tpu.memory_space<vmem>>) dst(%dma_wait3A_322 : memref<10000xf32, #tpu.memory_space<vmem_shared>>)
        tpu.yield
      }) : () -> ()
      %add3A_251 = arith.constant 3 : i32
      %add3A_252 = arith.addi %mul3A_200, %add3A_251 : i32
      %add3A_253 = arith.constant 1 : i32
      %add3A_254 = arith.addi %add3A_252, %add3A_253 : i32
      %mul3A_255 = arith.constant 80 : i32
      %mul3A_256 = arith.muli %add3A_254, %mul3A_255 : i32
      %add3A_257 = arith.addi %mul3A_13, %mul3A_256 : i32
      %dma_start3A_258 = arith.constant 0 : i32
      %dma_start3A_259 = tpu.memref_slice %arg2[%add3A_257, %dma_start3A_258] : memref<320000x128xf32, #tpu.memory_space<hbm>> -> memref<80x128xf32, #tpu.memory_space<hbm>>
      %dma_start3A_260 = arith.constant 0 : i32
      %dma_start3A_261 = tpu.memref_slice %arg2[%add3A_257, %dma_start3A_260] : memref<320000x128xf32, #tpu.memory_space<hbm>> -> memref<80x128xf32, #tpu.memory_space<hbm>>
      tpu.enqueue_dma source(%dma_start3A_261 : memref<80x128xf32, #tpu.memory_space<hbm>>) target(%arg15 : memref<80x128xf32, #tpu.memory_space<vmem>>) target_semaphore(%arg20 : memref<!tpu.dma_semaphore, #tpu.memory_space<semaphore_mem>>)
      %add3A_262 = arith.addi %mul3A_15, %add3A_254 : i32
      %dma_start3A_263 = arith.constant 0 : i32
      %dma_start3A_264 = arith.constant 0 : i32
      %dma_start3A_265 = tpu.memref_slice %arg3[%add3A_262, %dma_start3A_263, %dma_start3A_264] : memref<4000x1x80xf32, #tpu.memory_space<hbm>> -> memref<1x1x80xf32, #tpu.memory_space<hbm>>
      %dma_start3A_266 = tpu.memref_squeeze %dma_start3A_265 : memref<1x1x80xf32, #tpu.memory_space<hbm>> -> memref<1x80xf32, #tpu.memory_space<hbm>>
      %dma_start3A_267 = arith.constant 0 : i32
      %dma_start3A_268 = arith.constant 0 : i32
      %dma_start3A_269 = tpu.memref_slice %arg3[%add3A_262, %dma_start3A_267, %dma_start3A_268] : memref<4000x1x80xf32, #tpu.memory_space<hbm>> -> memref<1x1x80xf32, #tpu.memory_space<hbm>>
      %dma_start3A_270 = tpu.memref_squeeze %dma_start3A_269 : memref<1x1x80xf32, #tpu.memory_space<hbm>> -> memref<1x80xf32, #tpu.memory_space<hbm>>
      tpu.enqueue_dma source(%dma_start3A_270 : memref<1x80xf32, #tpu.memory_space<hbm>>) target(%arg12 : memref<1x80xf32, #tpu.memory_space<vmem>>) target_semaphore(%arg20 : memref<!tpu.dma_semaphore, #tpu.memory_space<semaphore_mem>>)
      %dma_wait3A_271 = arith.constant 0 : i32
      %dma_wait3A_272 = tpu.memref_slice %arg2[%mul3A_13, %dma_wait3A_271] : memref<320000x128xf32, #tpu.memory_space<hbm>> -> memref<80x128xf32, #tpu.memory_space<hbm>>
      %dma_wait3A_273 = arith.constant 0 : i32
      %dma_wait3A_274 = tpu.memref_slice %arg2[%mul3A_13, %dma_wait3A_273] : memref<320000x128xf32, #tpu.memory_space<hbm>> -> memref<80x128xf32, #tpu.memory_space<hbm>>
      tpu.wait_dma2 semaphore(%arg21 : memref<!tpu.dma_semaphore, #tpu.memory_space<semaphore_mem>>) src(%dma_wait3A_274 : memref<80x128xf32, #tpu.memory_space<hbm>>) dst(%arg16 : memref<80x128xf32, #tpu.memory_space<vmem>>)
      %dma_wait3A_275 = arith.constant 0 : i32
      %dma_wait3A_276 = arith.constant 0 : i32
      %dma_wait3A_277 = tpu.memref_slice %arg3[%mul3A_15, %dma_wait3A_275, %dma_wait3A_276] : memref<4000x1x80xf32, #tpu.memory_space<hbm>> -> memref<1x1x80xf32, #tpu.memory_space<hbm>>
      %dma_wait3A_278 = tpu.memref_squeeze %dma_wait3A_277 : memref<1x1x80xf32, #tpu.memory_space<hbm>> -> memref<1x80xf32, #tpu.memory_space<hbm>>
      %dma_wait3A_279 = arith.constant 0 : i32
      %dma_wait3A_280 = arith.constant 0 : i32
      %dma_wait3A_281 = tpu.memref_slice %arg3[%mul3A_15, %dma_wait3A_279, %dma_wait3A_280] : memref<4000x1x80xf32, #tpu.memory_space<hbm>> -> memref<1x1x80xf32, #tpu.memory_space<hbm>>
      %dma_wait3A_282 = tpu.memref_squeeze %dma_wait3A_281 : memref<1x1x80xf32, #tpu.memory_space<hbm>> -> memref<1x80xf32, #tpu.memory_space<hbm>>
      tpu.wait_dma2 semaphore(%arg21 : memref<!tpu.dma_semaphore, #tpu.memory_space<semaphore_mem>>) src(%dma_wait3A_282 : memref<1x80xf32, #tpu.memory_space<hbm>>) dst(%arg13 : memref<1x80xf32, #tpu.memory_space<vmem>>)
      %add3A_283 = arith.constant 2 : i32
      %add3A_284 = arith.addi %mul3A_200, %add3A_283 : i32
      "tpu.region"() ({
        %run_scoped3A_306 = tpu.sem_alloc : memref<!tpu.dma_semaphore, #tpu.memory_space<semaphore_mem>>
        %dma_start3A_307 = arith.constant 0 : i32
        %dma_start3A_308 = tpu.memref_slice %arg10[%add3A_284, %dma_start3A_307] : memref<125x80xi32, #tpu.memory_space<vmem>> -> memref<1x80xi32, #tpu.memory_space<vmem>>
        %dma_start3A_309 = tpu.memref_squeeze %dma_start3A_308 : memref<1x80xi32, #tpu.memory_space<vmem>> -> memref<80xi32, #tpu.memory_space<vmem>>
        %dma_start3A_310 = arith.constant 0 : i32
        %dma_start3A_311 = arith.constant 0 : i32
        %dma_start3A_312 = tpu.memref_slice %arg17[%dma_start3A_310, %dma_start3A_311] : memref<10000x128xf32, #tpu.memory_space<vmem_shared>> -> memref<10000x128xf32, #tpu.memory_space<vmem_shared>>
        tpu.enqueue_indirect_dma source(%arg16 : memref<80x128xf32, #tpu.memory_space<vmem>>) target(%dma_start3A_312 : memref<10000x128xf32, #tpu.memory_space<vmem_shared>>) offsets(%dma_start3A_309 : memref<80xi32, #tpu.memory_space<vmem>>) semaphore(%run_scoped3A_306 : memref<!tpu.dma_semaphore, #tpu.memory_space<semaphore_mem>>) {add = true}
        %dma_wait3A_313 = arith.constant 0 : i32
        %dma_wait3A_314 = tpu.memref_slice %arg10[%add3A_284, %dma_wait3A_313] : memref<125x80xi32, #tpu.memory_space<vmem>> -> memref<1x80xi32, #tpu.memory_space<vmem>>
        %dma_wait3A_315 = tpu.memref_squeeze %dma_wait3A_314 : memref<1x80xi32, #tpu.memory_space<vmem>> -> memref<80xi32, #tpu.memory_space<vmem>>
        %dma_wait3A_316 = arith.constant 0 : i32
        %dma_wait3A_317 = arith.constant 0 : i32
        %dma_wait3A_318 = tpu.memref_slice %arg17[%dma_wait3A_316, %dma_wait3A_317] : memref<10000x128xf32, #tpu.memory_space<vmem_shared>> -> memref<10000x128xf32, #tpu.memory_space<vmem_shared>>
        tpu.wait_indirect_dma semaphore(%run_scoped3A_306 : memref<!tpu.dma_semaphore, #tpu.memory_space<semaphore_mem>>) src(%arg16 : memref<80x128xf32, #tpu.memory_space<vmem>>) dst(%dma_wait3A_318 : memref<10000x128xf32, #tpu.memory_space<vmem_shared>>)
        tpu.yield
      }) : () -> ()
      %run_scoped3A_285 = arith.constant 0 : i32
      "tpu.region"() ({
        %run_scoped3A_306 = tpu.sem_alloc : memref<!tpu.dma_semaphore, #tpu.memory_space<semaphore_mem>>
        %dma_start3A_307 = arith.constant 0 : i32
        %dma_start3A_308 = tpu.memref_slice %arg13[%run_scoped3A_285, %dma_start3A_307] : memref<1x80xf32, #tpu.memory_space<vmem>> -> memref<1x80xf32, #tpu.memory_space<vmem>>
        %dma_start3A_309 = tpu.memref_squeeze %dma_start3A_308 : memref<1x80xf32, #tpu.memory_space<vmem>> -> memref<80xf32, #tpu.memory_space<vmem>>
        %dma_start3A_310 = arith.constant 0 : i32
        %dma_start3A_311 = tpu.memref_slice %arg10[%add3A_284, %dma_start3A_310] : memref<125x80xi32, #tpu.memory_space<vmem>> -> memref<1x80xi32, #tpu.memory_space<vmem>>
        %dma_start3A_312 = tpu.memref_squeeze %dma_start3A_311 : memref<1x80xi32, #tpu.memory_space<vmem>> -> memref<80xi32, #tpu.memory_space<vmem>>
        %dma_start3A_313 = arith.constant 0 : i32
        %dma_start3A_314 = tpu.memref_slice %arg18[%dma_start3A_313] : memref<10000xf32, #tpu.memory_space<vmem_shared>> -> memref<10000xf32, #tpu.memory_space<vmem_shared>>
        tpu.enqueue_indirect_dma source(%dma_start3A_309 : memref<80xf32, #tpu.memory_space<vmem>>) target(%dma_start3A_314 : memref<10000xf32, #tpu.memory_space<vmem_shared>>) offsets(%dma_start3A_312 : memref<80xi32, #tpu.memory_space<vmem>>) semaphore(%run_scoped3A_306 : memref<!tpu.dma_semaphore, #tpu.memory_space<semaphore_mem>>) {add = true}
        %dma_wait3A_315 = arith.constant 0 : i32
        %dma_wait3A_316 = tpu.memref_slice %arg13[%run_scoped3A_285, %dma_wait3A_315] : memref<1x80xf32, #tpu.memory_space<vmem>> -> memref<1x80xf32, #tpu.memory_space<vmem>>
        %dma_wait3A_317 = tpu.memref_squeeze %dma_wait3A_316 : memref<1x80xf32, #tpu.memory_space<vmem>> -> memref<80xf32, #tpu.memory_space<vmem>>
        %dma_wait3A_318 = arith.constant 0 : i32
        %dma_wait3A_319 = tpu.memref_slice %arg10[%add3A_284, %dma_wait3A_318] : memref<125x80xi32, #tpu.memory_space<vmem>> -> memref<1x80xi32, #tpu.memory_space<vmem>>
        %dma_wait3A_320 = tpu.memref_squeeze %dma_wait3A_319 : memref<1x80xi32, #tpu.memory_space<vmem>> -> memref<80xi32, #tpu.memory_space<vmem>>
        %dma_wait3A_321 = arith.constant 0 : i32
        %dma_wait3A_322 = tpu.memref_slice %arg18[%dma_wait3A_321] : memref<10000xf32, #tpu.memory_space<vmem_shared>> -> memref<10000xf32, #tpu.memory_space<vmem_shared>>
        tpu.wait_indirect_dma semaphore(%run_scoped3A_306 : memref<!tpu.dma_semaphore, #tpu.memory_space<semaphore_mem>>) src(%dma_wait3A_317 : memref<80xf32, #tpu.memory_space<vmem>>) dst(%dma_wait3A_322 : memref<10000xf32, #tpu.memory_space<vmem_shared>>)
        tpu.yield
      }) : () -> ()
      %add3A_286 = arith.constant 3 : i32
      %add3A_287 = arith.addi %mul3A_200, %add3A_286 : i32
      %add3A_288 = arith.constant 2 : i32
      %add3A_289 = arith.addi %add3A_287, %add3A_288 : i32
      %mul3A_290 = arith.constant 80 : i32
      %mul3A_291 = arith.muli %add3A_289, %mul3A_290 : i32
      %add3A_292 = arith.addi %mul3A_13, %mul3A_291 : i32
      %dma_start3A_293 = arith.constant 0 : i32
      %dma_start3A_294 = tpu.memref_slice %arg2[%add3A_292, %dma_start3A_293] : memref<320000x128xf32, #tpu.memory_space<hbm>> -> memref<80x128xf32, #tpu.memory_space<hbm>>
      %dma_start3A_295 = arith.constant 0 : i32
      %dma_start3A_296 = tpu.memref_slice %arg2[%add3A_292, %dma_start3A_295] : memref<320000x128xf32, #tpu.memory_space<hbm>> -> memref<80x128xf32, #tpu.memory_space<hbm>>
      tpu.enqueue_dma source(%dma_start3A_296 : memref<80x128xf32, #tpu.memory_space<hbm>>) target(%arg16 : memref<80x128xf32, #tpu.memory_space<vmem>>) target_semaphore(%arg21 : memref<!tpu.dma_semaphore, #tpu.memory_space<semaphore_mem>>)
      %add3A_297 = arith.addi %mul3A_15, %add3A_289 : i32
      %dma_start3A_298 = arith.constant 0 : i32
      %dma_start3A_299 = arith.constant 0 : i32
      %dma_start3A_300 = tpu.memref_slice %arg3[%add3A_297, %dma_start3A_298, %dma_start3A_299] : memref<4000x1x80xf32, #tpu.memory_space<hbm>> -> memref<1x1x80xf32, #tpu.memory_space<hbm>>
      %dma_start3A_301 = tpu.memref_squeeze %dma_start3A_300 : memref<1x1x80xf32, #tpu.memory_space<hbm>> -> memref<1x80xf32, #tpu.memory_space<hbm>>
      %dma_start3A_302 = arith.constant 0 : i32
      %dma_start3A_303 = arith.constant 0 : i32
      %dma_start3A_304 = tpu.memref_slice %arg3[%add3A_297, %dma_start3A_302, %dma_start3A_303] : memref<4000x1x80xf32, #tpu.memory_space<hbm>> -> memref<1x1x80xf32, #tpu.memory_space<hbm>>
      %dma_start3A_305 = tpu.memref_squeeze %dma_start3A_304 : memref<1x1x80xf32, #tpu.memory_space<hbm>> -> memref<1x80xf32, #tpu.memory_space<hbm>>
      tpu.enqueue_dma source(%dma_start3A_305 : memref<1x80xf32, #tpu.memory_space<hbm>>) target(%arg13 : memref<1x80xf32, #tpu.memory_space<vmem>>) target_semaphore(%arg21 : memref<!tpu.dma_semaphore, #tpu.memory_space<semaphore_mem>>)
    }
    %scan3A_67 = arith.constant 40 : i32
    %dma_wait3A = arith.constant 0 : i32
    %dma_wait3A_68 = tpu.memref_slice %arg2[%mul3A_13, %dma_wait3A] : memref<320000x128xf32, #tpu.memory_space<hbm>> -> memref<80x128xf32, #tpu.memory_space<hbm>>
    %dma_wait3A_69 = arith.constant 0 : i32
    %dma_wait3A_70 = tpu.memref_slice %arg2[%mul3A_13, %dma_wait3A_69] : memref<320000x128xf32, #tpu.memory_space<hbm>> -> memref<80x128xf32, #tpu.memory_space<hbm>>
    tpu.wait_dma2 semaphore(%arg19 : memref<!tpu.dma_semaphore, #tpu.memory_space<semaphore_mem>>) src(%dma_wait3A_70 : memref<80x128xf32, #tpu.memory_space<hbm>>) dst(%arg14 : memref<80x128xf32, #tpu.memory_space<vmem>>)
    %dma_wait3A_71 = arith.constant 0 : i32
    %dma_wait3A_72 = arith.constant 0 : i32
    %dma_wait3A_73 = tpu.memref_slice %arg3[%mul3A_15, %dma_wait3A_71, %dma_wait3A_72] : memref<4000x1x80xf32, #tpu.memory_space<hbm>> -> memref<1x1x80xf32, #tpu.memory_space<hbm>>
    %dma_wait3A_74 = tpu.memref_squeeze %dma_wait3A_73 : memref<1x1x80xf32, #tpu.memory_space<hbm>> -> memref<1x80xf32, #tpu.memory_space<hbm>>
    %dma_wait3A_75 = arith.constant 0 : i32
    %dma_wait3A_76 = arith.constant 0 : i32
    %dma_wait3A_77 = tpu.memref_slice %arg3[%mul3A_15, %dma_wait3A_75, %dma_wait3A_76] : memref<4000x1x80xf32, #tpu.memory_space<hbm>> -> memref<1x1x80xf32, #tpu.memory_space<hbm>>
    %dma_wait3A_78 = tpu.memref_squeeze %dma_wait3A_77 : memref<1x1x80xf32, #tpu.memory_space<hbm>> -> memref<1x80xf32, #tpu.memory_space<hbm>>
    tpu.wait_dma2 semaphore(%arg19 : memref<!tpu.dma_semaphore, #tpu.memory_space<semaphore_mem>>) src(%dma_wait3A_78 : memref<1x80xf32, #tpu.memory_space<hbm>>) dst(%arg11 : memref<1x80xf32, #tpu.memory_space<vmem>>)
    %run_scoped3A = arith.constant 120 : i32
    "tpu.region"() ({
      %run_scoped3A_198 = tpu.sem_alloc : memref<!tpu.dma_semaphore, #tpu.memory_space<semaphore_mem>>
      %dma_start3A_199 = arith.constant 0 : i32
      %dma_start3A_200 = tpu.memref_slice %arg10[%run_scoped3A, %dma_start3A_199] : memref<125x80xi32, #tpu.memory_space<vmem>> -> memref<1x80xi32, #tpu.memory_space<vmem>>
      %dma_start3A_201 = tpu.memref_squeeze %dma_start3A_200 : memref<1x80xi32, #tpu.memory_space<vmem>> -> memref<80xi32, #tpu.memory_space<vmem>>
      %dma_start3A_202 = arith.constant 0 : i32
      %dma_start3A_203 = arith.constant 0 : i32
      %dma_start3A_204 = tpu.memref_slice %arg17[%dma_start3A_202, %dma_start3A_203] : memref<10000x128xf32, #tpu.memory_space<vmem_shared>> -> memref<10000x128xf32, #tpu.memory_space<vmem_shared>>
      tpu.enqueue_indirect_dma source(%arg14 : memref<80x128xf32, #tpu.memory_space<vmem>>) target(%dma_start3A_204 : memref<10000x128xf32, #tpu.memory_space<vmem_shared>>) offsets(%dma_start3A_201 : memref<80xi32, #tpu.memory_space<vmem>>) semaphore(%run_scoped3A_198 : memref<!tpu.dma_semaphore, #tpu.memory_space<semaphore_mem>>) {add = true}
      %dma_wait3A_205 = arith.constant 0 : i32
      %dma_wait3A_206 = tpu.memref_slice %arg10[%run_scoped3A, %dma_wait3A_205] : memref<125x80xi32, #tpu.memory_space<vmem>> -> memref<1x80xi32, #tpu.memory_space<vmem>>
      %dma_wait3A_207 = tpu.memref_squeeze %dma_wait3A_206 : memref<1x80xi32, #tpu.memory_space<vmem>> -> memref<80xi32, #tpu.memory_space<vmem>>
      %dma_wait3A_208 = arith.constant 0 : i32
      %dma_wait3A_209 = arith.constant 0 : i32
      %dma_wait3A_210 = tpu.memref_slice %arg17[%dma_wait3A_208, %dma_wait3A_209] : memref<10000x128xf32, #tpu.memory_space<vmem_shared>> -> memref<10000x128xf32, #tpu.memory_space<vmem_shared>>
      tpu.wait_indirect_dma semaphore(%run_scoped3A_198 : memref<!tpu.dma_semaphore, #tpu.memory_space<semaphore_mem>>) src(%arg14 : memref<80x128xf32, #tpu.memory_space<vmem>>) dst(%dma_wait3A_210 : memref<10000x128xf32, #tpu.memory_space<vmem_shared>>)
      tpu.yield
    }) : () -> ()
    %run_scoped3A_79 = arith.constant 0 : i32
    %run_scoped3A_80 = arith.constant 120 : i32
    "tpu.region"() ({
      %run_scoped3A_198 = tpu.sem_alloc : memref<!tpu.dma_semaphore, #tpu.memory_space<semaphore_mem>>
      %dma_start3A_199 = arith.constant 0 : i32
      %dma_start3A_200 = tpu.memref_slice %arg11[%run_scoped3A_79, %dma_start3A_199] : memref<1x80xf32, #tpu.memory_space<vmem>> -> memref<1x80xf32, #tpu.memory_space<vmem>>
      %dma_start3A_201 = tpu.memref_squeeze %dma_start3A_200 : memref<1x80xf32, #tpu.memory_space<vmem>> -> memref<80xf32, #tpu.memory_space<vmem>>
      %dma_start3A_202 = arith.constant 0 : i32
      %dma_start3A_203 = tpu.memref_slice %arg10[%run_scoped3A_80, %dma_start3A_202] : memref<125x80xi32, #tpu.memory_space<vmem>> -> memref<1x80xi32, #tpu.memory_space<vmem>>
      %dma_start3A_204 = tpu.memref_squeeze %dma_start3A_203 : memref<1x80xi32, #tpu.memory_space<vmem>> -> memref<80xi32, #tpu.memory_space<vmem>>
      %dma_start3A_205 = arith.constant 0 : i32
      %dma_start3A_206 = tpu.memref_slice %arg18[%dma_start3A_205] : memref<10000xf32, #tpu.memory_space<vmem_shared>> -> memref<10000xf32, #tpu.memory_space<vmem_shared>>
      tpu.enqueue_indirect_dma source(%dma_start3A_201 : memref<80xf32, #tpu.memory_space<vmem>>) target(%dma_start3A_206 : memref<10000xf32, #tpu.memory_space<vmem_shared>>) offsets(%dma_start3A_204 : memref<80xi32, #tpu.memory_space<vmem>>) semaphore(%run_scoped3A_198 : memref<!tpu.dma_semaphore, #tpu.memory_space<semaphore_mem>>) {add = true}
      %dma_wait3A_207 = arith.constant 0 : i32
      %dma_wait3A_208 = tpu.memref_slice %arg11[%run_scoped3A_79, %dma_wait3A_207] : memref<1x80xf32, #tpu.memory_space<vmem>> -> memref<1x80xf32, #tpu.memory_space<vmem>>
      %dma_wait3A_209 = tpu.memref_squeeze %dma_wait3A_208 : memref<1x80xf32, #tpu.memory_space<vmem>> -> memref<80xf32, #tpu.memory_space<vmem>>
      %dma_wait3A_210 = arith.constant 0 : i32
      %dma_wait3A_211 = tpu.memref_slice %arg10[%run_scoped3A_80, %dma_wait3A_210] : memref<125x80xi32, #tpu.memory_space<vmem>> -> memref<1x80xi32, #tpu.memory_space<vmem>>
      %dma_wait3A_212 = tpu.memref_squeeze %dma_wait3A_211 : memref<1x80xi32, #tpu.memory_space<vmem>> -> memref<80xi32, #tpu.memory_space<vmem>>
      %dma_wait3A_213 = arith.constant 0 : i32
      %dma_wait3A_214 = tpu.memref_slice %arg18[%dma_wait3A_213] : memref<10000xf32, #tpu.memory_space<vmem_shared>> -> memref<10000xf32, #tpu.memory_space<vmem_shared>>
      tpu.wait_indirect_dma semaphore(%run_scoped3A_198 : memref<!tpu.dma_semaphore, #tpu.memory_space<semaphore_mem>>) src(%dma_wait3A_209 : memref<80xf32, #tpu.memory_space<vmem>>) dst(%dma_wait3A_214 : memref<10000xf32, #tpu.memory_space<vmem_shared>>)
      tpu.yield
    }) : () -> ()
    %add3A_81 = arith.constant 9840 : i32
    %add3A_82 = arith.addi %mul3A_13, %add3A_81 : i32
    %dma_start3A_83 = arith.constant 0 : i32
    %dma_start3A_84 = tpu.memref_slice %arg2[%add3A_82, %dma_start3A_83] : memref<320000x128xf32, #tpu.memory_space<hbm>> -> memref<80x128xf32, #tpu.memory_space<hbm>>
    %dma_start3A_85 = arith.constant 0 : i32
    %dma_start3A_86 = tpu.memref_slice %arg2[%add3A_82, %dma_start3A_85] : memref<320000x128xf32, #tpu.memory_space<hbm>> -> memref<80x128xf32, #tpu.memory_space<hbm>>
    tpu.enqueue_dma source(%dma_start3A_86 : memref<80x128xf32, #tpu.memory_space<hbm>>) target(%arg14 : memref<80x128xf32, #tpu.memory_space<vmem>>) target_semaphore(%arg19 : memref<!tpu.dma_semaphore, #tpu.memory_space<semaphore_mem>>)
    %add3A_87 = arith.constant 123 : i32
    %add3A_88 = arith.addi %mul3A_15, %add3A_87 : i32
    %dma_start3A_89 = arith.constant 0 : i32
    %dma_start3A_90 = arith.constant 0 : i32
    %dma_start3A_91 = tpu.memref_slice %arg3[%add3A_88, %dma_start3A_89, %dma_start3A_90] : memref<4000x1x80xf32, #tpu.memory_space<hbm>> -> memref<1x1x80xf32, #tpu.memory_space<hbm>>
    %dma_start3A_92 = tpu.memref_squeeze %dma_start3A_91 : memref<1x1x80xf32, #tpu.memory_space<hbm>> -> memref<1x80xf32, #tpu.memory_space<hbm>>
    %dma_start3A_93 = arith.constant 0 : i32
    %dma_start3A_94 = arith.constant 0 : i32
    %dma_start3A_95 = tpu.memref_slice %arg3[%add3A_88, %dma_start3A_93, %dma_start3A_94] : memref<4000x1x80xf32, #tpu.memory_space<hbm>> -> memref<1x1x80xf32, #tpu.memory_space<hbm>>
    %dma_start3A_96 = tpu.memref_squeeze %dma_start3A_95 : memref<1x1x80xf32, #tpu.memory_space<hbm>> -> memref<1x80xf32, #tpu.memory_space<hbm>>
    tpu.enqueue_dma source(%dma_start3A_96 : memref<1x80xf32, #tpu.memory_space<hbm>>) target(%arg11 : memref<1x80xf32, #tpu.memory_space<vmem>>) target_semaphore(%arg19 : memref<!tpu.dma_semaphore, #tpu.memory_space<semaphore_mem>>)
    %dma_wait3A_97 = arith.constant 0 : i32
    %dma_wait3A_98 = tpu.memref_slice %arg2[%mul3A_13, %dma_wait3A_97] : memref<320000x128xf32, #tpu.memory_space<hbm>> -> memref<80x128xf32, #tpu.memory_space<hbm>>
    %dma_wait3A_99 = arith.constant 0 : i32
    %dma_wait3A_100 = tpu.memref_slice %arg2[%mul3A_13, %dma_wait3A_99] : memref<320000x128xf32, #tpu.memory_space<hbm>> -> memref<80x128xf32, #tpu.memory_space<hbm>>
    tpu.wait_dma2 semaphore(%arg20 : memref<!tpu.dma_semaphore, #tpu.memory_space<semaphore_mem>>) src(%dma_wait3A_100 : memref<80x128xf32, #tpu.memory_space<hbm>>) dst(%arg15 : memref<80x128xf32, #tpu.memory_space<vmem>>)
    %dma_wait3A_101 = arith.constant 0 : i32
    %dma_wait3A_102 = arith.constant 0 : i32
    %dma_wait3A_103 = tpu.memref_slice %arg3[%mul3A_15, %dma_wait3A_101, %dma_wait3A_102] : memref<4000x1x80xf32, #tpu.memory_space<hbm>> -> memref<1x1x80xf32, #tpu.memory_space<hbm>>
    %dma_wait3A_104 = tpu.memref_squeeze %dma_wait3A_103 : memref<1x1x80xf32, #tpu.memory_space<hbm>> -> memref<1x80xf32, #tpu.memory_space<hbm>>
    %dma_wait3A_105 = arith.constant 0 : i32
    %dma_wait3A_106 = arith.constant 0 : i32
    %dma_wait3A_107 = tpu.memref_slice %arg3[%mul3A_15, %dma_wait3A_105, %dma_wait3A_106] : memref<4000x1x80xf32, #tpu.memory_space<hbm>> -> memref<1x1x80xf32, #tpu.memory_space<hbm>>
    %dma_wait3A_108 = tpu.memref_squeeze %dma_wait3A_107 : memref<1x1x80xf32, #tpu.memory_space<hbm>> -> memref<1x80xf32, #tpu.memory_space<hbm>>
    tpu.wait_dma2 semaphore(%arg20 : memref<!tpu.dma_semaphore, #tpu.memory_space<semaphore_mem>>) src(%dma_wait3A_108 : memref<1x80xf32, #tpu.memory_space<hbm>>) dst(%arg12 : memref<1x80xf32, #tpu.memory_space<vmem>>)
    %run_scoped3A_109 = arith.constant 121 : i32
    "tpu.region"() ({
      %run_scoped3A_198 = tpu.sem_alloc : memref<!tpu.dma_semaphore, #tpu.memory_space<semaphore_mem>>
      %dma_start3A_199 = arith.constant 0 : i32
      %dma_start3A_200 = tpu.memref_slice %arg10[%run_scoped3A_109, %dma_start3A_199] : memref<125x80xi32, #tpu.memory_space<vmem>> -> memref<1x80xi32, #tpu.memory_space<vmem>>
      %dma_start3A_201 = tpu.memref_squeeze %dma_start3A_200 : memref<1x80xi32, #tpu.memory_space<vmem>> -> memref<80xi32, #tpu.memory_space<vmem>>
      %dma_start3A_202 = arith.constant 0 : i32
      %dma_start3A_203 = arith.constant 0 : i32
      %dma_start3A_204 = tpu.memref_slice %arg17[%dma_start3A_202, %dma_start3A_203] : memref<10000x128xf32, #tpu.memory_space<vmem_shared>> -> memref<10000x128xf32, #tpu.memory_space<vmem_shared>>
      tpu.enqueue_indirect_dma source(%arg15 : memref<80x128xf32, #tpu.memory_space<vmem>>) target(%dma_start3A_204 : memref<10000x128xf32, #tpu.memory_space<vmem_shared>>) offsets(%dma_start3A_201 : memref<80xi32, #tpu.memory_space<vmem>>) semaphore(%run_scoped3A_198 : memref<!tpu.dma_semaphore, #tpu.memory_space<semaphore_mem>>) {add = true}
      %dma_wait3A_205 = arith.constant 0 : i32
      %dma_wait3A_206 = tpu.memref_slice %arg10[%run_scoped3A_109, %dma_wait3A_205] : memref<125x80xi32, #tpu.memory_space<vmem>> -> memref<1x80xi32, #tpu.memory_space<vmem>>
      %dma_wait3A_207 = tpu.memref_squeeze %dma_wait3A_206 : memref<1x80xi32, #tpu.memory_space<vmem>> -> memref<80xi32, #tpu.memory_space<vmem>>
      %dma_wait3A_208 = arith.constant 0 : i32
      %dma_wait3A_209 = arith.constant 0 : i32
      %dma_wait3A_210 = tpu.memref_slice %arg17[%dma_wait3A_208, %dma_wait3A_209] : memref<10000x128xf32, #tpu.memory_space<vmem_shared>> -> memref<10000x128xf32, #tpu.memory_space<vmem_shared>>
      tpu.wait_indirect_dma semaphore(%run_scoped3A_198 : memref<!tpu.dma_semaphore, #tpu.memory_space<semaphore_mem>>) src(%arg15 : memref<80x128xf32, #tpu.memory_space<vmem>>) dst(%dma_wait3A_210 : memref<10000x128xf32, #tpu.memory_space<vmem_shared>>)
      tpu.yield
    }) : () -> ()
    %run_scoped3A_110 = arith.constant 0 : i32
    %run_scoped3A_111 = arith.constant 121 : i32
    "tpu.region"() ({
      %run_scoped3A_198 = tpu.sem_alloc : memref<!tpu.dma_semaphore, #tpu.memory_space<semaphore_mem>>
      %dma_start3A_199 = arith.constant 0 : i32
      %dma_start3A_200 = tpu.memref_slice %arg12[%run_scoped3A_110, %dma_start3A_199] : memref<1x80xf32, #tpu.memory_space<vmem>> -> memref<1x80xf32, #tpu.memory_space<vmem>>
      %dma_start3A_201 = tpu.memref_squeeze %dma_start3A_200 : memref<1x80xf32, #tpu.memory_space<vmem>> -> memref<80xf32, #tpu.memory_space<vmem>>
      %dma_start3A_202 = arith.constant 0 : i32
      %dma_start3A_203 = tpu.memref_slice %arg10[%run_scoped3A_111, %dma_start3A_202] : memref<125x80xi32, #tpu.memory_space<vmem>> -> memref<1x80xi32, #tpu.memory_space<vmem>>
      %dma_start3A_204 = tpu.memref_squeeze %dma_start3A_203 : memref<1x80xi32, #tpu.memory_space<vmem>> -> memref<80xi32, #tpu.memory_space<vmem>>
      %dma_start3A_205 = arith.constant 0 : i32
      %dma_start3A_206 = tpu.memref_slice %arg18[%dma_start3A_205] : memref<10000xf32, #tpu.memory_space<vmem_shared>> -> memref<10000xf32, #tpu.memory_space<vmem_shared>>
      tpu.enqueue_indirect_dma source(%dma_start3A_201 : memref<80xf32, #tpu.memory_space<vmem>>) target(%dma_start3A_206 : memref<10000xf32, #tpu.memory_space<vmem_shared>>) offsets(%dma_start3A_204 : memref<80xi32, #tpu.memory_space<vmem>>) semaphore(%run_scoped3A_198 : memref<!tpu.dma_semaphore, #tpu.memory_space<semaphore_mem>>) {add = true}
      %dma_wait3A_207 = arith.constant 0 : i32
      %dma_wait3A_208 = tpu.memref_slice %arg12[%run_scoped3A_110, %dma_wait3A_207] : memref<1x80xf32, #tpu.memory_space<vmem>> -> memref<1x80xf32, #tpu.memory_space<vmem>>
      %dma_wait3A_209 = tpu.memref_squeeze %dma_wait3A_208 : memref<1x80xf32, #tpu.memory_space<vmem>> -> memref<80xf32, #tpu.memory_space<vmem>>
      %dma_wait3A_210 = arith.constant 0 : i32
      %dma_wait3A_211 = tpu.memref_slice %arg10[%run_scoped3A_111, %dma_wait3A_210] : memref<125x80xi32, #tpu.memory_space<vmem>> -> memref<1x80xi32, #tpu.memory_space<vmem>>
      %dma_wait3A_212 = tpu.memref_squeeze %dma_wait3A_211 : memref<1x80xi32, #tpu.memory_space<vmem>> -> memref<80xi32, #tpu.memory_space<vmem>>
      %dma_wait3A_213 = arith.constant 0 : i32
      %dma_wait3A_214 = tpu.memref_slice %arg18[%dma_wait3A_213] : memref<10000xf32, #tpu.memory_space<vmem_shared>> -> memref<10000xf32, #tpu.memory_space<vmem_shared>>
      tpu.wait_indirect_dma semaphore(%run_scoped3A_198 : memref<!tpu.dma_semaphore, #tpu.memory_space<semaphore_mem>>) src(%dma_wait3A_209 : memref<80xf32, #tpu.memory_space<vmem>>) dst(%dma_wait3A_214 : memref<10000xf32, #tpu.memory_space<vmem_shared>>)
      tpu.yield
    }) : () -> ()
    %add3A_112 = arith.constant 9920 : i32
    %add3A_113 = arith.addi %mul3A_13, %add3A_112 : i32
    %dma_start3A_114 = arith.constant 0 : i32
    %dma_start3A_115 = tpu.memref_slice %arg2[%add3A_113, %dma_start3A_114] : memref<320000x128xf32, #tpu.memory_space<hbm>> -> memref<80x128xf32, #tpu.memory_space<hbm>>
    %dma_start3A_116 = arith.constant 0 : i32
    %dma_start3A_117 = tpu.memref_slice %arg2[%add3A_113, %dma_start3A_116] : memref<320000x128xf32, #tpu.memory_space<hbm>> -> memref<80x128xf32, #tpu.memory_space<hbm>>
    tpu.enqueue_dma source(%dma_start3A_117 : memref<80x128xf32, #tpu.memory_space<hbm>>) target(%arg15 : memref<80x128xf32, #tpu.memory_space<vmem>>) target_semaphore(%arg20 : memref<!tpu.dma_semaphore, #tpu.memory_space<semaphore_mem>>)
    %add3A_118 = arith.constant 124 : i32
    %add3A_119 = arith.addi %mul3A_15, %add3A_118 : i32
    %dma_start3A_120 = arith.constant 0 : i32
    %dma_start3A_121 = arith.constant 0 : i32
    %dma_start3A_122 = tpu.memref_slice %arg3[%add3A_119, %dma_start3A_120, %dma_start3A_121] : memref<4000x1x80xf32, #tpu.memory_space<hbm>> -> memref<1x1x80xf32, #tpu.memory_space<hbm>>
    %dma_start3A_123 = tpu.memref_squeeze %dma_start3A_122 : memref<1x1x80xf32, #tpu.memory_space<hbm>> -> memref<1x80xf32, #tpu.memory_space<hbm>>
    %dma_start3A_124 = arith.constant 0 : i32
    %dma_start3A_125 = arith.constant 0 : i32
    %dma_start3A_126 = tpu.memref_slice %arg3[%add3A_119, %dma_start3A_124, %dma_start3A_125] : memref<4000x1x80xf32, #tpu.memory_space<hbm>> -> memref<1x1x80xf32, #tpu.memory_space<hbm>>
    %dma_start3A_127 = tpu.memref_squeeze %dma_start3A_126 : memref<1x1x80xf32, #tpu.memory_space<hbm>> -> memref<1x80xf32, #tpu.memory_space<hbm>>
    tpu.enqueue_dma source(%dma_start3A_127 : memref<1x80xf32, #tpu.memory_space<hbm>>) target(%arg12 : memref<1x80xf32, #tpu.memory_space<vmem>>) target_semaphore(%arg20 : memref<!tpu.dma_semaphore, #tpu.memory_space<semaphore_mem>>)
    %dma_wait3A_128 = arith.constant 0 : i32
    %dma_wait3A_129 = tpu.memref_slice %arg2[%mul3A_13, %dma_wait3A_128] : memref<320000x128xf32, #tpu.memory_space<hbm>> -> memref<80x128xf32, #tpu.memory_space<hbm>>
    %dma_wait3A_130 = arith.constant 0 : i32
    %dma_wait3A_131 = tpu.memref_slice %arg2[%mul3A_13, %dma_wait3A_130] : memref<320000x128xf32, #tpu.memory_space<hbm>> -> memref<80x128xf32, #tpu.memory_space<hbm>>
    tpu.wait_dma2 semaphore(%arg21 : memref<!tpu.dma_semaphore, #tpu.memory_space<semaphore_mem>>) src(%dma_wait3A_131 : memref<80x128xf32, #tpu.memory_space<hbm>>) dst(%arg16 : memref<80x128xf32, #tpu.memory_space<vmem>>)
    %dma_wait3A_132 = arith.constant 0 : i32
    %dma_wait3A_133 = arith.constant 0 : i32
    %dma_wait3A_134 = tpu.memref_slice %arg3[%mul3A_15, %dma_wait3A_132, %dma_wait3A_133] : memref<4000x1x80xf32, #tpu.memory_space<hbm>> -> memref<1x1x80xf32, #tpu.memory_space<hbm>>
    %dma_wait3A_135 = tpu.memref_squeeze %dma_wait3A_134 : memref<1x1x80xf32, #tpu.memory_space<hbm>> -> memref<1x80xf32, #tpu.memory_space<hbm>>
    %dma_wait3A_136 = arith.constant 0 : i32
    %dma_wait3A_137 = arith.constant 0 : i32
    %dma_wait3A_138 = tpu.memref_slice %arg3[%mul3A_15, %dma_wait3A_136, %dma_wait3A_137] : memref<4000x1x80xf32, #tpu.memory_space<hbm>> -> memref<1x1x80xf32, #tpu.memory_space<hbm>>
    %dma_wait3A_139 = tpu.memref_squeeze %dma_wait3A_138 : memref<1x1x80xf32, #tpu.memory_space<hbm>> -> memref<1x80xf32, #tpu.memory_space<hbm>>
    tpu.wait_dma2 semaphore(%arg21 : memref<!tpu.dma_semaphore, #tpu.memory_space<semaphore_mem>>) src(%dma_wait3A_139 : memref<1x80xf32, #tpu.memory_space<hbm>>) dst(%arg13 : memref<1x80xf32, #tpu.memory_space<vmem>>)
    %run_scoped3A_140 = arith.constant 122 : i32
    "tpu.region"() ({
      %run_scoped3A_198 = tpu.sem_alloc : memref<!tpu.dma_semaphore, #tpu.memory_space<semaphore_mem>>
      %dma_start3A_199 = arith.constant 0 : i32
      %dma_start3A_200 = tpu.memref_slice %arg10[%run_scoped3A_140, %dma_start3A_199] : memref<125x80xi32, #tpu.memory_space<vmem>> -> memref<1x80xi32, #tpu.memory_space<vmem>>
      %dma_start3A_201 = tpu.memref_squeeze %dma_start3A_200 : memref<1x80xi32, #tpu.memory_space<vmem>> -> memref<80xi32, #tpu.memory_space<vmem>>
      %dma_start3A_202 = arith.constant 0 : i32
      %dma_start3A_203 = arith.constant 0 : i32
      %dma_start3A_204 = tpu.memref_slice %arg17[%dma_start3A_202, %dma_start3A_203] : memref<10000x128xf32, #tpu.memory_space<vmem_shared>> -> memref<10000x128xf32, #tpu.memory_space<vmem_shared>>
      tpu.enqueue_indirect_dma source(%arg16 : memref<80x128xf32, #tpu.memory_space<vmem>>) target(%dma_start3A_204 : memref<10000x128xf32, #tpu.memory_space<vmem_shared>>) offsets(%dma_start3A_201 : memref<80xi32, #tpu.memory_space<vmem>>) semaphore(%run_scoped3A_198 : memref<!tpu.dma_semaphore, #tpu.memory_space<semaphore_mem>>) {add = true}
      %dma_wait3A_205 = arith.constant 0 : i32
      %dma_wait3A_206 = tpu.memref_slice %arg10[%run_scoped3A_140, %dma_wait3A_205] : memref<125x80xi32, #tpu.memory_space<vmem>> -> memref<1x80xi32, #tpu.memory_space<vmem>>
      %dma_wait3A_207 = tpu.memref_squeeze %dma_wait3A_206 : memref<1x80xi32, #tpu.memory_space<vmem>> -> memref<80xi32, #tpu.memory_space<vmem>>
      %dma_wait3A_208 = arith.constant 0 : i32
      %dma_wait3A_209 = arith.constant 0 : i32
      %dma_wait3A_210 = tpu.memref_slice %arg17[%dma_wait3A_208, %dma_wait3A_209] : memref<10000x128xf32, #tpu.memory_space<vmem_shared>> -> memref<10000x128xf32, #tpu.memory_space<vmem_shared>>
      tpu.wait_indirect_dma semaphore(%run_scoped3A_198 : memref<!tpu.dma_semaphore, #tpu.memory_space<semaphore_mem>>) src(%arg16 : memref<80x128xf32, #tpu.memory_space<vmem>>) dst(%dma_wait3A_210 : memref<10000x128xf32, #tpu.memory_space<vmem_shared>>)
      tpu.yield
    }) : () -> ()
    %run_scoped3A_141 = arith.constant 0 : i32
    %run_scoped3A_142 = arith.constant 122 : i32
    "tpu.region"() ({
      %run_scoped3A_198 = tpu.sem_alloc : memref<!tpu.dma_semaphore, #tpu.memory_space<semaphore_mem>>
      %dma_start3A_199 = arith.constant 0 : i32
      %dma_start3A_200 = tpu.memref_slice %arg13[%run_scoped3A_141, %dma_start3A_199] : memref<1x80xf32, #tpu.memory_space<vmem>> -> memref<1x80xf32, #tpu.memory_space<vmem>>
      %dma_start3A_201 = tpu.memref_squeeze %dma_start3A_200 : memref<1x80xf32, #tpu.memory_space<vmem>> -> memref<80xf32, #tpu.memory_space<vmem>>
      %dma_start3A_202 = arith.constant 0 : i32
      %dma_start3A_203 = tpu.memref_slice %arg10[%run_scoped3A_142, %dma_start3A_202] : memref<125x80xi32, #tpu.memory_space<vmem>> -> memref<1x80xi32, #tpu.memory_space<vmem>>
      %dma_start3A_204 = tpu.memref_squeeze %dma_start3A_203 : memref<1x80xi32, #tpu.memory_space<vmem>> -> memref<80xi32, #tpu.memory_space<vmem>>
      %dma_start3A_205 = arith.constant 0 : i32
      %dma_start3A_206 = tpu.memref_slice %arg18[%dma_start3A_205] : memref<10000xf32, #tpu.memory_space<vmem_shared>> -> memref<10000xf32, #tpu.memory_space<vmem_shared>>
      tpu.enqueue_indirect_dma source(%dma_start3A_201 : memref<80xf32, #tpu.memory_space<vmem>>) target(%dma_start3A_206 : memref<10000xf32, #tpu.memory_space<vmem_shared>>) offsets(%dma_start3A_204 : memref<80xi32, #tpu.memory_space<vmem>>) semaphore(%run_scoped3A_198 : memref<!tpu.dma_semaphore, #tpu.memory_space<semaphore_mem>>) {add = true}
      %dma_wait3A_207 = arith.constant 0 : i32
      %dma_wait3A_208 = tpu.memref_slice %arg13[%run_scoped3A_141, %dma_wait3A_207] : memref<1x80xf32, #tpu.memory_space<vmem>> -> memref<1x80xf32, #tpu.memory_space<vmem>>
      %dma_wait3A_209 = tpu.memref_squeeze %dma_wait3A_208 : memref<1x80xf32, #tpu.memory_space<vmem>> -> memref<80xf32, #tpu.memory_space<vmem>>
      %dma_wait3A_210 = arith.constant 0 : i32
      %dma_wait3A_211 = tpu.memref_slice %arg10[%run_scoped3A_142, %dma_wait3A_210] : memref<125x80xi32, #tpu.memory_space<vmem>> -> memref<1x80xi32, #tpu.memory_space<vmem>>
      %dma_wait3A_212 = tpu.memref_squeeze %dma_wait3A_211 : memref<1x80xi32, #tpu.memory_space<vmem>> -> memref<80xi32, #tpu.memory_space<vmem>>
      %dma_wait3A_213 = arith.constant 0 : i32
      %dma_wait3A_214 = tpu.memref_slice %arg18[%dma_wait3A_213] : memref<10000xf32, #tpu.memory_space<vmem_shared>> -> memref<10000xf32, #tpu.memory_space<vmem_shared>>
      tpu.wait_indirect_dma semaphore(%run_scoped3A_198 : memref<!tpu.dma_semaphore, #tpu.memory_space<semaphore_mem>>) src(%dma_wait3A_209 : memref<80xf32, #tpu.memory_space<vmem>>) dst(%dma_wait3A_214 : memref<10000xf32, #tpu.memory_space<vmem_shared>>)
      tpu.yield
    }) : () -> ()
    %dma_wait3A_143 = arith.constant 0 : i32
    %dma_wait3A_144 = tpu.memref_slice %arg2[%mul3A_13, %dma_wait3A_143] : memref<320000x128xf32, #tpu.memory_space<hbm>> -> memref<80x128xf32, #tpu.memory_space<hbm>>
    %dma_wait3A_145 = arith.constant 0 : i32
    %dma_wait3A_146 = tpu.memref_slice %arg2[%mul3A_13, %dma_wait3A_145] : memref<320000x128xf32, #tpu.memory_space<hbm>> -> memref<80x128xf32, #tpu.memory_space<hbm>>
    tpu.wait_dma2 semaphore(%arg19 : memref<!tpu.dma_semaphore, #tpu.memory_space<semaphore_mem>>) src(%dma_wait3A_146 : memref<80x128xf32, #tpu.memory_space<hbm>>) dst(%arg14 : memref<80x128xf32, #tpu.memory_space<vmem>>)
    %dma_wait3A_147 = arith.constant 0 : i32
    %dma_wait3A_148 = arith.constant 0 : i32
    %dma_wait3A_149 = tpu.memref_slice %arg3[%mul3A_15, %dma_wait3A_147, %dma_wait3A_148] : memref<4000x1x80xf32, #tpu.memory_space<hbm>> -> memref<1x1x80xf32, #tpu.memory_space<hbm>>
    %dma_wait3A_150 = tpu.memref_squeeze %dma_wait3A_149 : memref<1x1x80xf32, #tpu.memory_space<hbm>> -> memref<1x80xf32, #tpu.memory_space<hbm>>
    %dma_wait3A_151 = arith.constant 0 : i32
    %dma_wait3A_152 = arith.constant 0 : i32
    %dma_wait3A_153 = tpu.memref_slice %arg3[%mul3A_15, %dma_wait3A_151, %dma_wait3A_152] : memref<4000x1x80xf32, #tpu.memory_space<hbm>> -> memref<1x1x80xf32, #tpu.memory_space<hbm>>
    %dma_wait3A_154 = tpu.memref_squeeze %dma_wait3A_153 : memref<1x1x80xf32, #tpu.memory_space<hbm>> -> memref<1x80xf32, #tpu.memory_space<hbm>>
    tpu.wait_dma2 semaphore(%arg19 : memref<!tpu.dma_semaphore, #tpu.memory_space<semaphore_mem>>) src(%dma_wait3A_154 : memref<1x80xf32, #tpu.memory_space<hbm>>) dst(%arg11 : memref<1x80xf32, #tpu.memory_space<vmem>>)
    %run_scoped3A_155 = arith.constant 123 : i32
    "tpu.region"() ({
      %run_scoped3A_198 = tpu.sem_alloc : memref<!tpu.dma_semaphore, #tpu.memory_space<semaphore_mem>>
      %dma_start3A_199 = arith.constant 0 : i32
      %dma_start3A_200 = tpu.memref_slice %arg10[%run_scoped3A_155, %dma_start3A_199] : memref<125x80xi32, #tpu.memory_space<vmem>> -> memref<1x80xi32, #tpu.memory_space<vmem>>
      %dma_start3A_201 = tpu.memref_squeeze %dma_start3A_200 : memref<1x80xi32, #tpu.memory_space<vmem>> -> memref<80xi32, #tpu.memory_space<vmem>>
      %dma_start3A_202 = arith.constant 0 : i32
      %dma_start3A_203 = arith.constant 0 : i32
      %dma_start3A_204 = tpu.memref_slice %arg17[%dma_start3A_202, %dma_start3A_203] : memref<10000x128xf32, #tpu.memory_space<vmem_shared>> -> memref<10000x128xf32, #tpu.memory_space<vmem_shared>>
      tpu.enqueue_indirect_dma source(%arg14 : memref<80x128xf32, #tpu.memory_space<vmem>>) target(%dma_start3A_204 : memref<10000x128xf32, #tpu.memory_space<vmem_shared>>) offsets(%dma_start3A_201 : memref<80xi32, #tpu.memory_space<vmem>>) semaphore(%run_scoped3A_198 : memref<!tpu.dma_semaphore, #tpu.memory_space<semaphore_mem>>) {add = true}
      %dma_wait3A_205 = arith.constant 0 : i32
      %dma_wait3A_206 = tpu.memref_slice %arg10[%run_scoped3A_155, %dma_wait3A_205] : memref<125x80xi32, #tpu.memory_space<vmem>> -> memref<1x80xi32, #tpu.memory_space<vmem>>
      %dma_wait3A_207 = tpu.memref_squeeze %dma_wait3A_206 : memref<1x80xi32, #tpu.memory_space<vmem>> -> memref<80xi32, #tpu.memory_space<vmem>>
      %dma_wait3A_208 = arith.constant 0 : i32
      %dma_wait3A_209 = arith.constant 0 : i32
      %dma_wait3A_210 = tpu.memref_slice %arg17[%dma_wait3A_208, %dma_wait3A_209] : memref<10000x128xf32, #tpu.memory_space<vmem_shared>> -> memref<10000x128xf32, #tpu.memory_space<vmem_shared>>
      tpu.wait_indirect_dma semaphore(%run_scoped3A_198 : memref<!tpu.dma_semaphore, #tpu.memory_space<semaphore_mem>>) src(%arg14 : memref<80x128xf32, #tpu.memory_space<vmem>>) dst(%dma_wait3A_210 : memref<10000x128xf32, #tpu.memory_space<vmem_shared>>)
      tpu.yield
    }) : () -> ()
    %run_scoped3A_156 = arith.constant 0 : i32
    %run_scoped3A_157 = arith.constant 123 : i32
    "tpu.region"() ({
      %run_scoped3A_198 = tpu.sem_alloc : memref<!tpu.dma_semaphore, #tpu.memory_space<semaphore_mem>>
      %dma_start3A_199 = arith.constant 0 : i32
      %dma_start3A_200 = tpu.memref_slice %arg11[%run_scoped3A_156, %dma_start3A_199] : memref<1x80xf32, #tpu.memory_space<vmem>> -> memref<1x80xf32, #tpu.memory_space<vmem>>
      %dma_start3A_201 = tpu.memref_squeeze %dma_start3A_200 : memref<1x80xf32, #tpu.memory_space<vmem>> -> memref<80xf32, #tpu.memory_space<vmem>>
      %dma_start3A_202 = arith.constant 0 : i32
      %dma_start3A_203 = tpu.memref_slice %arg10[%run_scoped3A_157, %dma_start3A_202] : memref<125x80xi32, #tpu.memory_space<vmem>> -> memref<1x80xi32, #tpu.memory_space<vmem>>
      %dma_start3A_204 = tpu.memref_squeeze %dma_start3A_203 : memref<1x80xi32, #tpu.memory_space<vmem>> -> memref<80xi32, #tpu.memory_space<vmem>>
      %dma_start3A_205 = arith.constant 0 : i32
      %dma_start3A_206 = tpu.memref_slice %arg18[%dma_start3A_205] : memref<10000xf32, #tpu.memory_space<vmem_shared>> -> memref<10000xf32, #tpu.memory_space<vmem_shared>>
      tpu.enqueue_indirect_dma source(%dma_start3A_201 : memref<80xf32, #tpu.memory_space<vmem>>) target(%dma_start3A_206 : memref<10000xf32, #tpu.memory_space<vmem_shared>>) offsets(%dma_start3A_204 : memref<80xi32, #tpu.memory_space<vmem>>) semaphore(%run_scoped3A_198 : memref<!tpu.dma_semaphore, #tpu.memory_space<semaphore_mem>>) {add = true}
      %dma_wait3A_207 = arith.constant 0 : i32
      %dma_wait3A_208 = tpu.memref_slice %arg11[%run_scoped3A_156, %dma_wait3A_207] : memref<1x80xf32, #tpu.memory_space<vmem>> -> memref<1x80xf32, #tpu.memory_space<vmem>>
      %dma_wait3A_209 = tpu.memref_squeeze %dma_wait3A_208 : memref<1x80xf32, #tpu.memory_space<vmem>> -> memref<80xf32, #tpu.memory_space<vmem>>
      %dma_wait3A_210 = arith.constant 0 : i32
      %dma_wait3A_211 = tpu.memref_slice %arg10[%run_scoped3A_157, %dma_wait3A_210] : memref<125x80xi32, #tpu.memory_space<vmem>> -> memref<1x80xi32, #tpu.memory_space<vmem>>
      %dma_wait3A_212 = tpu.memref_squeeze %dma_wait3A_211 : memref<1x80xi32, #tpu.memory_space<vmem>> -> memref<80xi32, #tpu.memory_space<vmem>>
      %dma_wait3A_213 = arith.constant 0 : i32
      %dma_wait3A_214 = tpu.memref_slice %arg18[%dma_wait3A_213] : memref<10000xf32, #tpu.memory_space<vmem_shared>> -> memref<10000xf32, #tpu.memory_space<vmem_shared>>
      tpu.wait_indirect_dma semaphore(%run_scoped3A_198 : memref<!tpu.dma_semaphore, #tpu.memory_space<semaphore_mem>>) src(%dma_wait3A_209 : memref<80xf32, #tpu.memory_space<vmem>>) dst(%dma_wait3A_214 : memref<10000xf32, #tpu.memory_space<vmem_shared>>)
      tpu.yield
    }) : () -> ()
    %dma_wait3A_158 = arith.constant 0 : i32
    %dma_wait3A_159 = tpu.memref_slice %arg2[%mul3A_13, %dma_wait3A_158] : memref<320000x128xf32, #tpu.memory_space<hbm>> -> memref<80x128xf32, #tpu.memory_space<hbm>>
    %dma_wait3A_160 = arith.constant 0 : i32
    %dma_wait3A_161 = tpu.memref_slice %arg2[%mul3A_13, %dma_wait3A_160] : memref<320000x128xf32, #tpu.memory_space<hbm>> -> memref<80x128xf32, #tpu.memory_space<hbm>>
    tpu.wait_dma2 semaphore(%arg20 : memref<!tpu.dma_semaphore, #tpu.memory_space<semaphore_mem>>) src(%dma_wait3A_161 : memref<80x128xf32, #tpu.memory_space<hbm>>) dst(%arg15 : memref<80x128xf32, #tpu.memory_space<vmem>>)
    %dma_wait3A_162 = arith.constant 0 : i32
    %dma_wait3A_163 = arith.constant 0 : i32
    %dma_wait3A_164 = tpu.memref_slice %arg3[%mul3A_15, %dma_wait3A_162, %dma_wait3A_163] : memref<4000x1x80xf32, #tpu.memory_space<hbm>> -> memref<1x1x80xf32, #tpu.memory_space<hbm>>
    %dma_wait3A_165 = tpu.memref_squeeze %dma_wait3A_164 : memref<1x1x80xf32, #tpu.memory_space<hbm>> -> memref<1x80xf32, #tpu.memory_space<hbm>>
    %dma_wait3A_166 = arith.constant 0 : i32
    %dma_wait3A_167 = arith.constant 0 : i32
    %dma_wait3A_168 = tpu.memref_slice %arg3[%mul3A_15, %dma_wait3A_166, %dma_wait3A_167] : memref<4000x1x80xf32, #tpu.memory_space<hbm>> -> memref<1x1x80xf32, #tpu.memory_space<hbm>>
    %dma_wait3A_169 = tpu.memref_squeeze %dma_wait3A_168 : memref<1x1x80xf32, #tpu.memory_space<hbm>> -> memref<1x80xf32, #tpu.memory_space<hbm>>
    tpu.wait_dma2 semaphore(%arg20 : memref<!tpu.dma_semaphore, #tpu.memory_space<semaphore_mem>>) src(%dma_wait3A_169 : memref<1x80xf32, #tpu.memory_space<hbm>>) dst(%arg12 : memref<1x80xf32, #tpu.memory_space<vmem>>)
    %run_scoped3A_170 = arith.constant 124 : i32
    "tpu.region"() ({
      %run_scoped3A_198 = tpu.sem_alloc : memref<!tpu.dma_semaphore, #tpu.memory_space<semaphore_mem>>
      %dma_start3A_199 = arith.constant 0 : i32
      %dma_start3A_200 = tpu.memref_slice %arg10[%run_scoped3A_170, %dma_start3A_199] : memref<125x80xi32, #tpu.memory_space<vmem>> -> memref<1x80xi32, #tpu.memory_space<vmem>>
      %dma_start3A_201 = tpu.memref_squeeze %dma_start3A_200 : memref<1x80xi32, #tpu.memory_space<vmem>> -> memref<80xi32, #tpu.memory_space<vmem>>
      %dma_start3A_202 = arith.constant 0 : i32
      %dma_start3A_203 = arith.constant 0 : i32
      %dma_start3A_204 = tpu.memref_slice %arg17[%dma_start3A_202, %dma_start3A_203] : memref<10000x128xf32, #tpu.memory_space<vmem_shared>> -> memref<10000x128xf32, #tpu.memory_space<vmem_shared>>
      tpu.enqueue_indirect_dma source(%arg15 : memref<80x128xf32, #tpu.memory_space<vmem>>) target(%dma_start3A_204 : memref<10000x128xf32, #tpu.memory_space<vmem_shared>>) offsets(%dma_start3A_201 : memref<80xi32, #tpu.memory_space<vmem>>) semaphore(%run_scoped3A_198 : memref<!tpu.dma_semaphore, #tpu.memory_space<semaphore_mem>>) {add = true}
      %dma_wait3A_205 = arith.constant 0 : i32
      %dma_wait3A_206 = tpu.memref_slice %arg10[%run_scoped3A_170, %dma_wait3A_205] : memref<125x80xi32, #tpu.memory_space<vmem>> -> memref<1x80xi32, #tpu.memory_space<vmem>>
      %dma_wait3A_207 = tpu.memref_squeeze %dma_wait3A_206 : memref<1x80xi32, #tpu.memory_space<vmem>> -> memref<80xi32, #tpu.memory_space<vmem>>
      %dma_wait3A_208 = arith.constant 0 : i32
      %dma_wait3A_209 = arith.constant 0 : i32
      %dma_wait3A_210 = tpu.memref_slice %arg17[%dma_wait3A_208, %dma_wait3A_209] : memref<10000x128xf32, #tpu.memory_space<vmem_shared>> -> memref<10000x128xf32, #tpu.memory_space<vmem_shared>>
      tpu.wait_indirect_dma semaphore(%run_scoped3A_198 : memref<!tpu.dma_semaphore, #tpu.memory_space<semaphore_mem>>) src(%arg15 : memref<80x128xf32, #tpu.memory_space<vmem>>) dst(%dma_wait3A_210 : memref<10000x128xf32, #tpu.memory_space<vmem_shared>>)
      tpu.yield
    }) : () -> ()
    %run_scoped3A_171 = arith.constant 0 : i32
    %run_scoped3A_172 = arith.constant 124 : i32
    "tpu.region"() ({
      %run_scoped3A_198 = tpu.sem_alloc : memref<!tpu.dma_semaphore, #tpu.memory_space<semaphore_mem>>
      %dma_start3A_199 = arith.constant 0 : i32
      %dma_start3A_200 = tpu.memref_slice %arg12[%run_scoped3A_171, %dma_start3A_199] : memref<1x80xf32, #tpu.memory_space<vmem>> -> memref<1x80xf32, #tpu.memory_space<vmem>>
      %dma_start3A_201 = tpu.memref_squeeze %dma_start3A_200 : memref<1x80xf32, #tpu.memory_space<vmem>> -> memref<80xf32, #tpu.memory_space<vmem>>
      %dma_start3A_202 = arith.constant 0 : i32
      %dma_start3A_203 = tpu.memref_slice %arg10[%run_scoped3A_172, %dma_start3A_202] : memref<125x80xi32, #tpu.memory_space<vmem>> -> memref<1x80xi32, #tpu.memory_space<vmem>>
      %dma_start3A_204 = tpu.memref_squeeze %dma_start3A_203 : memref<1x80xi32, #tpu.memory_space<vmem>> -> memref<80xi32, #tpu.memory_space<vmem>>
      %dma_start3A_205 = arith.constant 0 : i32
      %dma_start3A_206 = tpu.memref_slice %arg18[%dma_start3A_205] : memref<10000xf32, #tpu.memory_space<vmem_shared>> -> memref<10000xf32, #tpu.memory_space<vmem_shared>>
      tpu.enqueue_indirect_dma source(%dma_start3A_201 : memref<80xf32, #tpu.memory_space<vmem>>) target(%dma_start3A_206 : memref<10000xf32, #tpu.memory_space<vmem_shared>>) offsets(%dma_start3A_204 : memref<80xi32, #tpu.memory_space<vmem>>) semaphore(%run_scoped3A_198 : memref<!tpu.dma_semaphore, #tpu.memory_space<semaphore_mem>>) {add = true}
      %dma_wait3A_207 = arith.constant 0 : i32
      %dma_wait3A_208 = tpu.memref_slice %arg12[%run_scoped3A_171, %dma_wait3A_207] : memref<1x80xf32, #tpu.memory_space<vmem>> -> memref<1x80xf32, #tpu.memory_space<vmem>>
      %dma_wait3A_209 = tpu.memref_squeeze %dma_wait3A_208 : memref<1x80xf32, #tpu.memory_space<vmem>> -> memref<80xf32, #tpu.memory_space<vmem>>
      %dma_wait3A_210 = arith.constant 0 : i32
      %dma_wait3A_211 = tpu.memref_slice %arg10[%run_scoped3A_172, %dma_wait3A_210] : memref<125x80xi32, #tpu.memory_space<vmem>> -> memref<1x80xi32, #tpu.memory_space<vmem>>
      %dma_wait3A_212 = tpu.memref_squeeze %dma_wait3A_211 : memref<1x80xi32, #tpu.memory_space<vmem>> -> memref<80xi32, #tpu.memory_space<vmem>>
      %dma_wait3A_213 = arith.constant 0 : i32
      %dma_wait3A_214 = tpu.memref_slice %arg18[%dma_wait3A_213] : memref<10000xf32, #tpu.memory_space<vmem_shared>> -> memref<10000xf32, #tpu.memory_space<vmem_shared>>
      tpu.wait_indirect_dma semaphore(%run_scoped3A_198 : memref<!tpu.dma_semaphore, #tpu.memory_space<semaphore_mem>>) src(%dma_wait3A_209 : memref<80xf32, #tpu.memory_space<vmem>>) dst(%dma_wait3A_214 : memref<10000xf32, #tpu.memory_space<vmem_shared>>)
      tpu.yield
    }) : () -> ()
    %barrier3A_173 = arith.constant 0 : index
    tpu.barrier barrier_id(%barrier3A_173)
    %mul3A_174 = arith.constant 624 : i32
    %mul3A_175 = arith.muli %arg1, %mul3A_174 : i32
    %mul3A_176 = arith.constant 624 : i32
    %mul3A_177 = arith.muli %arg1, %mul3A_176 : i32
    "tpu.region"() ({
      %run_scoped3A_198 = tpu.sem_alloc : memref<!tpu.dma_semaphore, #tpu.memory_space<semaphore_mem>>
      %dma_start3A_199 = arith.constant 0 : i32
      %dma_start3A_200 = arith.constant 0 : i32
      %dma_start3A_201 = tpu.memref_slice %arg7[%arg0, %dma_start3A_199, %dma_start3A_200] : memref<2x10000x128xf32, #tpu.memory_space<hbm>> -> memref<1x10000x128xf32, #tpu.memory_space<hbm>>
      %dma_start3A_202 = tpu.memref_squeeze %dma_start3A_201 : memref<1x10000x128xf32, #tpu.memory_space<hbm>> -> memref<10000x128xf32, #tpu.memory_space<hbm>>
      %dma_start3A_203 = arith.constant 0 : i32
      %dma_start3A_204 = tpu.memref_slice %dma_start3A_202[%mul3A_177, %dma_start3A_203] : memref<10000x128xf32, #tpu.memory_space<hbm>> -> memref<624x128xf32, #tpu.memory_space<hbm>>
      %dma_start3A_205 = arith.constant 0 : i32
      %dma_start3A_206 = tpu.memref_slice %arg17[%mul3A_175, %dma_start3A_205] : memref<10000x128xf32, #tpu.memory_space<vmem_shared>> -> memref<624x128xf32, #tpu.memory_space<vmem_shared>>
      tpu.enqueue_dma source(%dma_start3A_206 : memref<624x128xf32, #tpu.memory_space<vmem_shared>>) target(%dma_start3A_204 : memref<624x128xf32, #tpu.memory_space<hbm>>) target_semaphore(%run_scoped3A_198 : memref<!tpu.dma_semaphore, #tpu.memory_space<semaphore_mem>>)
      %dma_wait3A_207 = arith.constant 0 : i32
      %dma_wait3A_208 = arith.constant 0 : i32
      %dma_wait3A_209 = tpu.memref_slice %arg7[%arg0, %dma_wait3A_207, %dma_wait3A_208] : memref<2x10000x128xf32, #tpu.memory_space<hbm>> -> memref<1x10000x128xf32, #tpu.memory_space<hbm>>
      %dma_wait3A_210 = tpu.memref_squeeze %dma_wait3A_209 : memref<1x10000x128xf32, #tpu.memory_space<hbm>> -> memref<10000x128xf32, #tpu.memory_space<hbm>>
      %dma_wait3A_211 = arith.constant 0 : i32
      %dma_wait3A_212 = tpu.memref_slice %dma_wait3A_210[%mul3A_177, %dma_wait3A_211] : memref<10000x128xf32, #tpu.memory_space<hbm>> -> memref<624x128xf32, #tpu.memory_space<hbm>>
      %dma_wait3A_213 = arith.constant 0 : i32
      %dma_wait3A_214 = tpu.memref_slice %arg17[%mul3A_175, %dma_wait3A_213] : memref<10000x128xf32, #tpu.memory_space<vmem_shared>> -> memref<624x128xf32, #tpu.memory_space<vmem_shared>>
      tpu.wait_dma2 semaphore(%run_scoped3A_198 : memref<!tpu.dma_semaphore, #tpu.memory_space<semaphore_mem>>) src(%dma_wait3A_214 : memref<624x128xf32, #tpu.memory_space<vmem_shared>>) dst(%dma_wait3A_212 : memref<624x128xf32, #tpu.memory_space<hbm>>)
      tpu.yield
    }) : () -> ()
    %eq3A_178 = arith.constant 15 : i32
    %eq3A_179 = arith.cmpi eq, %arg1, %eq3A_178 : i32
    %convert_element_type3A_180 = arith.extui %eq3A_179 : i1 to i32
    %cond3A_181 = arith.constant 0 : i32
    %cond3A_182 = arith.cmpi ne, %convert_element_type3A_180, %cond3A_181 : i32
    scf.if %cond3A_182 {
      "tpu.region"() ({
        %run_scoped3A_198 = tpu.sem_alloc : memref<!tpu.dma_semaphore, #tpu.memory_space<semaphore_mem>>
        %dma_start3A_199 = arith.constant 0 : i32
        %dma_start3A_200 = arith.constant 0 : i32
        %dma_start3A_201 = tpu.memref_slice %arg7[%arg0, %dma_start3A_199, %dma_start3A_200] : memref<2x10000x128xf32, #tpu.memory_space<hbm>> -> memref<1x10000x128xf32, #tpu.memory_space<hbm>>
        %dma_start3A_202 = tpu.memref_squeeze %dma_start3A_201 : memref<1x10000x128xf32, #tpu.memory_space<hbm>> -> memref<10000x128xf32, #tpu.memory_space<hbm>>
        %dma_start3A_203 = arith.constant 9984 : i32
        %dma_start3A_204 = arith.constant 0 : i32
        %dma_start3A_205 = tpu.memref_slice %dma_start3A_202[%dma_start3A_203, %dma_start3A_204] : memref<10000x128xf32, #tpu.memory_space<hbm>> -> memref<16x128xf32, #tpu.memory_space<hbm>>
        %dma_start3A_206 = arith.constant 9984 : i32
        %dma_start3A_207 = arith.constant 0 : i32
        %dma_start3A_208 = tpu.memref_slice %arg17[%dma_start3A_206, %dma_start3A_207] : memref<10000x128xf32, #tpu.memory_space<vmem_shared>> -> memref<16x128xf32, #tpu.memory_space<vmem_shared>>
        tpu.enqueue_dma source(%dma_start3A_208 : memref<16x128xf32, #tpu.memory_space<vmem_shared>>) target(%dma_start3A_205 : memref<16x128xf32, #tpu.memory_space<hbm>>) target_semaphore(%run_scoped3A_198 : memref<!tpu.dma_semaphore, #tpu.memory_space<semaphore_mem>>)
        %dma_wait3A_209 = arith.constant 0 : i32
        %dma_wait3A_210 = arith.constant 0 : i32
        %dma_wait3A_211 = tpu.memref_slice %arg7[%arg0, %dma_wait3A_209, %dma_wait3A_210] : memref<2x10000x128xf32, #tpu.memory_space<hbm>> -> memref<1x10000x128xf32, #tpu.memory_space<hbm>>
        %dma_wait3A_212 = tpu.memref_squeeze %dma_wait3A_211 : memref<1x10000x128xf32, #tpu.memory_space<hbm>> -> memref<10000x128xf32, #tpu.memory_space<hbm>>
        %dma_wait3A_213 = arith.constant 9984 : i32
        %dma_wait3A_214 = arith.constant 0 : i32
        %dma_wait3A_215 = tpu.memref_slice %dma_wait3A_212[%dma_wait3A_213, %dma_wait3A_214] : memref<10000x128xf32, #tpu.memory_space<hbm>> -> memref<16x128xf32, #tpu.memory_space<hbm>>
        %dma_wait3A_216 = arith.constant 9984 : i32
        %dma_wait3A_217 = arith.constant 0 : i32
        %dma_wait3A_218 = tpu.memref_slice %arg17[%dma_wait3A_216, %dma_wait3A_217] : memref<10000x128xf32, #tpu.memory_space<vmem_shared>> -> memref<16x128xf32, #tpu.memory_space<vmem_shared>>
        tpu.wait_dma2 semaphore(%run_scoped3A_198 : memref<!tpu.dma_semaphore, #tpu.memory_space<semaphore_mem>>) src(%dma_wait3A_218 : memref<16x128xf32, #tpu.memory_space<vmem_shared>>) dst(%dma_wait3A_215 : memref<16x128xf32, #tpu.memory_space<hbm>>)
        tpu.yield
      }) : () -> ()
    } else {
    }
    %eq3A_183 = arith.constant 0 : i32
    %eq3A_184 = arith.cmpi eq, %arg1, %eq3A_183 : i32
    %eq3A_185 = arith.constant 0 : i32
    %eq3A_186 = arith.cmpi eq, %arg0, %eq3A_185 : i32
    %and3A = arith.andi %eq3A_184, %eq3A_186 : i1
    %convert_element_type3A_187 = arith.extui %and3A : i1 to i32
    %cond3A_188 = arith.constant 0 : i32
    %cond3A_189 = arith.cmpi ne, %convert_element_type3A_187, %cond3A_188 : i32
    scf.if %cond3A_189 {
      "tpu.region"() ({
        %run_scoped3A_198 = tpu.sem_alloc : memref<!tpu.dma_semaphore, #tpu.memory_space<semaphore_mem>>
        tpu.enqueue_dma source(%arg18 : memref<10000xf32, #tpu.memory_space<vmem_shared>>) target(%arg8 : memref<10000xf32, #tpu.memory_space<hbm>>) target_semaphore(%run_scoped3A_198 : memref<!tpu.dma_semaphore, #tpu.memory_space<semaphore_mem>>)
        tpu.wait_dma2 semaphore(%run_scoped3A_198 : memref<!tpu.dma_semaphore, #tpu.memory_space<semaphore_mem>>) src(%arg18 : memref<10000xf32, #tpu.memory_space<vmem_shared>>) dst(%arg8 : memref<10000xf32, #tpu.memory_space<hbm>>)
        tpu.yield
      }) : () -> ()
    } else {
    }
    %eq3A_190 = arith.constant 0 : i32
    %eq3A_191 = arith.cmpi eq, %arg1, %eq3A_190 : i32
    %eq3A_192 = arith.constant 1 : i32
    %eq3A_193 = arith.cmpi eq, %arg0, %eq3A_192 : i32
    %and3A_194 = arith.andi %eq3A_191, %eq3A_193 : i1
    %convert_element_type3A_195 = arith.extui %and3A_194 : i1 to i32
    %cond3A_196 = arith.constant 0 : i32
    %cond3A_197 = arith.cmpi ne, %convert_element_type3A_195, %cond3A_196 : i32
    scf.if %cond3A_197 {
      "tpu.region"() ({
        %run_scoped3A_198 = tpu.sem_alloc : memref<!tpu.dma_semaphore, #tpu.memory_space<semaphore_mem>>
        tpu.enqueue_dma source(%arg18 : memref<10000xf32, #tpu.memory_space<vmem_shared>>) target(%arg9 : memref<10000xf32, #tpu.memory_space<hbm>>) target_semaphore(%run_scoped3A_198 : memref<!tpu.dma_semaphore, #tpu.memory_space<semaphore_mem>>)
        tpu.wait_dma2 semaphore(%run_scoped3A_198 : memref<!tpu.dma_semaphore, #tpu.memory_space<semaphore_mem>>) src(%arg18 : memref<10000xf32, #tpu.memory_space<vmem_shared>>) dst(%arg9 : memref<10000xf32, #tpu.memory_space<hbm>>)
        tpu.yield
      }) : () -> ()
    } else {
    }
    return
  }
}

#map = affine_map<(d0, d1) -> (0, 0)>
#map1 = affine_map<(d0, d1) -> (0)>
#map2 = affine_map<(d0, d1) -> (0, 0, 0)>
module attributes {stable_mosaic.version = 14 : i64} {
  func.func @_sc1(%arg0: i32, %arg1: i32, %arg2: memref<10000x128xf32, #tpu.memory_space<hbm>>, %arg3: memref<10000xf32, #tpu.memory_space<hbm>>, %arg4: memref<32x125x80xi32, #tpu.memory_space<hbm>>, %arg5: memref<32x125x80xi32, #tpu.memory_space<hbm>>, %arg6: memref<320000x128xf32, #tpu.memory_space<hbm>>, %arg7: memref<32x125x80xf32, #tpu.memory_space<hbm>>, %arg8: memref<125x80xi32, #tpu.memory_space<vmem>>, %arg9: memref<125x80xi32, #tpu.memory_space<vmem>>, %arg10: memref<80x128xf32, #tpu.memory_space<vmem>>, %arg11: memref<80x128xf32, #tpu.memory_space<vmem>>, %arg12: memref<80x128xf32, #tpu.memory_space<vmem>>, %arg13: memref<80x128xf32, #tpu.memory_space<vmem>>, %arg14: memref<80x128xf32, #tpu.memory_space<vmem>>, %arg15: memref<125x80xf32, #tpu.memory_space<vmem>>, %arg16: memref<!tpu.dma_semaphore, #tpu.memory_space<semaphore_mem>>, %arg17: memref<!tpu.dma_semaphore, #tpu.memory_space<semaphore_mem>>, %arg18: memref<!tpu.dma_semaphore, #tpu.memory_space<semaphore_mem>>, %arg19: memref<!tpu.dma_semaphore, #tpu.memory_space<semaphore_mem>>, %arg20: memref<!tpu.dma_semaphore, #tpu.memory_space<semaphore_mem>>, %arg21: memref<!tpu.dma_semaphore, #tpu.memory_space<semaphore_mem>>, %arg22: memref<!tpu.dma_semaphore, #tpu.memory_space<semaphore_mem>>, %arg23: memref<!tpu.dma_semaphore, #tpu.memory_space<semaphore_mem>>, %arg24: memref<!tpu.dma_semaphore, #tpu.memory_space<semaphore_mem>>, %arg25: memref<!tpu.dma_semaphore, #tpu.memory_space<semaphore_mem>>, %arg26: memref<!tpu.dma_semaphore, #tpu.memory_space<semaphore_mem>>) attributes {dimension_semantics = [#tpu.dimension_semantics<core_parallel>, #tpu.dimension_semantics<subcore_parallel>], iteration_bounds = array<i64: 2, 16>, scalar_prefetch = 0 : i64, scratch_operands = 19 : i64, tpu.core_type = #tpu.core_type<sc_vector_subcore>, window_params = [{transform_indices = #map}, {transform_indices = #map1}, {transform_indices = #map2}, {transform_indices = #map2}, {transform_indices = #map}, {transform_indices = #map2}]} {
    %mul3A = arith.constant 2 : i32
    %mul3A_0 = arith.muli %arg1, %mul3A : i32
    %add3A = arith.addi %mul3A_0, %arg0 : i32
    "tpu.region"() ({
      %run_scoped3A = tpu.sem_alloc : memref<!tpu.dma_semaphore, #tpu.memory_space<semaphore_mem>>
      %dma_start3A_226 = arith.constant 0 : i32
      %dma_start3A_227 = arith.constant 0 : i32
      %dma_start3A_228 = tpu.memref_slice %arg4[%add3A, %dma_start3A_226, %dma_start3A_227] : memref<32x125x80xi32, #tpu.memory_space<hbm>> -> memref<1x125x80xi32, #tpu.memory_space<hbm>>
      %dma_start3A_229 = tpu.memref_squeeze %dma_start3A_228 : memref<1x125x80xi32, #tpu.memory_space<hbm>> -> memref<125x80xi32, #tpu.memory_space<hbm>>
      %dma_start3A_230 = arith.constant 0 : i32
      %dma_start3A_231 = arith.constant 0 : i32
      %dma_start3A_232 = tpu.memref_slice %arg4[%add3A, %dma_start3A_230, %dma_start3A_231] : memref<32x125x80xi32, #tpu.memory_space<hbm>> -> memref<1x125x80xi32, #tpu.memory_space<hbm>>
      %dma_start3A_233 = tpu.memref_squeeze %dma_start3A_232 : memref<1x125x80xi32, #tpu.memory_space<hbm>> -> memref<125x80xi32, #tpu.memory_space<hbm>>
      tpu.enqueue_dma source(%dma_start3A_233 : memref<125x80xi32, #tpu.memory_space<hbm>>) target(%arg8 : memref<125x80xi32, #tpu.memory_space<vmem>>) target_semaphore(%run_scoped3A : memref<!tpu.dma_semaphore, #tpu.memory_space<semaphore_mem>>)
      %dma_wait3A_234 = arith.constant 0 : i32
      %dma_wait3A_235 = arith.constant 0 : i32
      %dma_wait3A_236 = tpu.memref_slice %arg4[%add3A, %dma_wait3A_234, %dma_wait3A_235] : memref<32x125x80xi32, #tpu.memory_space<hbm>> -> memref<1x125x80xi32, #tpu.memory_space<hbm>>
      %dma_wait3A_237 = tpu.memref_squeeze %dma_wait3A_236 : memref<1x125x80xi32, #tpu.memory_space<hbm>> -> memref<125x80xi32, #tpu.memory_space<hbm>>
      %dma_wait3A_238 = arith.constant 0 : i32
      %dma_wait3A_239 = arith.constant 0 : i32
      %dma_wait3A_240 = tpu.memref_slice %arg4[%add3A, %dma_wait3A_238, %dma_wait3A_239] : memref<32x125x80xi32, #tpu.memory_space<hbm>> -> memref<1x125x80xi32, #tpu.memory_space<hbm>>
      %dma_wait3A_241 = tpu.memref_squeeze %dma_wait3A_240 : memref<1x125x80xi32, #tpu.memory_space<hbm>> -> memref<125x80xi32, #tpu.memory_space<hbm>>
      tpu.wait_dma2 semaphore(%run_scoped3A : memref<!tpu.dma_semaphore, #tpu.memory_space<semaphore_mem>>) src(%dma_wait3A_241 : memref<125x80xi32, #tpu.memory_space<hbm>>) dst(%arg8 : memref<125x80xi32, #tpu.memory_space<vmem>>)
      tpu.yield
    }) : () -> ()
    "tpu.region"() ({
      %run_scoped3A = tpu.sem_alloc : memref<!tpu.dma_semaphore, #tpu.memory_space<semaphore_mem>>
      %dma_start3A_226 = arith.constant 0 : i32
      %dma_start3A_227 = arith.constant 0 : i32
      %dma_start3A_228 = tpu.memref_slice %arg5[%add3A, %dma_start3A_226, %dma_start3A_227] : memref<32x125x80xi32, #tpu.memory_space<hbm>> -> memref<1x125x80xi32, #tpu.memory_space<hbm>>
      %dma_start3A_229 = tpu.memref_squeeze %dma_start3A_228 : memref<1x125x80xi32, #tpu.memory_space<hbm>> -> memref<125x80xi32, #tpu.memory_space<hbm>>
      %dma_start3A_230 = arith.constant 0 : i32
      %dma_start3A_231 = arith.constant 0 : i32
      %dma_start3A_232 = tpu.memref_slice %arg5[%add3A, %dma_start3A_230, %dma_start3A_231] : memref<32x125x80xi32, #tpu.memory_space<hbm>> -> memref<1x125x80xi32, #tpu.memory_space<hbm>>
      %dma_start3A_233 = tpu.memref_squeeze %dma_start3A_232 : memref<1x125x80xi32, #tpu.memory_space<hbm>> -> memref<125x80xi32, #tpu.memory_space<hbm>>
      tpu.enqueue_dma source(%dma_start3A_233 : memref<125x80xi32, #tpu.memory_space<hbm>>) target(%arg9 : memref<125x80xi32, #tpu.memory_space<vmem>>) target_semaphore(%run_scoped3A : memref<!tpu.dma_semaphore, #tpu.memory_space<semaphore_mem>>)
      %dma_wait3A_234 = arith.constant 0 : i32
      %dma_wait3A_235 = arith.constant 0 : i32
      %dma_wait3A_236 = tpu.memref_slice %arg5[%add3A, %dma_wait3A_234, %dma_wait3A_235] : memref<32x125x80xi32, #tpu.memory_space<hbm>> -> memref<1x125x80xi32, #tpu.memory_space<hbm>>
      %dma_wait3A_237 = tpu.memref_squeeze %dma_wait3A_236 : memref<1x125x80xi32, #tpu.memory_space<hbm>> -> memref<125x80xi32, #tpu.memory_space<hbm>>
      %dma_wait3A_238 = arith.constant 0 : i32
      %dma_wait3A_239 = arith.constant 0 : i32
      %dma_wait3A_240 = tpu.memref_slice %arg5[%add3A, %dma_wait3A_238, %dma_wait3A_239] : memref<32x125x80xi32, #tpu.memory_space<hbm>> -> memref<1x125x80xi32, #tpu.memory_space<hbm>>
      %dma_wait3A_241 = tpu.memref_squeeze %dma_wait3A_240 : memref<1x125x80xi32, #tpu.memory_space<hbm>> -> memref<125x80xi32, #tpu.memory_space<hbm>>
      tpu.wait_dma2 semaphore(%run_scoped3A : memref<!tpu.dma_semaphore, #tpu.memory_space<semaphore_mem>>) src(%dma_wait3A_241 : memref<125x80xi32, #tpu.memory_space<hbm>>) dst(%arg9 : memref<125x80xi32, #tpu.memory_space<vmem>>)
      tpu.yield
    }) : () -> ()
    %mul3A_1 = arith.constant 10000 : i32
    %mul3A_2 = arith.muli %add3A, %mul3A_1 : i32
    %dma_start3A = arith.constant 0 : i32
    %dma_start3A_3 = arith.constant 0 : i32
    %dma_start3A_4 = tpu.memref_slice %arg8[%dma_start3A, %dma_start3A_3] : memref<125x80xi32, #tpu.memory_space<vmem>> -> memref<1x80xi32, #tpu.memory_space<vmem>>
    %dma_start3A_5 = tpu.memref_squeeze %dma_start3A_4 : memref<1x80xi32, #tpu.memory_space<vmem>> -> memref<80xi32, #tpu.memory_space<vmem>>
    %dma_start3A_6 = arith.constant 0 : i32
    %dma_start3A_7 = arith.constant 0 : i32
    %dma_start3A_8 = tpu.memref_slice %arg2[%dma_start3A_6, %dma_start3A_7] : memref<10000x128xf32, #tpu.memory_space<hbm>> -> memref<10000x128xf32, #tpu.memory_space<hbm>>
    tpu.enqueue_indirect_dma source(%dma_start3A_8 : memref<10000x128xf32, #tpu.memory_space<hbm>>) target(%arg10 : memref<80x128xf32, #tpu.memory_space<vmem>>) offsets(%dma_start3A_5 : memref<80xi32, #tpu.memory_space<vmem>>) semaphore(%arg16 : memref<!tpu.dma_semaphore, #tpu.memory_space<semaphore_mem>>)
    %dma_start3A_9 = arith.constant 1 : i32
    %dma_start3A_10 = arith.constant 0 : i32
    %dma_start3A_11 = tpu.memref_slice %arg8[%dma_start3A_9, %dma_start3A_10] : memref<125x80xi32, #tpu.memory_space<vmem>> -> memref<1x80xi32, #tpu.memory_space<vmem>>
    %dma_start3A_12 = tpu.memref_squeeze %dma_start3A_11 : memref<1x80xi32, #tpu.memory_space<vmem>> -> memref<80xi32, #tpu.memory_space<vmem>>
    %dma_start3A_13 = arith.constant 0 : i32
    %dma_start3A_14 = arith.constant 0 : i32
    %dma_start3A_15 = tpu.memref_slice %arg2[%dma_start3A_13, %dma_start3A_14] : memref<10000x128xf32, #tpu.memory_space<hbm>> -> memref<10000x128xf32, #tpu.memory_space<hbm>>
    tpu.enqueue_indirect_dma source(%dma_start3A_15 : memref<10000x128xf32, #tpu.memory_space<hbm>>) target(%arg11 : memref<80x128xf32, #tpu.memory_space<vmem>>) offsets(%dma_start3A_12 : memref<80xi32, #tpu.memory_space<vmem>>) semaphore(%arg17 : memref<!tpu.dma_semaphore, #tpu.memory_space<semaphore_mem>>)
    %dma_start3A_16 = arith.constant 2 : i32
    %dma_start3A_17 = arith.constant 0 : i32
    %dma_start3A_18 = tpu.memref_slice %arg8[%dma_start3A_16, %dma_start3A_17] : memref<125x80xi32, #tpu.memory_space<vmem>> -> memref<1x80xi32, #tpu.memory_space<vmem>>
    %dma_start3A_19 = tpu.memref_squeeze %dma_start3A_18 : memref<1x80xi32, #tpu.memory_space<vmem>> -> memref<80xi32, #tpu.memory_space<vmem>>
    %dma_start3A_20 = arith.constant 0 : i32
    %dma_start3A_21 = arith.constant 0 : i32
    %dma_start3A_22 = tpu.memref_slice %arg2[%dma_start3A_20, %dma_start3A_21] : memref<10000x128xf32, #tpu.memory_space<hbm>> -> memref<10000x128xf32, #tpu.memory_space<hbm>>
    tpu.enqueue_indirect_dma source(%dma_start3A_22 : memref<10000x128xf32, #tpu.memory_space<hbm>>) target(%arg12 : memref<80x128xf32, #tpu.memory_space<vmem>>) offsets(%dma_start3A_19 : memref<80xi32, #tpu.memory_space<vmem>>) semaphore(%arg18 : memref<!tpu.dma_semaphore, #tpu.memory_space<semaphore_mem>>)
    %dma_start3A_23 = arith.constant 3 : i32
    %dma_start3A_24 = arith.constant 0 : i32
    %dma_start3A_25 = tpu.memref_slice %arg8[%dma_start3A_23, %dma_start3A_24] : memref<125x80xi32, #tpu.memory_space<vmem>> -> memref<1x80xi32, #tpu.memory_space<vmem>>
    %dma_start3A_26 = tpu.memref_squeeze %dma_start3A_25 : memref<1x80xi32, #tpu.memory_space<vmem>> -> memref<80xi32, #tpu.memory_space<vmem>>
    %dma_start3A_27 = arith.constant 0 : i32
    %dma_start3A_28 = arith.constant 0 : i32
    %dma_start3A_29 = tpu.memref_slice %arg2[%dma_start3A_27, %dma_start3A_28] : memref<10000x128xf32, #tpu.memory_space<hbm>> -> memref<10000x128xf32, #tpu.memory_space<hbm>>
    tpu.enqueue_indirect_dma source(%dma_start3A_29 : memref<10000x128xf32, #tpu.memory_space<hbm>>) target(%arg13 : memref<80x128xf32, #tpu.memory_space<vmem>>) offsets(%dma_start3A_26 : memref<80xi32, #tpu.memory_space<vmem>>) semaphore(%arg19 : memref<!tpu.dma_semaphore, #tpu.memory_space<semaphore_mem>>)
    %dma_start3A_30 = arith.constant 4 : i32
    %dma_start3A_31 = arith.constant 0 : i32
    %dma_start3A_32 = tpu.memref_slice %arg8[%dma_start3A_30, %dma_start3A_31] : memref<125x80xi32, #tpu.memory_space<vmem>> -> memref<1x80xi32, #tpu.memory_space<vmem>>
    %dma_start3A_33 = tpu.memref_squeeze %dma_start3A_32 : memref<1x80xi32, #tpu.memory_space<vmem>> -> memref<80xi32, #tpu.memory_space<vmem>>
    %dma_start3A_34 = arith.constant 0 : i32
    %dma_start3A_35 = arith.constant 0 : i32
    %dma_start3A_36 = tpu.memref_slice %arg2[%dma_start3A_34, %dma_start3A_35] : memref<10000x128xf32, #tpu.memory_space<hbm>> -> memref<10000x128xf32, #tpu.memory_space<hbm>>
    tpu.enqueue_indirect_dma source(%dma_start3A_36 : memref<10000x128xf32, #tpu.memory_space<hbm>>) target(%arg14 : memref<80x128xf32, #tpu.memory_space<vmem>>) offsets(%dma_start3A_33 : memref<80xi32, #tpu.memory_space<vmem>>) semaphore(%arg20 : memref<!tpu.dma_semaphore, #tpu.memory_space<semaphore_mem>>)
    %scan3A = arith.constant 0 : i32
    %scan3A_37 = arith.constant 0 : i32
    %scan3A_38 = arith.constant 24 : i32
    %scan3A_39 = arith.addi %scan3A_37, %scan3A_38 : i32
    %scan3A_40 = arith.constant 1 : i32
    scf.for %scan3A_226 = %scan3A_37 to %scan3A_39 step %scan3A_40  : i32 {
      %mul3A_227 = arith.constant 5 : i32
      %mul3A_228 = arith.muli %mul3A_227, %scan3A_226 : i32
      %add3A_229 = arith.constant 0 : i32
      %add3A_230 = arith.addi %mul3A_228, %add3A_229 : i32
      %dma_start3A_231 = arith.constant 0 : i32
      %dma_start3A_232 = tpu.memref_slice %arg15[%add3A_230, %dma_start3A_231] : memref<125x80xf32, #tpu.memory_space<vmem>> -> memref<1x80xf32, #tpu.memory_space<vmem>>
      %dma_start3A_233 = tpu.memref_squeeze %dma_start3A_232 : memref<1x80xf32, #tpu.memory_space<vmem>> -> memref<80xf32, #tpu.memory_space<vmem>>
      %dma_start3A_234 = arith.constant 0 : i32
      %dma_start3A_235 = tpu.memref_slice %arg9[%add3A_230, %dma_start3A_234] : memref<125x80xi32, #tpu.memory_space<vmem>> -> memref<1x80xi32, #tpu.memory_space<vmem>>
      %dma_start3A_236 = tpu.memref_squeeze %dma_start3A_235 : memref<1x80xi32, #tpu.memory_space<vmem>> -> memref<80xi32, #tpu.memory_space<vmem>>
      %dma_start3A_237 = arith.constant 0 : i32
      %dma_start3A_238 = tpu.memref_slice %arg3[%dma_start3A_237] : memref<10000xf32, #tpu.memory_space<hbm>> -> memref<10000xf32, #tpu.memory_space<hbm>>
      tpu.enqueue_indirect_dma source(%dma_start3A_238 : memref<10000xf32, #tpu.memory_space<hbm>>) target(%dma_start3A_233 : memref<80xf32, #tpu.memory_space<vmem>>) offsets(%dma_start3A_236 : memref<80xi32, #tpu.memory_space<vmem>>) semaphore(%arg26 : memref<!tpu.dma_semaphore, #tpu.memory_space<semaphore_mem>>)
      %add3A_239 = arith.constant 1 : i32
      %add3A_240 = arith.addi %mul3A_228, %add3A_239 : i32
      %dma_start3A_241 = arith.constant 0 : i32
      %dma_start3A_242 = tpu.memref_slice %arg15[%add3A_240, %dma_start3A_241] : memref<125x80xf32, #tpu.memory_space<vmem>> -> memref<1x80xf32, #tpu.memory_space<vmem>>
      %dma_start3A_243 = tpu.memref_squeeze %dma_start3A_242 : memref<1x80xf32, #tpu.memory_space<vmem>> -> memref<80xf32, #tpu.memory_space<vmem>>
      %dma_start3A_244 = arith.constant 0 : i32
      %dma_start3A_245 = tpu.memref_slice %arg9[%add3A_240, %dma_start3A_244] : memref<125x80xi32, #tpu.memory_space<vmem>> -> memref<1x80xi32, #tpu.memory_space<vmem>>
      %dma_start3A_246 = tpu.memref_squeeze %dma_start3A_245 : memref<1x80xi32, #tpu.memory_space<vmem>> -> memref<80xi32, #tpu.memory_space<vmem>>
      %dma_start3A_247 = arith.constant 0 : i32
      %dma_start3A_248 = tpu.memref_slice %arg3[%dma_start3A_247] : memref<10000xf32, #tpu.memory_space<hbm>> -> memref<10000xf32, #tpu.memory_space<hbm>>
      tpu.enqueue_indirect_dma source(%dma_start3A_248 : memref<10000xf32, #tpu.memory_space<hbm>>) target(%dma_start3A_243 : memref<80xf32, #tpu.memory_space<vmem>>) offsets(%dma_start3A_246 : memref<80xi32, #tpu.memory_space<vmem>>) semaphore(%arg26 : memref<!tpu.dma_semaphore, #tpu.memory_space<semaphore_mem>>)
      %add3A_249 = arith.constant 2 : i32
      %add3A_250 = arith.addi %mul3A_228, %add3A_249 : i32
      %dma_start3A_251 = arith.constant 0 : i32
      %dma_start3A_252 = tpu.memref_slice %arg15[%add3A_250, %dma_start3A_251] : memref<125x80xf32, #tpu.memory_space<vmem>> -> memref<1x80xf32, #tpu.memory_space<vmem>>
      %dma_start3A_253 = tpu.memref_squeeze %dma_start3A_252 : memref<1x80xf32, #tpu.memory_space<vmem>> -> memref<80xf32, #tpu.memory_space<vmem>>
      %dma_start3A_254 = arith.constant 0 : i32
      %dma_start3A_255 = tpu.memref_slice %arg9[%add3A_250, %dma_start3A_254] : memref<125x80xi32, #tpu.memory_space<vmem>> -> memref<1x80xi32, #tpu.memory_space<vmem>>
      %dma_start3A_256 = tpu.memref_squeeze %dma_start3A_255 : memref<1x80xi32, #tpu.memory_space<vmem>> -> memref<80xi32, #tpu.memory_space<vmem>>
      %dma_start3A_257 = arith.constant 0 : i32
      %dma_start3A_258 = tpu.memref_slice %arg3[%dma_start3A_257] : memref<10000xf32, #tpu.memory_space<hbm>> -> memref<10000xf32, #tpu.memory_space<hbm>>
      tpu.enqueue_indirect_dma source(%dma_start3A_258 : memref<10000xf32, #tpu.memory_space<hbm>>) target(%dma_start3A_253 : memref<80xf32, #tpu.memory_space<vmem>>) offsets(%dma_start3A_256 : memref<80xi32, #tpu.memory_space<vmem>>) semaphore(%arg26 : memref<!tpu.dma_semaphore, #tpu.memory_space<semaphore_mem>>)
      %add3A_259 = arith.constant 3 : i32
      %add3A_260 = arith.addi %mul3A_228, %add3A_259 : i32
      %dma_start3A_261 = arith.constant 0 : i32
      %dma_start3A_262 = tpu.memref_slice %arg15[%add3A_260, %dma_start3A_261] : memref<125x80xf32, #tpu.memory_space<vmem>> -> memref<1x80xf32, #tpu.memory_space<vmem>>
      %dma_start3A_263 = tpu.memref_squeeze %dma_start3A_262 : memref<1x80xf32, #tpu.memory_space<vmem>> -> memref<80xf32, #tpu.memory_space<vmem>>
      %dma_start3A_264 = arith.constant 0 : i32
      %dma_start3A_265 = tpu.memref_slice %arg9[%add3A_260, %dma_start3A_264] : memref<125x80xi32, #tpu.memory_space<vmem>> -> memref<1x80xi32, #tpu.memory_space<vmem>>
      %dma_start3A_266 = tpu.memref_squeeze %dma_start3A_265 : memref<1x80xi32, #tpu.memory_space<vmem>> -> memref<80xi32, #tpu.memory_space<vmem>>
      %dma_start3A_267 = arith.constant 0 : i32
      %dma_start3A_268 = tpu.memref_slice %arg3[%dma_start3A_267] : memref<10000xf32, #tpu.memory_space<hbm>> -> memref<10000xf32, #tpu.memory_space<hbm>>
      tpu.enqueue_indirect_dma source(%dma_start3A_268 : memref<10000xf32, #tpu.memory_space<hbm>>) target(%dma_start3A_263 : memref<80xf32, #tpu.memory_space<vmem>>) offsets(%dma_start3A_266 : memref<80xi32, #tpu.memory_space<vmem>>) semaphore(%arg26 : memref<!tpu.dma_semaphore, #tpu.memory_space<semaphore_mem>>)
      %add3A_269 = arith.constant 4 : i32
      %add3A_270 = arith.addi %mul3A_228, %add3A_269 : i32
      %dma_start3A_271 = arith.constant 0 : i32
      %dma_start3A_272 = tpu.memref_slice %arg15[%add3A_270, %dma_start3A_271] : memref<125x80xf32, #tpu.memory_space<vmem>> -> memref<1x80xf32, #tpu.memory_space<vmem>>
      %dma_start3A_273 = tpu.memref_squeeze %dma_start3A_272 : memref<1x80xf32, #tpu.memory_space<vmem>> -> memref<80xf32, #tpu.memory_space<vmem>>
      %dma_start3A_274 = arith.constant 0 : i32
      %dma_start3A_275 = tpu.memref_slice %arg9[%add3A_270, %dma_start3A_274] : memref<125x80xi32, #tpu.memory_space<vmem>> -> memref<1x80xi32, #tpu.memory_space<vmem>>
      %dma_start3A_276 = tpu.memref_squeeze %dma_start3A_275 : memref<1x80xi32, #tpu.memory_space<vmem>> -> memref<80xi32, #tpu.memory_space<vmem>>
      %dma_start3A_277 = arith.constant 0 : i32
      %dma_start3A_278 = tpu.memref_slice %arg3[%dma_start3A_277] : memref<10000xf32, #tpu.memory_space<hbm>> -> memref<10000xf32, #tpu.memory_space<hbm>>
      tpu.enqueue_indirect_dma source(%dma_start3A_278 : memref<10000xf32, #tpu.memory_space<hbm>>) target(%dma_start3A_273 : memref<80xf32, #tpu.memory_space<vmem>>) offsets(%dma_start3A_276 : memref<80xi32, #tpu.memory_space<vmem>>) semaphore(%arg26 : memref<!tpu.dma_semaphore, #tpu.memory_space<semaphore_mem>>)
      %dma_wait3A_279 = arith.constant 0 : i32
      %dma_wait3A_280 = arith.constant 0 : i32
      %dma_wait3A_281 = tpu.memref_slice %arg8[%dma_wait3A_279, %dma_wait3A_280] : memref<125x80xi32, #tpu.memory_space<vmem>> -> memref<1x80xi32, #tpu.memory_space<vmem>>
      %dma_wait3A_282 = tpu.memref_squeeze %dma_wait3A_281 : memref<1x80xi32, #tpu.memory_space<vmem>> -> memref<80xi32, #tpu.memory_space<vmem>>
      %dma_wait3A_283 = arith.constant 0 : i32
      %dma_wait3A_284 = arith.constant 0 : i32
      %dma_wait3A_285 = tpu.memref_slice %arg2[%dma_wait3A_283, %dma_wait3A_284] : memref<10000x128xf32, #tpu.memory_space<hbm>> -> memref<10000x128xf32, #tpu.memory_space<hbm>>
      tpu.wait_indirect_dma semaphore(%arg16 : memref<!tpu.dma_semaphore, #tpu.memory_space<semaphore_mem>>) src(%dma_wait3A_285 : memref<10000x128xf32, #tpu.memory_space<hbm>>) dst(%arg10 : memref<80x128xf32, #tpu.memory_space<vmem>>)
      %add3A_286 = arith.constant 0 : i32
      %add3A_287 = arith.addi %mul3A_228, %add3A_286 : i32
      %mul3A_288 = arith.constant 80 : i32
      %mul3A_289 = arith.muli %add3A_287, %mul3A_288 : i32
      %add3A_290 = arith.addi %mul3A_2, %mul3A_289 : i32
      %dma_start3A_291 = arith.constant 0 : i32
      %dma_start3A_292 = tpu.memref_slice %arg6[%add3A_290, %dma_start3A_291] : memref<320000x128xf32, #tpu.memory_space<hbm>> -> memref<80x128xf32, #tpu.memory_space<hbm>>
      %dma_start3A_293 = arith.constant 0 : i32
      %dma_start3A_294 = tpu.memref_slice %arg6[%add3A_290, %dma_start3A_293] : memref<320000x128xf32, #tpu.memory_space<hbm>> -> memref<80x128xf32, #tpu.memory_space<hbm>>
      tpu.enqueue_dma source(%arg10 : memref<80x128xf32, #tpu.memory_space<vmem>>) target(%dma_start3A_294 : memref<80x128xf32, #tpu.memory_space<hbm>>) target_semaphore(%arg21 : memref<!tpu.dma_semaphore, #tpu.memory_space<semaphore_mem>>)
      %dma_wait3A_295 = arith.constant 0 : i32
      %dma_wait3A_296 = arith.constant 0 : i32
      %dma_wait3A_297 = tpu.memref_slice %arg8[%dma_wait3A_295, %dma_wait3A_296] : memref<125x80xi32, #tpu.memory_space<vmem>> -> memref<1x80xi32, #tpu.memory_space<vmem>>
      %dma_wait3A_298 = tpu.memref_squeeze %dma_wait3A_297 : memref<1x80xi32, #tpu.memory_space<vmem>> -> memref<80xi32, #tpu.memory_space<vmem>>
      %dma_wait3A_299 = arith.constant 0 : i32
      %dma_wait3A_300 = arith.constant 0 : i32
      %dma_wait3A_301 = tpu.memref_slice %arg2[%dma_wait3A_299, %dma_wait3A_300] : memref<10000x128xf32, #tpu.memory_space<hbm>> -> memref<10000x128xf32, #tpu.memory_space<hbm>>
      tpu.wait_indirect_dma semaphore(%arg17 : memref<!tpu.dma_semaphore, #tpu.memory_space<semaphore_mem>>) src(%dma_wait3A_301 : memref<10000x128xf32, #tpu.memory_space<hbm>>) dst(%arg11 : memref<80x128xf32, #tpu.memory_space<vmem>>)
      %add3A_302 = arith.constant 1 : i32
      %add3A_303 = arith.addi %mul3A_228, %add3A_302 : i32
      %mul3A_304 = arith.constant 80 : i32
      %mul3A_305 = arith.muli %add3A_303, %mul3A_304 : i32
      %add3A_306 = arith.addi %mul3A_2, %mul3A_305 : i32
      %dma_start3A_307 = arith.constant 0 : i32
      %dma_start3A_308 = tpu.memref_slice %arg6[%add3A_306, %dma_start3A_307] : memref<320000x128xf32, #tpu.memory_space<hbm>> -> memref<80x128xf32, #tpu.memory_space<hbm>>
      %dma_start3A_309 = arith.constant 0 : i32
      %dma_start3A_310 = tpu.memref_slice %arg6[%add3A_306, %dma_start3A_309] : memref<320000x128xf32, #tpu.memory_space<hbm>> -> memref<80x128xf32, #tpu.memory_space<hbm>>
      tpu.enqueue_dma source(%arg11 : memref<80x128xf32, #tpu.memory_space<vmem>>) target(%dma_start3A_310 : memref<80x128xf32, #tpu.memory_space<hbm>>) target_semaphore(%arg22 : memref<!tpu.dma_semaphore, #tpu.memory_space<semaphore_mem>>)
      %dma_wait3A_311 = arith.constant 0 : i32
      %dma_wait3A_312 = arith.constant 0 : i32
      %dma_wait3A_313 = tpu.memref_slice %arg8[%dma_wait3A_311, %dma_wait3A_312] : memref<125x80xi32, #tpu.memory_space<vmem>> -> memref<1x80xi32, #tpu.memory_space<vmem>>
      %dma_wait3A_314 = tpu.memref_squeeze %dma_wait3A_313 : memref<1x80xi32, #tpu.memory_space<vmem>> -> memref<80xi32, #tpu.memory_space<vmem>>
      %dma_wait3A_315 = arith.constant 0 : i32
      %dma_wait3A_316 = arith.constant 0 : i32
      %dma_wait3A_317 = tpu.memref_slice %arg2[%dma_wait3A_315, %dma_wait3A_316] : memref<10000x128xf32, #tpu.memory_space<hbm>> -> memref<10000x128xf32, #tpu.memory_space<hbm>>
      tpu.wait_indirect_dma semaphore(%arg18 : memref<!tpu.dma_semaphore, #tpu.memory_space<semaphore_mem>>) src(%dma_wait3A_317 : memref<10000x128xf32, #tpu.memory_space<hbm>>) dst(%arg12 : memref<80x128xf32, #tpu.memory_space<vmem>>)
      %add3A_318 = arith.constant 2 : i32
      %add3A_319 = arith.addi %mul3A_228, %add3A_318 : i32
      %mul3A_320 = arith.constant 80 : i32
      %mul3A_321 = arith.muli %add3A_319, %mul3A_320 : i32
      %add3A_322 = arith.addi %mul3A_2, %mul3A_321 : i32
      %dma_start3A_323 = arith.constant 0 : i32
      %dma_start3A_324 = tpu.memref_slice %arg6[%add3A_322, %dma_start3A_323] : memref<320000x128xf32, #tpu.memory_space<hbm>> -> memref<80x128xf32, #tpu.memory_space<hbm>>
      %dma_start3A_325 = arith.constant 0 : i32
      %dma_start3A_326 = tpu.memref_slice %arg6[%add3A_322, %dma_start3A_325] : memref<320000x128xf32, #tpu.memory_space<hbm>> -> memref<80x128xf32, #tpu.memory_space<hbm>>
      tpu.enqueue_dma source(%arg12 : memref<80x128xf32, #tpu.memory_space<vmem>>) target(%dma_start3A_326 : memref<80x128xf32, #tpu.memory_space<hbm>>) target_semaphore(%arg23 : memref<!tpu.dma_semaphore, #tpu.memory_space<semaphore_mem>>)
      %dma_wait3A_327 = arith.constant 0 : i32
      %dma_wait3A_328 = arith.constant 0 : i32
      %dma_wait3A_329 = tpu.memref_slice %arg8[%dma_wait3A_327, %dma_wait3A_328] : memref<125x80xi32, #tpu.memory_space<vmem>> -> memref<1x80xi32, #tpu.memory_space<vmem>>
      %dma_wait3A_330 = tpu.memref_squeeze %dma_wait3A_329 : memref<1x80xi32, #tpu.memory_space<vmem>> -> memref<80xi32, #tpu.memory_space<vmem>>
      %dma_wait3A_331 = arith.constant 0 : i32
      %dma_wait3A_332 = arith.constant 0 : i32
      %dma_wait3A_333 = tpu.memref_slice %arg2[%dma_wait3A_331, %dma_wait3A_332] : memref<10000x128xf32, #tpu.memory_space<hbm>> -> memref<10000x128xf32, #tpu.memory_space<hbm>>
      tpu.wait_indirect_dma semaphore(%arg19 : memref<!tpu.dma_semaphore, #tpu.memory_space<semaphore_mem>>) src(%dma_wait3A_333 : memref<10000x128xf32, #tpu.memory_space<hbm>>) dst(%arg13 : memref<80x128xf32, #tpu.memory_space<vmem>>)
      %add3A_334 = arith.constant 3 : i32
      %add3A_335 = arith.addi %mul3A_228, %add3A_334 : i32
      %mul3A_336 = arith.constant 80 : i32
      %mul3A_337 = arith.muli %add3A_335, %mul3A_336 : i32
      %add3A_338 = arith.addi %mul3A_2, %mul3A_337 : i32
      %dma_start3A_339 = arith.constant 0 : i32
      %dma_start3A_340 = tpu.memref_slice %arg6[%add3A_338, %dma_start3A_339] : memref<320000x128xf32, #tpu.memory_space<hbm>> -> memref<80x128xf32, #tpu.memory_space<hbm>>
      %dma_start3A_341 = arith.constant 0 : i32
      %dma_start3A_342 = tpu.memref_slice %arg6[%add3A_338, %dma_start3A_341] : memref<320000x128xf32, #tpu.memory_space<hbm>> -> memref<80x128xf32, #tpu.memory_space<hbm>>
      tpu.enqueue_dma source(%arg13 : memref<80x128xf32, #tpu.memory_space<vmem>>) target(%dma_start3A_342 : memref<80x128xf32, #tpu.memory_space<hbm>>) target_semaphore(%arg24 : memref<!tpu.dma_semaphore, #tpu.memory_space<semaphore_mem>>)
      %dma_wait3A_343 = arith.constant 0 : i32
      %dma_wait3A_344 = arith.constant 0 : i32
      %dma_wait3A_345 = tpu.memref_slice %arg8[%dma_wait3A_343, %dma_wait3A_344] : memref<125x80xi32, #tpu.memory_space<vmem>> -> memref<1x80xi32, #tpu.memory_space<vmem>>
      %dma_wait3A_346 = tpu.memref_squeeze %dma_wait3A_345 : memref<1x80xi32, #tpu.memory_space<vmem>> -> memref<80xi32, #tpu.memory_space<vmem>>
      %dma_wait3A_347 = arith.constant 0 : i32
      %dma_wait3A_348 = arith.constant 0 : i32
      %dma_wait3A_349 = tpu.memref_slice %arg2[%dma_wait3A_347, %dma_wait3A_348] : memref<10000x128xf32, #tpu.memory_space<hbm>> -> memref<10000x128xf32, #tpu.memory_space<hbm>>
      tpu.wait_indirect_dma semaphore(%arg20 : memref<!tpu.dma_semaphore, #tpu.memory_space<semaphore_mem>>) src(%dma_wait3A_349 : memref<10000x128xf32, #tpu.memory_space<hbm>>) dst(%arg14 : memref<80x128xf32, #tpu.memory_space<vmem>>)
      %add3A_350 = arith.constant 4 : i32
      %add3A_351 = arith.addi %mul3A_228, %add3A_350 : i32
      %mul3A_352 = arith.constant 80 : i32
      %mul3A_353 = arith.muli %add3A_351, %mul3A_352 : i32
      %add3A_354 = arith.addi %mul3A_2, %mul3A_353 : i32
      %dma_start3A_355 = arith.constant 0 : i32
      %dma_start3A_356 = tpu.memref_slice %arg6[%add3A_354, %dma_start3A_355] : memref<320000x128xf32, #tpu.memory_space<hbm>> -> memref<80x128xf32, #tpu.memory_space<hbm>>
      %dma_start3A_357 = arith.constant 0 : i32
      %dma_start3A_358 = tpu.memref_slice %arg6[%add3A_354, %dma_start3A_357] : memref<320000x128xf32, #tpu.memory_space<hbm>> -> memref<80x128xf32, #tpu.memory_space<hbm>>
      tpu.enqueue_dma source(%arg14 : memref<80x128xf32, #tpu.memory_space<vmem>>) target(%dma_start3A_358 : memref<80x128xf32, #tpu.memory_space<hbm>>) target_semaphore(%arg25 : memref<!tpu.dma_semaphore, #tpu.memory_space<semaphore_mem>>)
      %dma_wait3A_359 = arith.constant 0 : i32
      %dma_wait3A_360 = tpu.memref_slice %arg6[%mul3A_2, %dma_wait3A_359] : memref<320000x128xf32, #tpu.memory_space<hbm>> -> memref<80x128xf32, #tpu.memory_space<hbm>>
      %dma_wait3A_361 = arith.constant 0 : i32
      %dma_wait3A_362 = tpu.memref_slice %arg6[%mul3A_2, %dma_wait3A_361] : memref<320000x128xf32, #tpu.memory_space<hbm>> -> memref<80x128xf32, #tpu.memory_space<hbm>>
      tpu.wait_dma2 semaphore(%arg21 : memref<!tpu.dma_semaphore, #tpu.memory_space<semaphore_mem>>) src(%arg10 : memref<80x128xf32, #tpu.memory_space<vmem>>) dst(%dma_wait3A_362 : memref<80x128xf32, #tpu.memory_space<hbm>>)
      %add3A_363 = arith.constant 5 : i32
      %add3A_364 = arith.addi %mul3A_228, %add3A_363 : i32
      %add3A_365 = arith.constant 0 : i32
      %add3A_366 = arith.addi %add3A_364, %add3A_365 : i32
      %dma_start3A_367 = arith.constant 0 : i32
      %dma_start3A_368 = tpu.memref_slice %arg8[%add3A_366, %dma_start3A_367] : memref<125x80xi32, #tpu.memory_space<vmem>> -> memref<1x80xi32, #tpu.memory_space<vmem>>
      %dma_start3A_369 = tpu.memref_squeeze %dma_start3A_368 : memref<1x80xi32, #tpu.memory_space<vmem>> -> memref<80xi32, #tpu.memory_space<vmem>>
      %dma_start3A_370 = arith.constant 0 : i32
      %dma_start3A_371 = arith.constant 0 : i32
      %dma_start3A_372 = tpu.memref_slice %arg2[%dma_start3A_370, %dma_start3A_371] : memref<10000x128xf32, #tpu.memory_space<hbm>> -> memref<10000x128xf32, #tpu.memory_space<hbm>>
      tpu.enqueue_indirect_dma source(%dma_start3A_372 : memref<10000x128xf32, #tpu.memory_space<hbm>>) target(%arg10 : memref<80x128xf32, #tpu.memory_space<vmem>>) offsets(%dma_start3A_369 : memref<80xi32, #tpu.memory_space<vmem>>) semaphore(%arg16 : memref<!tpu.dma_semaphore, #tpu.memory_space<semaphore_mem>>)
      %dma_wait3A_373 = arith.constant 0 : i32
      %dma_wait3A_374 = tpu.memref_slice %arg6[%mul3A_2, %dma_wait3A_373] : memref<320000x128xf32, #tpu.memory_space<hbm>> -> memref<80x128xf32, #tpu.memory_space<hbm>>
      %dma_wait3A_375 = arith.constant 0 : i32
      %dma_wait3A_376 = tpu.memref_slice %arg6[%mul3A_2, %dma_wait3A_375] : memref<320000x128xf32, #tpu.memory_space<hbm>> -> memref<80x128xf32, #tpu.memory_space<hbm>>
      tpu.wait_dma2 semaphore(%arg22 : memref<!tpu.dma_semaphore, #tpu.memory_space<semaphore_mem>>) src(%arg11 : memref<80x128xf32, #tpu.memory_space<vmem>>) dst(%dma_wait3A_376 : memref<80x128xf32, #tpu.memory_space<hbm>>)
      %add3A_377 = arith.constant 5 : i32
      %add3A_378 = arith.addi %mul3A_228, %add3A_377 : i32
      %add3A_379 = arith.constant 1 : i32
      %add3A_380 = arith.addi %add3A_378, %add3A_379 : i32
      %dma_start3A_381 = arith.constant 0 : i32
      %dma_start3A_382 = tpu.memref_slice %arg8[%add3A_380, %dma_start3A_381] : memref<125x80xi32, #tpu.memory_space<vmem>> -> memref<1x80xi32, #tpu.memory_space<vmem>>
      %dma_start3A_383 = tpu.memref_squeeze %dma_start3A_382 : memref<1x80xi32, #tpu.memory_space<vmem>> -> memref<80xi32, #tpu.memory_space<vmem>>
      %dma_start3A_384 = arith.constant 0 : i32
      %dma_start3A_385 = arith.constant 0 : i32
      %dma_start3A_386 = tpu.memref_slice %arg2[%dma_start3A_384, %dma_start3A_385] : memref<10000x128xf32, #tpu.memory_space<hbm>> -> memref<10000x128xf32, #tpu.memory_space<hbm>>
      tpu.enqueue_indirect_dma source(%dma_start3A_386 : memref<10000x128xf32, #tpu.memory_space<hbm>>) target(%arg11 : memref<80x128xf32, #tpu.memory_space<vmem>>) offsets(%dma_start3A_383 : memref<80xi32, #tpu.memory_space<vmem>>) semaphore(%arg17 : memref<!tpu.dma_semaphore, #tpu.memory_space<semaphore_mem>>)
      %dma_wait3A_387 = arith.constant 0 : i32
      %dma_wait3A_388 = tpu.memref_slice %arg6[%mul3A_2, %dma_wait3A_387] : memref<320000x128xf32, #tpu.memory_space<hbm>> -> memref<80x128xf32, #tpu.memory_space<hbm>>
      %dma_wait3A_389 = arith.constant 0 : i32
      %dma_wait3A_390 = tpu.memref_slice %arg6[%mul3A_2, %dma_wait3A_389] : memref<320000x128xf32, #tpu.memory_space<hbm>> -> memref<80x128xf32, #tpu.memory_space<hbm>>
      tpu.wait_dma2 semaphore(%arg23 : memref<!tpu.dma_semaphore, #tpu.memory_space<semaphore_mem>>) src(%arg12 : memref<80x128xf32, #tpu.memory_space<vmem>>) dst(%dma_wait3A_390 : memref<80x128xf32, #tpu.memory_space<hbm>>)
      %add3A_391 = arith.constant 5 : i32
      %add3A_392 = arith.addi %mul3A_228, %add3A_391 : i32
      %add3A_393 = arith.constant 2 : i32
      %add3A_394 = arith.addi %add3A_392, %add3A_393 : i32
      %dma_start3A_395 = arith.constant 0 : i32
      %dma_start3A_396 = tpu.memref_slice %arg8[%add3A_394, %dma_start3A_395] : memref<125x80xi32, #tpu.memory_space<vmem>> -> memref<1x80xi32, #tpu.memory_space<vmem>>
      %dma_start3A_397 = tpu.memref_squeeze %dma_start3A_396 : memref<1x80xi32, #tpu.memory_space<vmem>> -> memref<80xi32, #tpu.memory_space<vmem>>
      %dma_start3A_398 = arith.constant 0 : i32
      %dma_start3A_399 = arith.constant 0 : i32
      %dma_start3A_400 = tpu.memref_slice %arg2[%dma_start3A_398, %dma_start3A_399] : memref<10000x128xf32, #tpu.memory_space<hbm>> -> memref<10000x128xf32, #tpu.memory_space<hbm>>
      tpu.enqueue_indirect_dma source(%dma_start3A_400 : memref<10000x128xf32, #tpu.memory_space<hbm>>) target(%arg12 : memref<80x128xf32, #tpu.memory_space<vmem>>) offsets(%dma_start3A_397 : memref<80xi32, #tpu.memory_space<vmem>>) semaphore(%arg18 : memref<!tpu.dma_semaphore, #tpu.memory_space<semaphore_mem>>)
      %dma_wait3A_401 = arith.constant 0 : i32
      %dma_wait3A_402 = tpu.memref_slice %arg6[%mul3A_2, %dma_wait3A_401] : memref<320000x128xf32, #tpu.memory_space<hbm>> -> memref<80x128xf32, #tpu.memory_space<hbm>>
      %dma_wait3A_403 = arith.constant 0 : i32
      %dma_wait3A_404 = tpu.memref_slice %arg6[%mul3A_2, %dma_wait3A_403] : memref<320000x128xf32, #tpu.memory_space<hbm>> -> memref<80x128xf32, #tpu.memory_space<hbm>>
      tpu.wait_dma2 semaphore(%arg24 : memref<!tpu.dma_semaphore, #tpu.memory_space<semaphore_mem>>) src(%arg13 : memref<80x128xf32, #tpu.memory_space<vmem>>) dst(%dma_wait3A_404 : memref<80x128xf32, #tpu.memory_space<hbm>>)
      %add3A_405 = arith.constant 5 : i32
      %add3A_406 = arith.addi %mul3A_228, %add3A_405 : i32
      %add3A_407 = arith.constant 3 : i32
      %add3A_408 = arith.addi %add3A_406, %add3A_407 : i32
      %dma_start3A_409 = arith.constant 0 : i32
      %dma_start3A_410 = tpu.memref_slice %arg8[%add3A_408, %dma_start3A_409] : memref<125x80xi32, #tpu.memory_space<vmem>> -> memref<1x80xi32, #tpu.memory_space<vmem>>
      %dma_start3A_411 = tpu.memref_squeeze %dma_start3A_410 : memref<1x80xi32, #tpu.memory_space<vmem>> -> memref<80xi32, #tpu.memory_space<vmem>>
      %dma_start3A_412 = arith.constant 0 : i32
      %dma_start3A_413 = arith.constant 0 : i32
      %dma_start3A_414 = tpu.memref_slice %arg2[%dma_start3A_412, %dma_start3A_413] : memref<10000x128xf32, #tpu.memory_space<hbm>> -> memref<10000x128xf32, #tpu.memory_space<hbm>>
      tpu.enqueue_indirect_dma source(%dma_start3A_414 : memref<10000x128xf32, #tpu.memory_space<hbm>>) target(%arg13 : memref<80x128xf32, #tpu.memory_space<vmem>>) offsets(%dma_start3A_411 : memref<80xi32, #tpu.memory_space<vmem>>) semaphore(%arg19 : memref<!tpu.dma_semaphore, #tpu.memory_space<semaphore_mem>>)
      %dma_wait3A_415 = arith.constant 0 : i32
      %dma_wait3A_416 = tpu.memref_slice %arg6[%mul3A_2, %dma_wait3A_415] : memref<320000x128xf32, #tpu.memory_space<hbm>> -> memref<80x128xf32, #tpu.memory_space<hbm>>
      %dma_wait3A_417 = arith.constant 0 : i32
      %dma_wait3A_418 = tpu.memref_slice %arg6[%mul3A_2, %dma_wait3A_417] : memref<320000x128xf32, #tpu.memory_space<hbm>> -> memref<80x128xf32, #tpu.memory_space<hbm>>
      tpu.wait_dma2 semaphore(%arg25 : memref<!tpu.dma_semaphore, #tpu.memory_space<semaphore_mem>>) src(%arg14 : memref<80x128xf32, #tpu.memory_space<vmem>>) dst(%dma_wait3A_418 : memref<80x128xf32, #tpu.memory_space<hbm>>)
      %add3A_419 = arith.constant 5 : i32
      %add3A_420 = arith.addi %mul3A_228, %add3A_419 : i32
      %add3A_421 = arith.constant 4 : i32
      %add3A_422 = arith.addi %add3A_420, %add3A_421 : i32
      %dma_start3A_423 = arith.constant 0 : i32
      %dma_start3A_424 = tpu.memref_slice %arg8[%add3A_422, %dma_start3A_423] : memref<125x80xi32, #tpu.memory_space<vmem>> -> memref<1x80xi32, #tpu.memory_space<vmem>>
      %dma_start3A_425 = tpu.memref_squeeze %dma_start3A_424 : memref<1x80xi32, #tpu.memory_space<vmem>> -> memref<80xi32, #tpu.memory_space<vmem>>
      %dma_start3A_426 = arith.constant 0 : i32
      %dma_start3A_427 = arith.constant 0 : i32
      %dma_start3A_428 = tpu.memref_slice %arg2[%dma_start3A_426, %dma_start3A_427] : memref<10000x128xf32, #tpu.memory_space<hbm>> -> memref<10000x128xf32, #tpu.memory_space<hbm>>
      tpu.enqueue_indirect_dma source(%dma_start3A_428 : memref<10000x128xf32, #tpu.memory_space<hbm>>) target(%arg14 : memref<80x128xf32, #tpu.memory_space<vmem>>) offsets(%dma_start3A_425 : memref<80xi32, #tpu.memory_space<vmem>>) semaphore(%arg20 : memref<!tpu.dma_semaphore, #tpu.memory_space<semaphore_mem>>)
      %dma_wait3A_429 = arith.constant 0 : i32
      %dma_wait3A_430 = arith.constant 0 : i32
      %dma_wait3A_431 = arith.constant 0 : i32
      %dma_wait3A_432 = tpu.memref_slice %arg15[%dma_wait3A_430, %dma_wait3A_431] : memref<125x80xf32, #tpu.memory_space<vmem>> -> memref<1x80xf32, #tpu.memory_space<vmem>>
      %dma_wait3A_433 = tpu.memref_squeeze %dma_wait3A_432 : memref<1x80xf32, #tpu.memory_space<vmem>> -> memref<80xf32, #tpu.memory_space<vmem>>
      %dma_wait3A_434 = arith.constant 0 : i32
      %dma_wait3A_435 = tpu.memref_slice %arg9[%dma_wait3A_429, %dma_wait3A_434] : memref<125x80xi32, #tpu.memory_space<vmem>> -> memref<1x80xi32, #tpu.memory_space<vmem>>
      %dma_wait3A_436 = tpu.memref_squeeze %dma_wait3A_435 : memref<1x80xi32, #tpu.memory_space<vmem>> -> memref<80xi32, #tpu.memory_space<vmem>>
      %dma_wait3A_437 = arith.constant 0 : i32
      %dma_wait3A_438 = tpu.memref_slice %arg3[%dma_wait3A_437] : memref<10000xf32, #tpu.memory_space<hbm>> -> memref<10000xf32, #tpu.memory_space<hbm>>
      tpu.wait_indirect_dma semaphore(%arg26 : memref<!tpu.dma_semaphore, #tpu.memory_space<semaphore_mem>>) src(%dma_wait3A_438 : memref<10000xf32, #tpu.memory_space<hbm>>) dst(%dma_wait3A_433 : memref<80xf32, #tpu.memory_space<vmem>>)
      %dma_wait3A_439 = arith.constant 0 : i32
      %dma_wait3A_440 = arith.constant 0 : i32
      %dma_wait3A_441 = arith.constant 0 : i32
      %dma_wait3A_442 = tpu.memref_slice %arg15[%dma_wait3A_440, %dma_wait3A_441] : memref<125x80xf32, #tpu.memory_space<vmem>> -> memref<1x80xf32, #tpu.memory_space<vmem>>
      %dma_wait3A_443 = tpu.memref_squeeze %dma_wait3A_442 : memref<1x80xf32, #tpu.memory_space<vmem>> -> memref<80xf32, #tpu.memory_space<vmem>>
      %dma_wait3A_444 = arith.constant 0 : i32
      %dma_wait3A_445 = tpu.memref_slice %arg9[%dma_wait3A_439, %dma_wait3A_444] : memref<125x80xi32, #tpu.memory_space<vmem>> -> memref<1x80xi32, #tpu.memory_space<vmem>>
      %dma_wait3A_446 = tpu.memref_squeeze %dma_wait3A_445 : memref<1x80xi32, #tpu.memory_space<vmem>> -> memref<80xi32, #tpu.memory_space<vmem>>
      %dma_wait3A_447 = arith.constant 0 : i32
      %dma_wait3A_448 = tpu.memref_slice %arg3[%dma_wait3A_447] : memref<10000xf32, #tpu.memory_space<hbm>> -> memref<10000xf32, #tpu.memory_space<hbm>>
      tpu.wait_indirect_dma semaphore(%arg26 : memref<!tpu.dma_semaphore, #tpu.memory_space<semaphore_mem>>) src(%dma_wait3A_448 : memref<10000xf32, #tpu.memory_space<hbm>>) dst(%dma_wait3A_443 : memref<80xf32, #tpu.memory_space<vmem>>)
      %dma_wait3A_449 = arith.constant 0 : i32
      %dma_wait3A_450 = arith.constant 0 : i32
      %dma_wait3A_451 = arith.constant 0 : i32
      %dma_wait3A_452 = tpu.memref_slice %arg15[%dma_wait3A_450, %dma_wait3A_451] : memref<125x80xf32, #tpu.memory_space<vmem>> -> memref<1x80xf32, #tpu.memory_space<vmem>>
      %dma_wait3A_453 = tpu.memref_squeeze %dma_wait3A_452 : memref<1x80xf32, #tpu.memory_space<vmem>> -> memref<80xf32, #tpu.memory_space<vmem>>
      %dma_wait3A_454 = arith.constant 0 : i32
      %dma_wait3A_455 = tpu.memref_slice %arg9[%dma_wait3A_449, %dma_wait3A_454] : memref<125x80xi32, #tpu.memory_space<vmem>> -> memref<1x80xi32, #tpu.memory_space<vmem>>
      %dma_wait3A_456 = tpu.memref_squeeze %dma_wait3A_455 : memref<1x80xi32, #tpu.memory_space<vmem>> -> memref<80xi32, #tpu.memory_space<vmem>>
      %dma_wait3A_457 = arith.constant 0 : i32
      %dma_wait3A_458 = tpu.memref_slice %arg3[%dma_wait3A_457] : memref<10000xf32, #tpu.memory_space<hbm>> -> memref<10000xf32, #tpu.memory_space<hbm>>
      tpu.wait_indirect_dma semaphore(%arg26 : memref<!tpu.dma_semaphore, #tpu.memory_space<semaphore_mem>>) src(%dma_wait3A_458 : memref<10000xf32, #tpu.memory_space<hbm>>) dst(%dma_wait3A_453 : memref<80xf32, #tpu.memory_space<vmem>>)
      %dma_wait3A_459 = arith.constant 0 : i32
      %dma_wait3A_460 = arith.constant 0 : i32
      %dma_wait3A_461 = arith.constant 0 : i32
      %dma_wait3A_462 = tpu.memref_slice %arg15[%dma_wait3A_460, %dma_wait3A_461] : memref<125x80xf32, #tpu.memory_space<vmem>> -> memref<1x80xf32, #tpu.memory_space<vmem>>
      %dma_wait3A_463 = tpu.memref_squeeze %dma_wait3A_462 : memref<1x80xf32, #tpu.memory_space<vmem>> -> memref<80xf32, #tpu.memory_space<vmem>>
      %dma_wait3A_464 = arith.constant 0 : i32
      %dma_wait3A_465 = tpu.memref_slice %arg9[%dma_wait3A_459, %dma_wait3A_464] : memref<125x80xi32, #tpu.memory_space<vmem>> -> memref<1x80xi32, #tpu.memory_space<vmem>>
      %dma_wait3A_466 = tpu.memref_squeeze %dma_wait3A_465 : memref<1x80xi32, #tpu.memory_space<vmem>> -> memref<80xi32, #tpu.memory_space<vmem>>
      %dma_wait3A_467 = arith.constant 0 : i32
      %dma_wait3A_468 = tpu.memref_slice %arg3[%dma_wait3A_467] : memref<10000xf32, #tpu.memory_space<hbm>> -> memref<10000xf32, #tpu.memory_space<hbm>>
      tpu.wait_indirect_dma semaphore(%arg26 : memref<!tpu.dma_semaphore, #tpu.memory_space<semaphore_mem>>) src(%dma_wait3A_468 : memref<10000xf32, #tpu.memory_space<hbm>>) dst(%dma_wait3A_463 : memref<80xf32, #tpu.memory_space<vmem>>)
      %dma_wait3A_469 = arith.constant 0 : i32
      %dma_wait3A_470 = arith.constant 0 : i32
      %dma_wait3A_471 = arith.constant 0 : i32
      %dma_wait3A_472 = tpu.memref_slice %arg15[%dma_wait3A_470, %dma_wait3A_471] : memref<125x80xf32, #tpu.memory_space<vmem>> -> memref<1x80xf32, #tpu.memory_space<vmem>>
      %dma_wait3A_473 = tpu.memref_squeeze %dma_wait3A_472 : memref<1x80xf32, #tpu.memory_space<vmem>> -> memref<80xf32, #tpu.memory_space<vmem>>
      %dma_wait3A_474 = arith.constant 0 : i32
      %dma_wait3A_475 = tpu.memref_slice %arg9[%dma_wait3A_469, %dma_wait3A_474] : memref<125x80xi32, #tpu.memory_space<vmem>> -> memref<1x80xi32, #tpu.memory_space<vmem>>
      %dma_wait3A_476 = tpu.memref_squeeze %dma_wait3A_475 : memref<1x80xi32, #tpu.memory_space<vmem>> -> memref<80xi32, #tpu.memory_space<vmem>>
      %dma_wait3A_477 = arith.constant 0 : i32
      %dma_wait3A_478 = tpu.memref_slice %arg3[%dma_wait3A_477] : memref<10000xf32, #tpu.memory_space<hbm>> -> memref<10000xf32, #tpu.memory_space<hbm>>
      tpu.wait_indirect_dma semaphore(%arg26 : memref<!tpu.dma_semaphore, #tpu.memory_space<semaphore_mem>>) src(%dma_wait3A_478 : memref<10000xf32, #tpu.memory_space<hbm>>) dst(%dma_wait3A_473 : memref<80xf32, #tpu.memory_space<vmem>>)
    }
    %scan3A_41 = arith.constant 24 : i32
    %dma_start3A_42 = arith.constant 120 : i32
    %dma_start3A_43 = arith.constant 120 : i32
    %dma_start3A_44 = arith.constant 0 : i32
    %dma_start3A_45 = tpu.memref_slice %arg15[%dma_start3A_43, %dma_start3A_44] : memref<125x80xf32, #tpu.memory_space<vmem>> -> memref<1x80xf32, #tpu.memory_space<vmem>>
    %dma_start3A_46 = tpu.memref_squeeze %dma_start3A_45 : memref<1x80xf32, #tpu.memory_space<vmem>> -> memref<80xf32, #tpu.memory_space<vmem>>
    %dma_start3A_47 = arith.constant 0 : i32
    %dma_start3A_48 = tpu.memref_slice %arg9[%dma_start3A_42, %dma_start3A_47] : memref<125x80xi32, #tpu.memory_space<vmem>> -> memref<1x80xi32, #tpu.memory_space<vmem>>
    %dma_start3A_49 = tpu.memref_squeeze %dma_start3A_48 : memref<1x80xi32, #tpu.memory_space<vmem>> -> memref<80xi32, #tpu.memory_space<vmem>>
    %dma_start3A_50 = arith.constant 0 : i32
    %dma_start3A_51 = tpu.memref_slice %arg3[%dma_start3A_50] : memref<10000xf32, #tpu.memory_space<hbm>> -> memref<10000xf32, #tpu.memory_space<hbm>>
    tpu.enqueue_indirect_dma source(%dma_start3A_51 : memref<10000xf32, #tpu.memory_space<hbm>>) target(%dma_start3A_46 : memref<80xf32, #tpu.memory_space<vmem>>) offsets(%dma_start3A_49 : memref<80xi32, #tpu.memory_space<vmem>>) semaphore(%arg26 : memref<!tpu.dma_semaphore, #tpu.memory_space<semaphore_mem>>)
    %dma_start3A_52 = arith.constant 121 : i32
    %dma_start3A_53 = arith.constant 121 : i32
    %dma_start3A_54 = arith.constant 0 : i32
    %dma_start3A_55 = tpu.memref_slice %arg15[%dma_start3A_53, %dma_start3A_54] : memref<125x80xf32, #tpu.memory_space<vmem>> -> memref<1x80xf32, #tpu.memory_space<vmem>>
    %dma_start3A_56 = tpu.memref_squeeze %dma_start3A_55 : memref<1x80xf32, #tpu.memory_space<vmem>> -> memref<80xf32, #tpu.memory_space<vmem>>
    %dma_start3A_57 = arith.constant 0 : i32
    %dma_start3A_58 = tpu.memref_slice %arg9[%dma_start3A_52, %dma_start3A_57] : memref<125x80xi32, #tpu.memory_space<vmem>> -> memref<1x80xi32, #tpu.memory_space<vmem>>
    %dma_start3A_59 = tpu.memref_squeeze %dma_start3A_58 : memref<1x80xi32, #tpu.memory_space<vmem>> -> memref<80xi32, #tpu.memory_space<vmem>>
    %dma_start3A_60 = arith.constant 0 : i32
    %dma_start3A_61 = tpu.memref_slice %arg3[%dma_start3A_60] : memref<10000xf32, #tpu.memory_space<hbm>> -> memref<10000xf32, #tpu.memory_space<hbm>>
    tpu.enqueue_indirect_dma source(%dma_start3A_61 : memref<10000xf32, #tpu.memory_space<hbm>>) target(%dma_start3A_56 : memref<80xf32, #tpu.memory_space<vmem>>) offsets(%dma_start3A_59 : memref<80xi32, #tpu.memory_space<vmem>>) semaphore(%arg26 : memref<!tpu.dma_semaphore, #tpu.memory_space<semaphore_mem>>)
    %dma_start3A_62 = arith.constant 122 : i32
    %dma_start3A_63 = arith.constant 122 : i32
    %dma_start3A_64 = arith.constant 0 : i32
    %dma_start3A_65 = tpu.memref_slice %arg15[%dma_start3A_63, %dma_start3A_64] : memref<125x80xf32, #tpu.memory_space<vmem>> -> memref<1x80xf32, #tpu.memory_space<vmem>>
    %dma_start3A_66 = tpu.memref_squeeze %dma_start3A_65 : memref<1x80xf32, #tpu.memory_space<vmem>> -> memref<80xf32, #tpu.memory_space<vmem>>
    %dma_start3A_67 = arith.constant 0 : i32
    %dma_start3A_68 = tpu.memref_slice %arg9[%dma_start3A_62, %dma_start3A_67] : memref<125x80xi32, #tpu.memory_space<vmem>> -> memref<1x80xi32, #tpu.memory_space<vmem>>
    %dma_start3A_69 = tpu.memref_squeeze %dma_start3A_68 : memref<1x80xi32, #tpu.memory_space<vmem>> -> memref<80xi32, #tpu.memory_space<vmem>>
    %dma_start3A_70 = arith.constant 0 : i32
    %dma_start3A_71 = tpu.memref_slice %arg3[%dma_start3A_70] : memref<10000xf32, #tpu.memory_space<hbm>> -> memref<10000xf32, #tpu.memory_space<hbm>>
    tpu.enqueue_indirect_dma source(%dma_start3A_71 : memref<10000xf32, #tpu.memory_space<hbm>>) target(%dma_start3A_66 : memref<80xf32, #tpu.memory_space<vmem>>) offsets(%dma_start3A_69 : memref<80xi32, #tpu.memory_space<vmem>>) semaphore(%arg26 : memref<!tpu.dma_semaphore, #tpu.memory_space<semaphore_mem>>)
    %dma_start3A_72 = arith.constant 123 : i32
    %dma_start3A_73 = arith.constant 123 : i32
    %dma_start3A_74 = arith.constant 0 : i32
    %dma_start3A_75 = tpu.memref_slice %arg15[%dma_start3A_73, %dma_start3A_74] : memref<125x80xf32, #tpu.memory_space<vmem>> -> memref<1x80xf32, #tpu.memory_space<vmem>>
    %dma_start3A_76 = tpu.memref_squeeze %dma_start3A_75 : memref<1x80xf32, #tpu.memory_space<vmem>> -> memref<80xf32, #tpu.memory_space<vmem>>
    %dma_start3A_77 = arith.constant 0 : i32
    %dma_start3A_78 = tpu.memref_slice %arg9[%dma_start3A_72, %dma_start3A_77] : memref<125x80xi32, #tpu.memory_space<vmem>> -> memref<1x80xi32, #tpu.memory_space<vmem>>
    %dma_start3A_79 = tpu.memref_squeeze %dma_start3A_78 : memref<1x80xi32, #tpu.memory_space<vmem>> -> memref<80xi32, #tpu.memory_space<vmem>>
    %dma_start3A_80 = arith.constant 0 : i32
    %dma_start3A_81 = tpu.memref_slice %arg3[%dma_start3A_80] : memref<10000xf32, #tpu.memory_space<hbm>> -> memref<10000xf32, #tpu.memory_space<hbm>>
    tpu.enqueue_indirect_dma source(%dma_start3A_81 : memref<10000xf32, #tpu.memory_space<hbm>>) target(%dma_start3A_76 : memref<80xf32, #tpu.memory_space<vmem>>) offsets(%dma_start3A_79 : memref<80xi32, #tpu.memory_space<vmem>>) semaphore(%arg26 : memref<!tpu.dma_semaphore, #tpu.memory_space<semaphore_mem>>)
    %dma_start3A_82 = arith.constant 124 : i32
    %dma_start3A_83 = arith.constant 124 : i32
    %dma_start3A_84 = arith.constant 0 : i32
    %dma_start3A_85 = tpu.memref_slice %arg15[%dma_start3A_83, %dma_start3A_84] : memref<125x80xf32, #tpu.memory_space<vmem>> -> memref<1x80xf32, #tpu.memory_space<vmem>>
    %dma_start3A_86 = tpu.memref_squeeze %dma_start3A_85 : memref<1x80xf32, #tpu.memory_space<vmem>> -> memref<80xf32, #tpu.memory_space<vmem>>
    %dma_start3A_87 = arith.constant 0 : i32
    %dma_start3A_88 = tpu.memref_slice %arg9[%dma_start3A_82, %dma_start3A_87] : memref<125x80xi32, #tpu.memory_space<vmem>> -> memref<1x80xi32, #tpu.memory_space<vmem>>
    %dma_start3A_89 = tpu.memref_squeeze %dma_start3A_88 : memref<1x80xi32, #tpu.memory_space<vmem>> -> memref<80xi32, #tpu.memory_space<vmem>>
    %dma_start3A_90 = arith.constant 0 : i32
    %dma_start3A_91 = tpu.memref_slice %arg3[%dma_start3A_90] : memref<10000xf32, #tpu.memory_space<hbm>> -> memref<10000xf32, #tpu.memory_space<hbm>>
    tpu.enqueue_indirect_dma source(%dma_start3A_91 : memref<10000xf32, #tpu.memory_space<hbm>>) target(%dma_start3A_86 : memref<80xf32, #tpu.memory_space<vmem>>) offsets(%dma_start3A_89 : memref<80xi32, #tpu.memory_space<vmem>>) semaphore(%arg26 : memref<!tpu.dma_semaphore, #tpu.memory_space<semaphore_mem>>)
    %dma_wait3A = arith.constant 0 : i32
    %dma_wait3A_92 = arith.constant 0 : i32
    %dma_wait3A_93 = tpu.memref_slice %arg8[%dma_wait3A, %dma_wait3A_92] : memref<125x80xi32, #tpu.memory_space<vmem>> -> memref<1x80xi32, #tpu.memory_space<vmem>>
    %dma_wait3A_94 = tpu.memref_squeeze %dma_wait3A_93 : memref<1x80xi32, #tpu.memory_space<vmem>> -> memref<80xi32, #tpu.memory_space<vmem>>
    %dma_wait3A_95 = arith.constant 0 : i32
    %dma_wait3A_96 = arith.constant 0 : i32
    %dma_wait3A_97 = tpu.memref_slice %arg2[%dma_wait3A_95, %dma_wait3A_96] : memref<10000x128xf32, #tpu.memory_space<hbm>> -> memref<10000x128xf32, #tpu.memory_space<hbm>>
    tpu.wait_indirect_dma semaphore(%arg16 : memref<!tpu.dma_semaphore, #tpu.memory_space<semaphore_mem>>) src(%dma_wait3A_97 : memref<10000x128xf32, #tpu.memory_space<hbm>>) dst(%arg10 : memref<80x128xf32, #tpu.memory_space<vmem>>)
    %add3A_98 = arith.constant 9600 : i32
    %add3A_99 = arith.addi %mul3A_2, %add3A_98 : i32
    %dma_start3A_100 = arith.constant 0 : i32
    %dma_start3A_101 = tpu.memref_slice %arg6[%add3A_99, %dma_start3A_100] : memref<320000x128xf32, #tpu.memory_space<hbm>> -> memref<80x128xf32, #tpu.memory_space<hbm>>
    %dma_start3A_102 = arith.constant 0 : i32
    %dma_start3A_103 = tpu.memref_slice %arg6[%add3A_99, %dma_start3A_102] : memref<320000x128xf32, #tpu.memory_space<hbm>> -> memref<80x128xf32, #tpu.memory_space<hbm>>
    tpu.enqueue_dma source(%arg10 : memref<80x128xf32, #tpu.memory_space<vmem>>) target(%dma_start3A_103 : memref<80x128xf32, #tpu.memory_space<hbm>>) target_semaphore(%arg21 : memref<!tpu.dma_semaphore, #tpu.memory_space<semaphore_mem>>)
    %dma_wait3A_104 = arith.constant 0 : i32
    %dma_wait3A_105 = arith.constant 0 : i32
    %dma_wait3A_106 = tpu.memref_slice %arg8[%dma_wait3A_104, %dma_wait3A_105] : memref<125x80xi32, #tpu.memory_space<vmem>> -> memref<1x80xi32, #tpu.memory_space<vmem>>
    %dma_wait3A_107 = tpu.memref_squeeze %dma_wait3A_106 : memref<1x80xi32, #tpu.memory_space<vmem>> -> memref<80xi32, #tpu.memory_space<vmem>>
    %dma_wait3A_108 = arith.constant 0 : i32
    %dma_wait3A_109 = arith.constant 0 : i32
    %dma_wait3A_110 = tpu.memref_slice %arg2[%dma_wait3A_108, %dma_wait3A_109] : memref<10000x128xf32, #tpu.memory_space<hbm>> -> memref<10000x128xf32, #tpu.memory_space<hbm>>
    tpu.wait_indirect_dma semaphore(%arg17 : memref<!tpu.dma_semaphore, #tpu.memory_space<semaphore_mem>>) src(%dma_wait3A_110 : memref<10000x128xf32, #tpu.memory_space<hbm>>) dst(%arg11 : memref<80x128xf32, #tpu.memory_space<vmem>>)
    %add3A_111 = arith.constant 9680 : i32
    %add3A_112 = arith.addi %mul3A_2, %add3A_111 : i32
    %dma_start3A_113 = arith.constant 0 : i32
    %dma_start3A_114 = tpu.memref_slice %arg6[%add3A_112, %dma_start3A_113] : memref<320000x128xf32, #tpu.memory_space<hbm>> -> memref<80x128xf32, #tpu.memory_space<hbm>>
    %dma_start3A_115 = arith.constant 0 : i32
    %dma_start3A_116 = tpu.memref_slice %arg6[%add3A_112, %dma_start3A_115] : memref<320000x128xf32, #tpu.memory_space<hbm>> -> memref<80x128xf32, #tpu.memory_space<hbm>>
    tpu.enqueue_dma source(%arg11 : memref<80x128xf32, #tpu.memory_space<vmem>>) target(%dma_start3A_116 : memref<80x128xf32, #tpu.memory_space<hbm>>) target_semaphore(%arg22 : memref<!tpu.dma_semaphore, #tpu.memory_space<semaphore_mem>>)
    %dma_wait3A_117 = arith.constant 0 : i32
    %dma_wait3A_118 = arith.constant 0 : i32
    %dma_wait3A_119 = tpu.memref_slice %arg8[%dma_wait3A_117, %dma_wait3A_118] : memref<125x80xi32, #tpu.memory_space<vmem>> -> memref<1x80xi32, #tpu.memory_space<vmem>>
    %dma_wait3A_120 = tpu.memref_squeeze %dma_wait3A_119 : memref<1x80xi32, #tpu.memory_space<vmem>> -> memref<80xi32, #tpu.memory_space<vmem>>
    %dma_wait3A_121 = arith.constant 0 : i32
    %dma_wait3A_122 = arith.constant 0 : i32
    %dma_wait3A_123 = tpu.memref_slice %arg2[%dma_wait3A_121, %dma_wait3A_122] : memref<10000x128xf32, #tpu.memory_space<hbm>> -> memref<10000x128xf32, #tpu.memory_space<hbm>>
    tpu.wait_indirect_dma semaphore(%arg18 : memref<!tpu.dma_semaphore, #tpu.memory_space<semaphore_mem>>) src(%dma_wait3A_123 : memref<10000x128xf32, #tpu.memory_space<hbm>>) dst(%arg12 : memref<80x128xf32, #tpu.memory_space<vmem>>)
    %add3A_124 = arith.constant 9760 : i32
    %add3A_125 = arith.addi %mul3A_2, %add3A_124 : i32
    %dma_start3A_126 = arith.constant 0 : i32
    %dma_start3A_127 = tpu.memref_slice %arg6[%add3A_125, %dma_start3A_126] : memref<320000x128xf32, #tpu.memory_space<hbm>> -> memref<80x128xf32, #tpu.memory_space<hbm>>
    %dma_start3A_128 = arith.constant 0 : i32
    %dma_start3A_129 = tpu.memref_slice %arg6[%add3A_125, %dma_start3A_128] : memref<320000x128xf32, #tpu.memory_space<hbm>> -> memref<80x128xf32, #tpu.memory_space<hbm>>
    tpu.enqueue_dma source(%arg12 : memref<80x128xf32, #tpu.memory_space<vmem>>) target(%dma_start3A_129 : memref<80x128xf32, #tpu.memory_space<hbm>>) target_semaphore(%arg23 : memref<!tpu.dma_semaphore, #tpu.memory_space<semaphore_mem>>)
    %dma_wait3A_130 = arith.constant 0 : i32
    %dma_wait3A_131 = arith.constant 0 : i32
    %dma_wait3A_132 = tpu.memref_slice %arg8[%dma_wait3A_130, %dma_wait3A_131] : memref<125x80xi32, #tpu.memory_space<vmem>> -> memref<1x80xi32, #tpu.memory_space<vmem>>
    %dma_wait3A_133 = tpu.memref_squeeze %dma_wait3A_132 : memref<1x80xi32, #tpu.memory_space<vmem>> -> memref<80xi32, #tpu.memory_space<vmem>>
    %dma_wait3A_134 = arith.constant 0 : i32
    %dma_wait3A_135 = arith.constant 0 : i32
    %dma_wait3A_136 = tpu.memref_slice %arg2[%dma_wait3A_134, %dma_wait3A_135] : memref<10000x128xf32, #tpu.memory_space<hbm>> -> memref<10000x128xf32, #tpu.memory_space<hbm>>
    tpu.wait_indirect_dma semaphore(%arg19 : memref<!tpu.dma_semaphore, #tpu.memory_space<semaphore_mem>>) src(%dma_wait3A_136 : memref<10000x128xf32, #tpu.memory_space<hbm>>) dst(%arg13 : memref<80x128xf32, #tpu.memory_space<vmem>>)
    %add3A_137 = arith.constant 9840 : i32
    %add3A_138 = arith.addi %mul3A_2, %add3A_137 : i32
    %dma_start3A_139 = arith.constant 0 : i32
    %dma_start3A_140 = tpu.memref_slice %arg6[%add3A_138, %dma_start3A_139] : memref<320000x128xf32, #tpu.memory_space<hbm>> -> memref<80x128xf32, #tpu.memory_space<hbm>>
    %dma_start3A_141 = arith.constant 0 : i32
    %dma_start3A_142 = tpu.memref_slice %arg6[%add3A_138, %dma_start3A_141] : memref<320000x128xf32, #tpu.memory_space<hbm>> -> memref<80x128xf32, #tpu.memory_space<hbm>>
    tpu.enqueue_dma source(%arg13 : memref<80x128xf32, #tpu.memory_space<vmem>>) target(%dma_start3A_142 : memref<80x128xf32, #tpu.memory_space<hbm>>) target_semaphore(%arg24 : memref<!tpu.dma_semaphore, #tpu.memory_space<semaphore_mem>>)
    %dma_wait3A_143 = arith.constant 0 : i32
    %dma_wait3A_144 = arith.constant 0 : i32
    %dma_wait3A_145 = tpu.memref_slice %arg8[%dma_wait3A_143, %dma_wait3A_144] : memref<125x80xi32, #tpu.memory_space<vmem>> -> memref<1x80xi32, #tpu.memory_space<vmem>>
    %dma_wait3A_146 = tpu.memref_squeeze %dma_wait3A_145 : memref<1x80xi32, #tpu.memory_space<vmem>> -> memref<80xi32, #tpu.memory_space<vmem>>
    %dma_wait3A_147 = arith.constant 0 : i32
    %dma_wait3A_148 = arith.constant 0 : i32
    %dma_wait3A_149 = tpu.memref_slice %arg2[%dma_wait3A_147, %dma_wait3A_148] : memref<10000x128xf32, #tpu.memory_space<hbm>> -> memref<10000x128xf32, #tpu.memory_space<hbm>>
    tpu.wait_indirect_dma semaphore(%arg20 : memref<!tpu.dma_semaphore, #tpu.memory_space<semaphore_mem>>) src(%dma_wait3A_149 : memref<10000x128xf32, #tpu.memory_space<hbm>>) dst(%arg14 : memref<80x128xf32, #tpu.memory_space<vmem>>)
    %add3A_150 = arith.constant 9920 : i32
    %add3A_151 = arith.addi %mul3A_2, %add3A_150 : i32
    %dma_start3A_152 = arith.constant 0 : i32
    %dma_start3A_153 = tpu.memref_slice %arg6[%add3A_151, %dma_start3A_152] : memref<320000x128xf32, #tpu.memory_space<hbm>> -> memref<80x128xf32, #tpu.memory_space<hbm>>
    %dma_start3A_154 = arith.constant 0 : i32
    %dma_start3A_155 = tpu.memref_slice %arg6[%add3A_151, %dma_start3A_154] : memref<320000x128xf32, #tpu.memory_space<hbm>> -> memref<80x128xf32, #tpu.memory_space<hbm>>
    tpu.enqueue_dma source(%arg14 : memref<80x128xf32, #tpu.memory_space<vmem>>) target(%dma_start3A_155 : memref<80x128xf32, #tpu.memory_space<hbm>>) target_semaphore(%arg25 : memref<!tpu.dma_semaphore, #tpu.memory_space<semaphore_mem>>)
    %dma_wait3A_156 = arith.constant 0 : i32
    %dma_wait3A_157 = tpu.memref_slice %arg6[%mul3A_2, %dma_wait3A_156] : memref<320000x128xf32, #tpu.memory_space<hbm>> -> memref<80x128xf32, #tpu.memory_space<hbm>>
    %dma_wait3A_158 = arith.constant 0 : i32
    %dma_wait3A_159 = tpu.memref_slice %arg6[%mul3A_2, %dma_wait3A_158] : memref<320000x128xf32, #tpu.memory_space<hbm>> -> memref<80x128xf32, #tpu.memory_space<hbm>>
    tpu.wait_dma2 semaphore(%arg21 : memref<!tpu.dma_semaphore, #tpu.memory_space<semaphore_mem>>) src(%arg10 : memref<80x128xf32, #tpu.memory_space<vmem>>) dst(%dma_wait3A_159 : memref<80x128xf32, #tpu.memory_space<hbm>>)
    %dma_wait3A_160 = arith.constant 0 : i32
    %dma_wait3A_161 = tpu.memref_slice %arg6[%mul3A_2, %dma_wait3A_160] : memref<320000x128xf32, #tpu.memory_space<hbm>> -> memref<80x128xf32, #tpu.memory_space<hbm>>
    %dma_wait3A_162 = arith.constant 0 : i32
    %dma_wait3A_163 = tpu.memref_slice %arg6[%mul3A_2, %dma_wait3A_162] : memref<320000x128xf32, #tpu.memory_space<hbm>> -> memref<80x128xf32, #tpu.memory_space<hbm>>
    tpu.wait_dma2 semaphore(%arg22 : memref<!tpu.dma_semaphore, #tpu.memory_space<semaphore_mem>>) src(%arg11 : memref<80x128xf32, #tpu.memory_space<vmem>>) dst(%dma_wait3A_163 : memref<80x128xf32, #tpu.memory_space<hbm>>)
    %dma_wait3A_164 = arith.constant 0 : i32
    %dma_wait3A_165 = tpu.memref_slice %arg6[%mul3A_2, %dma_wait3A_164] : memref<320000x128xf32, #tpu.memory_space<hbm>> -> memref<80x128xf32, #tpu.memory_space<hbm>>
    %dma_wait3A_166 = arith.constant 0 : i32
    %dma_wait3A_167 = tpu.memref_slice %arg6[%mul3A_2, %dma_wait3A_166] : memref<320000x128xf32, #tpu.memory_space<hbm>> -> memref<80x128xf32, #tpu.memory_space<hbm>>
    tpu.wait_dma2 semaphore(%arg23 : memref<!tpu.dma_semaphore, #tpu.memory_space<semaphore_mem>>) src(%arg12 : memref<80x128xf32, #tpu.memory_space<vmem>>) dst(%dma_wait3A_167 : memref<80x128xf32, #tpu.memory_space<hbm>>)
    %dma_wait3A_168 = arith.constant 0 : i32
    %dma_wait3A_169 = tpu.memref_slice %arg6[%mul3A_2, %dma_wait3A_168] : memref<320000x128xf32, #tpu.memory_space<hbm>> -> memref<80x128xf32, #tpu.memory_space<hbm>>
    %dma_wait3A_170 = arith.constant 0 : i32
    %dma_wait3A_171 = tpu.memref_slice %arg6[%mul3A_2, %dma_wait3A_170] : memref<320000x128xf32, #tpu.memory_space<hbm>> -> memref<80x128xf32, #tpu.memory_space<hbm>>
    tpu.wait_dma2 semaphore(%arg24 : memref<!tpu.dma_semaphore, #tpu.memory_space<semaphore_mem>>) src(%arg13 : memref<80x128xf32, #tpu.memory_space<vmem>>) dst(%dma_wait3A_171 : memref<80x128xf32, #tpu.memory_space<hbm>>)
    %dma_wait3A_172 = arith.constant 0 : i32
    %dma_wait3A_173 = tpu.memref_slice %arg6[%mul3A_2, %dma_wait3A_172] : memref<320000x128xf32, #tpu.memory_space<hbm>> -> memref<80x128xf32, #tpu.memory_space<hbm>>
    %dma_wait3A_174 = arith.constant 0 : i32
    %dma_wait3A_175 = tpu.memref_slice %arg6[%mul3A_2, %dma_wait3A_174] : memref<320000x128xf32, #tpu.memory_space<hbm>> -> memref<80x128xf32, #tpu.memory_space<hbm>>
    tpu.wait_dma2 semaphore(%arg25 : memref<!tpu.dma_semaphore, #tpu.memory_space<semaphore_mem>>) src(%arg14 : memref<80x128xf32, #tpu.memory_space<vmem>>) dst(%dma_wait3A_175 : memref<80x128xf32, #tpu.memory_space<hbm>>)
    %dma_wait3A_176 = arith.constant 0 : i32
    %dma_wait3A_177 = arith.constant 0 : i32
    %dma_wait3A_178 = arith.constant 0 : i32
    %dma_wait3A_179 = tpu.memref_slice %arg15[%dma_wait3A_177, %dma_wait3A_178] : memref<125x80xf32, #tpu.memory_space<vmem>> -> memref<1x80xf32, #tpu.memory_space<vmem>>
    %dma_wait3A_180 = tpu.memref_squeeze %dma_wait3A_179 : memref<1x80xf32, #tpu.memory_space<vmem>> -> memref<80xf32, #tpu.memory_space<vmem>>
    %dma_wait3A_181 = arith.constant 0 : i32
    %dma_wait3A_182 = tpu.memref_slice %arg9[%dma_wait3A_176, %dma_wait3A_181] : memref<125x80xi32, #tpu.memory_space<vmem>> -> memref<1x80xi32, #tpu.memory_space<vmem>>
    %dma_wait3A_183 = tpu.memref_squeeze %dma_wait3A_182 : memref<1x80xi32, #tpu.memory_space<vmem>> -> memref<80xi32, #tpu.memory_space<vmem>>
    %dma_wait3A_184 = arith.constant 0 : i32
    %dma_wait3A_185 = tpu.memref_slice %arg3[%dma_wait3A_184] : memref<10000xf32, #tpu.memory_space<hbm>> -> memref<10000xf32, #tpu.memory_space<hbm>>
    tpu.wait_indirect_dma semaphore(%arg26 : memref<!tpu.dma_semaphore, #tpu.memory_space<semaphore_mem>>) src(%dma_wait3A_185 : memref<10000xf32, #tpu.memory_space<hbm>>) dst(%dma_wait3A_180 : memref<80xf32, #tpu.memory_space<vmem>>)
    %dma_wait3A_186 = arith.constant 0 : i32
    %dma_wait3A_187 = arith.constant 0 : i32
    %dma_wait3A_188 = arith.constant 0 : i32
    %dma_wait3A_189 = tpu.memref_slice %arg15[%dma_wait3A_187, %dma_wait3A_188] : memref<125x80xf32, #tpu.memory_space<vmem>> -> memref<1x80xf32, #tpu.memory_space<vmem>>
    %dma_wait3A_190 = tpu.memref_squeeze %dma_wait3A_189 : memref<1x80xf32, #tpu.memory_space<vmem>> -> memref<80xf32, #tpu.memory_space<vmem>>
    %dma_wait3A_191 = arith.constant 0 : i32
    %dma_wait3A_192 = tpu.memref_slice %arg9[%dma_wait3A_186, %dma_wait3A_191] : memref<125x80xi32, #tpu.memory_space<vmem>> -> memref<1x80xi32, #tpu.memory_space<vmem>>
    %dma_wait3A_193 = tpu.memref_squeeze %dma_wait3A_192 : memref<1x80xi32, #tpu.memory_space<vmem>> -> memref<80xi32, #tpu.memory_space<vmem>>
    %dma_wait3A_194 = arith.constant 0 : i32
    %dma_wait3A_195 = tpu.memref_slice %arg3[%dma_wait3A_194] : memref<10000xf32, #tpu.memory_space<hbm>> -> memref<10000xf32, #tpu.memory_space<hbm>>
    tpu.wait_indirect_dma semaphore(%arg26 : memref<!tpu.dma_semaphore, #tpu.memory_space<semaphore_mem>>) src(%dma_wait3A_195 : memref<10000xf32, #tpu.memory_space<hbm>>) dst(%dma_wait3A_190 : memref<80xf32, #tpu.memory_space<vmem>>)
    %dma_wait3A_196 = arith.constant 0 : i32
    %dma_wait3A_197 = arith.constant 0 : i32
    %dma_wait3A_198 = arith.constant 0 : i32
    %dma_wait3A_199 = tpu.memref_slice %arg15[%dma_wait3A_197, %dma_wait3A_198] : memref<125x80xf32, #tpu.memory_space<vmem>> -> memref<1x80xf32, #tpu.memory_space<vmem>>
    %dma_wait3A_200 = tpu.memref_squeeze %dma_wait3A_199 : memref<1x80xf32, #tpu.memory_space<vmem>> -> memref<80xf32, #tpu.memory_space<vmem>>
    %dma_wait3A_201 = arith.constant 0 : i32
    %dma_wait3A_202 = tpu.memref_slice %arg9[%dma_wait3A_196, %dma_wait3A_201] : memref<125x80xi32, #tpu.memory_space<vmem>> -> memref<1x80xi32, #tpu.memory_space<vmem>>
    %dma_wait3A_203 = tpu.memref_squeeze %dma_wait3A_202 : memref<1x80xi32, #tpu.memory_space<vmem>> -> memref<80xi32, #tpu.memory_space<vmem>>
    %dma_wait3A_204 = arith.constant 0 : i32
    %dma_wait3A_205 = tpu.memref_slice %arg3[%dma_wait3A_204] : memref<10000xf32, #tpu.memory_space<hbm>> -> memref<10000xf32, #tpu.memory_space<hbm>>
    tpu.wait_indirect_dma semaphore(%arg26 : memref<!tpu.dma_semaphore, #tpu.memory_space<semaphore_mem>>) src(%dma_wait3A_205 : memref<10000xf32, #tpu.memory_space<hbm>>) dst(%dma_wait3A_200 : memref<80xf32, #tpu.memory_space<vmem>>)
    %dma_wait3A_206 = arith.constant 0 : i32
    %dma_wait3A_207 = arith.constant 0 : i32
    %dma_wait3A_208 = arith.constant 0 : i32
    %dma_wait3A_209 = tpu.memref_slice %arg15[%dma_wait3A_207, %dma_wait3A_208] : memref<125x80xf32, #tpu.memory_space<vmem>> -> memref<1x80xf32, #tpu.memory_space<vmem>>
    %dma_wait3A_210 = tpu.memref_squeeze %dma_wait3A_209 : memref<1x80xf32, #tpu.memory_space<vmem>> -> memref<80xf32, #tpu.memory_space<vmem>>
    %dma_wait3A_211 = arith.constant 0 : i32
    %dma_wait3A_212 = tpu.memref_slice %arg9[%dma_wait3A_206, %dma_wait3A_211] : memref<125x80xi32, #tpu.memory_space<vmem>> -> memref<1x80xi32, #tpu.memory_space<vmem>>
    %dma_wait3A_213 = tpu.memref_squeeze %dma_wait3A_212 : memref<1x80xi32, #tpu.memory_space<vmem>> -> memref<80xi32, #tpu.memory_space<vmem>>
    %dma_wait3A_214 = arith.constant 0 : i32
    %dma_wait3A_215 = tpu.memref_slice %arg3[%dma_wait3A_214] : memref<10000xf32, #tpu.memory_space<hbm>> -> memref<10000xf32, #tpu.memory_space<hbm>>
    tpu.wait_indirect_dma semaphore(%arg26 : memref<!tpu.dma_semaphore, #tpu.memory_space<semaphore_mem>>) src(%dma_wait3A_215 : memref<10000xf32, #tpu.memory_space<hbm>>) dst(%dma_wait3A_210 : memref<80xf32, #tpu.memory_space<vmem>>)
    %dma_wait3A_216 = arith.constant 0 : i32
    %dma_wait3A_217 = arith.constant 0 : i32
    %dma_wait3A_218 = arith.constant 0 : i32
    %dma_wait3A_219 = tpu.memref_slice %arg15[%dma_wait3A_217, %dma_wait3A_218] : memref<125x80xf32, #tpu.memory_space<vmem>> -> memref<1x80xf32, #tpu.memory_space<vmem>>
    %dma_wait3A_220 = tpu.memref_squeeze %dma_wait3A_219 : memref<1x80xf32, #tpu.memory_space<vmem>> -> memref<80xf32, #tpu.memory_space<vmem>>
    %dma_wait3A_221 = arith.constant 0 : i32
    %dma_wait3A_222 = tpu.memref_slice %arg9[%dma_wait3A_216, %dma_wait3A_221] : memref<125x80xi32, #tpu.memory_space<vmem>> -> memref<1x80xi32, #tpu.memory_space<vmem>>
    %dma_wait3A_223 = tpu.memref_squeeze %dma_wait3A_222 : memref<1x80xi32, #tpu.memory_space<vmem>> -> memref<80xi32, #tpu.memory_space<vmem>>
    %dma_wait3A_224 = arith.constant 0 : i32
    %dma_wait3A_225 = tpu.memref_slice %arg3[%dma_wait3A_224] : memref<10000xf32, #tpu.memory_space<hbm>> -> memref<10000xf32, #tpu.memory_space<hbm>>
    tpu.wait_indirect_dma semaphore(%arg26 : memref<!tpu.dma_semaphore, #tpu.memory_space<semaphore_mem>>) src(%dma_wait3A_225 : memref<10000xf32, #tpu.memory_space<hbm>>) dst(%dma_wait3A_220 : memref<80xf32, #tpu.memory_space<vmem>>)
    "tpu.region"() ({
      %run_scoped3A = tpu.sem_alloc : memref<!tpu.dma_semaphore, #tpu.memory_space<semaphore_mem>>
      %dma_start3A_226 = arith.constant 0 : i32
      %dma_start3A_227 = arith.constant 0 : i32
      %dma_start3A_228 = tpu.memref_slice %arg7[%add3A, %dma_start3A_226, %dma_start3A_227] : memref<32x125x80xf32, #tpu.memory_space<hbm>> -> memref<1x125x80xf32, #tpu.memory_space<hbm>>
      %dma_start3A_229 = tpu.memref_squeeze %dma_start3A_228 : memref<1x125x80xf32, #tpu.memory_space<hbm>> -> memref<125x80xf32, #tpu.memory_space<hbm>>
      %dma_start3A_230 = arith.constant 0 : i32
      %dma_start3A_231 = arith.constant 0 : i32
      %dma_start3A_232 = tpu.memref_slice %arg7[%add3A, %dma_start3A_230, %dma_start3A_231] : memref<32x125x80xf32, #tpu.memory_space<hbm>> -> memref<1x125x80xf32, #tpu.memory_space<hbm>>
      %dma_start3A_233 = tpu.memref_squeeze %dma_start3A_232 : memref<1x125x80xf32, #tpu.memory_space<hbm>> -> memref<125x80xf32, #tpu.memory_space<hbm>>
      tpu.enqueue_dma source(%arg15 : memref<125x80xf32, #tpu.memory_space<vmem>>) target(%dma_start3A_233 : memref<125x80xf32, #tpu.memory_space<hbm>>) target_semaphore(%run_scoped3A : memref<!tpu.dma_semaphore, #tpu.memory_space<semaphore_mem>>)
      %dma_wait3A_234 = arith.constant 0 : i32
      %dma_wait3A_235 = arith.constant 0 : i32
      %dma_wait3A_236 = tpu.memref_slice %arg7[%add3A, %dma_wait3A_234, %dma_wait3A_235] : memref<32x125x80xf32, #tpu.memory_space<hbm>> -> memref<1x125x80xf32, #tpu.memory_space<hbm>>
      %dma_wait3A_237 = tpu.memref_squeeze %dma_wait3A_236 : memref<1x125x80xf32, #tpu.memory_space<hbm>> -> memref<125x80xf32, #tpu.memory_space<hbm>>
      %dma_wait3A_238 = arith.constant 0 : i32
      %dma_wait3A_239 = arith.constant 0 : i32
      %dma_wait3A_240 = tpu.memref_slice %arg7[%add3A, %dma_wait3A_238, %dma_wait3A_239] : memref<32x125x80xf32, #tpu.memory_space<hbm>> -> memref<1x125x80xf32, #tpu.memory_space<hbm>>
      %dma_wait3A_241 = tpu.memref_squeeze %dma_wait3A_240 : memref<1x125x80xf32, #tpu.memory_space<hbm>> -> memref<125x80xf32, #tpu.memory_space<hbm>>
      tpu.wait_dma2 semaphore(%run_scoped3A : memref<!tpu.dma_semaphore, #tpu.memory_space<semaphore_mem>>) src(%arg15 : memref<125x80xf32, #tpu.memory_space<vmem>>) dst(%dma_wait3A_241 : memref<125x80xf32, #tpu.memory_space<hbm>>)
      tpu.yield
    }) : () -> ()
    return
  }
}

module attributes {stable_mosaic.version = 14 : i64} {
  func.func @_tc0_body(%arg0: memref<10000x128xf32, #tpu.memory_space<vmem>>, %arg1: memref<128x128xf32, #tpu.memory_space<vmem>>, %arg2: memref<1x128xf32, #tpu.memory_space<vmem>>, %arg3: memref<128x128xf32, #tpu.memory_space<vmem>>, %arg4: memref<1x128xf32, #tpu.memory_space<vmem>>, %arg5: memref<128x1xf32, #tpu.memory_space<vmem>>, %arg6: memref<1x1xf32, #tpu.memory_space<vmem>>, %arg7: memref<10000x128xf32, #tpu.memory_space<vmem>>, %arg8: memref<10000x128xf32, #tpu.memory_space<vmem>>, %arg9: memref<10000x1xf32, #tpu.memory_space<vmem>>) attributes {dimension_semantics = [], scalar_prefetch = 0 : i64, scratch_operands = 0 : i64, tpu.core_type = #tpu.core_type<tc>} {
    %get3A = arith.constant 0 : index
    %get3A_0 = arith.constant 0 : index
    %get3A_1 = vector.load %arg0[%get3A, %get3A_0] : memref<10000x128xf32, #tpu.memory_space<vmem>>, vector<10000x128xf32>
    %get3A_2 = arith.constant 0 : index
    %get3A_3 = arith.constant 0 : index
    %get3A_4 = vector.load %arg1[%get3A_2, %get3A_3] : memref<128x128xf32, #tpu.memory_space<vmem>>, vector<128x128xf32>
    %dot_general3A = arith.constant dense<0.000000e+00> : vector<10000x128xf32>
    %dot_general3A_5 = tpu.matmul %get3A_1, %get3A_4, %dot_general3A {dimension_numbers = #tpu.dot_dimension_numbers<[1], [0], [0], [1], [0, 0, 1, 1], [], []>, transpose_lhs_hint = false} : vector<10000x128xf32>, vector<128x128xf32>, vector<10000x128xf32> -> vector<10000x128xf32>
    %get3A_6 = arith.constant 0 : index
    %get3A_7 = arith.constant 0 : index
    %get3A_8 = vector.load %arg2[%get3A_6, %get3A_7] : memref<1x128xf32, #tpu.memory_space<vmem>>, vector<1x128xf32>
    %add3A = vector.broadcast %get3A_8 : vector<1x128xf32> to vector<10000x128xf32>
    %add3A_9 = arith.addf %dot_general3A_5, %add3A : vector<10000x128xf32>
    %ge3A = arith.constant 0.000000e+00 : f32
    %ge3A_10 = vector.broadcast %ge3A : f32 to vector<10000x128xf32>
    %ge3A_11 = arith.cmpf oge, %add3A_9, %ge3A_10 : vector<10000x128xf32>
    %mul3A = arith.constant 0.00999999977 : f32
    %mul3A_12 = vector.broadcast %mul3A : f32 to vector<10000x128xf32>
    %mul3A_13 = arith.mulf %mul3A_12, %add3A_9 : vector<10000x128xf32>
    %select_n3A = arith.select %ge3A_11, %add3A_9, %mul3A_13 : vector<10000x128xi1>, vector<10000x128xf32>
    %swap3A = arith.constant 0 : index
    %swap3A_14 = arith.constant 0 : index
    %swap3A_15 = vector.load %arg7[%swap3A, %swap3A_14] : memref<10000x128xf32, #tpu.memory_space<vmem>>, vector<10000x128xf32>
    tpu.vector_store %arg7[%swap3A, %swap3A_14], %select_n3A {strides = array<i32>} : memref<10000x128xf32, #tpu.memory_space<vmem>>, vector<10000x128xf32>,
    %get3A_16 = arith.constant 0 : index
    %get3A_17 = arith.constant 0 : index
    %get3A_18 = vector.load %arg3[%get3A_16, %get3A_17] : memref<128x128xf32, #tpu.memory_space<vmem>>, vector<128x128xf32>
    %dot_general3A_19 = arith.constant dense<0.000000e+00> : vector<10000x128xf32>
    %dot_general3A_20 = tpu.matmul %get3A_1, %get3A_18, %dot_general3A_19 {dimension_numbers = #tpu.dot_dimension_numbers<[1], [0], [0], [1], [0, 0, 1, 1], [], []>, transpose_lhs_hint = false} : vector<10000x128xf32>, vector<128x128xf32>, vector<10000x128xf32> -> vector<10000x128xf32>
    %get3A_21 = arith.constant 0 : index
    %get3A_22 = arith.constant 0 : index
    %get3A_23 = vector.load %arg4[%get3A_21, %get3A_22] : memref<1x128xf32, #tpu.memory_space<vmem>>, vector<1x128xf32>
    %add3A_24 = vector.broadcast %get3A_23 : vector<1x128xf32> to vector<10000x128xf32>
    %add3A_25 = arith.addf %dot_general3A_20, %add3A_24 : vector<10000x128xf32>
    %swap3A_26 = arith.constant 0 : index
    %swap3A_27 = arith.constant 0 : index
    %swap3A_28 = vector.load %arg8[%swap3A_26, %swap3A_27] : memref<10000x128xf32, #tpu.memory_space<vmem>>, vector<10000x128xf32>
    tpu.vector_store %arg8[%swap3A_26, %swap3A_27], %add3A_25 {strides = array<i32>} : memref<10000x128xf32, #tpu.memory_space<vmem>>, vector<10000x128xf32>,
    %get3A_29 = arith.constant 0 : index
    %get3A_30 = arith.constant 0 : index
    %get3A_31 = vector.load %arg5[%get3A_29, %get3A_30] : memref<128x1xf32, #tpu.memory_space<vmem>>, vector<128x1xf32>
    %dot_general3A_32 = arith.constant dense<0.000000e+00> : vector<10000x1xf32>
    %dot_general3A_33 = tpu.matmul %select_n3A, %get3A_31, %dot_general3A_32 {dimension_numbers = #tpu.dot_dimension_numbers<[1], [0], [0], [1], [0, 0, 1, 1], [], []>, transpose_lhs_hint = false} : vector<10000x128xf32>, vector<128x1xf32>, vector<10000x1xf32> -> vector<10000x1xf32>
    %get3A_34 = arith.constant 0 : index
    %get3A_35 = arith.constant 0 : index
    %get3A_36 = vector.load %arg6[%get3A_34, %get3A_35] : memref<1x1xf32, #tpu.memory_space<vmem>>, vector<1x1xf32>
    %add3A_37 = vector.broadcast %get3A_36 : vector<1x1xf32> to vector<10000x1xf32>
    %add3A_38 = arith.addf %dot_general3A_33, %add3A_37 : vector<10000x1xf32>
    %swap3A_39 = arith.constant 0 : index
    %swap3A_40 = arith.constant 0 : index
    %swap3A_41 = vector.load %arg9[%swap3A_39, %swap3A_40] : memref<10000x1xf32, #tpu.memory_space<vmem>>, vector<10000x1xf32>
    tpu.vector_store %arg9[%swap3A_39, %swap3A_40], %add3A_38 {strides = array<i32>} : memref<10000x1xf32, #tpu.memory_space<vmem>>, vector<10000x1xf32>,
    return
  }
}

module attributes {stable_mosaic.version = 14 : i64} {
  func.func @_tc1_body(%arg0: i32, %arg1: memref<8000x128xf32, #tpu.memory_space<vmem>>, %arg2: memref<8000x16xf32, #tpu.memory_space<vmem>>, %arg3: memref<1x1x8000xf32, #tpu.memory_space<vmem>>, %arg4: memref<16x128xf32, #tpu.memory_space<vmem>>, %arg5: memref<128x1xf32, #tpu.memory_space<vmem>>, %arg6: memref<8000x128xf32, #tpu.memory_space<vmem>>, %arg7: memref<1x1x8000xf32, #tpu.memory_space<vmem>>) attributes {dimension_semantics = [#tpu.dimension_semantics<arbitrary>], iteration_bounds = array<i64: 40>, scalar_prefetch = 0 : i64, scratch_operands = 0 : i64, tpu.core_type = #tpu.core_type<tc>, window_params = [{transform_indices = @transform_0, window_bounds = array<i64: 8000, 128>}, {transform_indices = @transform_1, window_bounds = array<i64: 8000, 16>}, {transform_indices = @transform_2, window_bounds = array<i64: 1, 1, 8000>}, {pipeline_mode = #tpu.pipeline_mode<synchronous>, transform_indices = @transform_3, window_bounds = array<i64: 16, 128>}, {pipeline_mode = #tpu.pipeline_mode<synchronous>, transform_indices = @transform_4, window_bounds = array<i64: 128, 1>}, {transform_indices = @transform_5, window_bounds = array<i64: 8000, 128>}, {transform_indices = @transform_6, window_bounds = array<i64: 1, 1, 8000>}]} {
    %get3A = arith.constant 0 : index
    %get3A_0 = arith.constant 0 : index
    %get3A_1 = vector.load %arg1[%get3A, %get3A_0] : memref<8000x128xf32, #tpu.memory_space<vmem>>, vector<8000x128xf32>
    %get3A_2 = arith.constant 0 : index
    %get3A_3 = arith.constant 0 : index
    %get3A_4 = vector.load %arg2[%get3A_2, %get3A_3] : memref<8000x16xf32, #tpu.memory_space<vmem>>, vector<8000x16xf32>
    %get3A_5 = arith.constant 0 : index
    %get3A_6 = arith.constant 0 : index
    %get3A_7 = vector.load %arg4[%get3A_5, %get3A_6] : memref<16x128xf32, #tpu.memory_space<vmem>>, vector<16x128xf32>
    %dot_general3A = arith.constant dense<0.000000e+00> : vector<8000x128xf32>
    %dot_general3A_8 = tpu.matmul %get3A_4, %get3A_7, %dot_general3A {dimension_numbers = #tpu.dot_dimension_numbers<[1], [0], [0], [1], [0, 0, 1, 1], [], []>, transpose_lhs_hint = false} : vector<8000x16xf32>, vector<16x128xf32>, vector<8000x128xf32> -> vector<8000x128xf32>
    %add3A = arith.addf %get3A_1, %dot_general3A_8 : vector<8000x128xf32>
    %ge3A = arith.constant 0.000000e+00 : f32
    %ge3A_9 = vector.broadcast %ge3A : f32 to vector<8000x128xf32>
    %ge3A_10 = arith.cmpf oge, %add3A, %ge3A_9 : vector<8000x128xf32>
    %mul3A = arith.constant 0.00999999977 : f32
    %mul3A_11 = vector.broadcast %mul3A : f32 to vector<8000x128xf32>
    %mul3A_12 = arith.mulf %mul3A_11, %add3A : vector<8000x128xf32>
    %select_n3A = arith.select %ge3A_10, %add3A, %mul3A_12 : vector<8000x128xi1>, vector<8000x128xf32>
    %get3A_13 = arith.constant 0 : index
    %get3A_14 = arith.constant 0 : index
    %get3A_15 = vector.load %arg5[%get3A_13, %get3A_14] : memref<128x1xf32, #tpu.memory_space<vmem>>, vector<128x1xf32>
    %dot_general3A_16 = arith.constant dense<0.000000e+00> : vector<8000x1xf32>
    %dot_general3A_17 = tpu.matmul %select_n3A, %get3A_15, %dot_general3A_16 {dimension_numbers = #tpu.dot_dimension_numbers<[1], [0], [0], [1], [0, 0, 1, 1], [], []>, transpose_lhs_hint = false} : vector<8000x128xf32>, vector<128x1xf32>, vector<8000x1xf32> -> vector<8000x1xf32>
    %squeeze3A = vector.shape_cast %dot_general3A_17 : vector<8000x1xf32> to vector<8000xf32>
    %get3A_18 = arith.constant 0 : index
    %get3A_19 = arith.constant 0 : index
    %get3A_20 = arith.constant 0 : index
    %get3A_21 = vector.load %arg3[%get3A_18, %get3A_19, %get3A_20] : memref<1x1x8000xf32, #tpu.memory_space<vmem>>, vector<1x1x8000xf32>
    %get3A_22 = vector.shape_cast %get3A_21 : vector<1x1x8000xf32> to vector<8000xf32>
    %add3A_23 = arith.addf %squeeze3A, %get3A_22 : vector<8000xf32>
    %ge3A_24 = arith.constant 0.000000e+00 : f32
    %ge3A_25 = vector.broadcast %ge3A_24 : f32 to vector<8000xf32>
    %ge3A_26 = arith.cmpf oge, %add3A_23, %ge3A_25 : vector<8000xf32>
    %mul3A_27 = arith.constant 0.00999999977 : f32
    %mul3A_28 = vector.broadcast %mul3A_27 : f32 to vector<8000xf32>
    %mul3A_29 = arith.mulf %mul3A_28, %add3A_23 : vector<8000xf32>
    %select_n3A_30 = arith.select %ge3A_26, %add3A_23, %mul3A_29 : vector<8000xi1>, vector<8000xf32>
    %exp3A = math.exp %select_n3A_30 : vector<8000xf32>
    %broadcast_in_dim3A = vector.shape_cast %exp3A : vector<8000xf32> to vector<8000x1xf32>
    %mul3A_31 = vector.broadcast %broadcast_in_dim3A : vector<8000x1xf32> to vector<8000x128xf32>
    %mul3A_32 = arith.mulf %select_n3A, %mul3A_31 : vector<8000x128xf32>
    %swap3A = arith.constant 0 : index
    %swap3A_33 = arith.constant 0 : index
    %swap3A_34 = vector.load %arg6[%swap3A, %swap3A_33] : memref<8000x128xf32, #tpu.memory_space<vmem>>, vector<8000x128xf32>
    tpu.vector_store %arg6[%swap3A, %swap3A_33], %mul3A_32 {strides = array<i32>} : memref<8000x128xf32, #tpu.memory_space<vmem>>, vector<8000x128xf32>,
    %swap3A_35 = arith.constant 0 : index
    %swap3A_36 = arith.constant 0 : index
    %swap3A_37 = arith.constant 0 : index
    %swap3A_38 = vector.load %arg7[%swap3A_35, %swap3A_36, %swap3A_37] : memref<1x1x8000xf32, #tpu.memory_space<vmem>>, vector<1x1x8000xf32>
    %swap3A_39 = vector.shape_cast %swap3A_38 : vector<1x1x8000xf32> to vector<8000xf32>
    %swap3A_40 = vector.shape_cast %exp3A : vector<8000xf32> to vector<1x1x8000xf32>
    tpu.vector_store %arg7[%swap3A_35, %swap3A_36, %swap3A_37], %swap3A_40 {strides = array<i32>} : memref<1x1x8000xf32, #tpu.memory_space<vmem>>, vector<1x1x8000xf32>,
    return
  }
  func.func @transform_0(%arg0: i32) -> (i32, i32) {
    %c0_i32 = arith.constant 0 : i32
    %c0_i32_0 = arith.constant 0 : i32
    return %arg0, %c0_i32 : i32, i32
  }
  func.func @transform_1(%arg0: i32) -> (i32, i32) {
    %c0_i32 = arith.constant 0 : i32
    %c0_i32_0 = arith.constant 0 : i32
    return %arg0, %c0_i32 : i32, i32
  }
  func.func @transform_2(%arg0: i32) -> (i32, i32, i32) {
    %c0_i32 = arith.constant 0 : i32
    %c0_i32_0 = arith.constant 0 : i32
    %c0_i32_1 = arith.constant 0 : i32
    return %arg0, %c0_i32, %c0_i32_0 : i32, i32, i32
  }
  func.func @transform_3(%arg0: i32) -> (i32, i32) {
    %c0_i32 = arith.constant 0 : i32
    %c0_i32_0 = arith.constant 0 : i32
    %c0_i32_1 = arith.constant 0 : i32
    return %c0_i32, %c0_i32_0 : i32, i32
  }
  func.func @transform_4(%arg0: i32) -> (i32, i32) {
    %c0_i32 = arith.constant 0 : i32
    %c0_i32_0 = arith.constant 0 : i32
    %c0_i32_1 = arith.constant 0 : i32
    return %c0_i32, %c0_i32_0 : i32, i32
  }
  func.func @transform_5(%arg0: i32) -> (i32, i32) {
    %c0_i32 = arith.constant 0 : i32
    %c0_i32_0 = arith.constant 0 : i32
    return %arg0, %c0_i32 : i32, i32
  }
  func.func @transform_6(%arg0: i32) -> (i32, i32, i32) {
    %c0_i32 = arith.constant 0 : i32
    %c0_i32_0 = arith.constant 0 : i32
    %c0_i32_1 = arith.constant 0 : i32
    return %arg0, %c0_i32, %c0_i32_0 : i32, i32, i32
  }
}

module attributes {stable_mosaic.version = 14 : i64} {
  func.func @_tc2_body(%arg0: i32, %arg1: memref<2x2000x128xf32, #tpu.memory_space<vmem>>, %arg2: memref<2x2000x1xf32, #tpu.memory_space<vmem>>, %arg3: memref<2000x128xf32, #tpu.memory_space<vmem>>, %arg4: memref<128x128xf32, #tpu.memory_space<vmem>>, %arg5: memref<1x128xf32, #tpu.memory_space<vmem>>, %arg6: memref<128x384xf32, #tpu.memory_space<vmem>>, %arg7: memref<1x384xf32, #tpu.memory_space<vmem>>, %arg8: memref<128x384xf32, #tpu.memory_space<vmem>>, %arg9: memref<1x384xf32, #tpu.memory_space<vmem>>, %arg10: memref<2000x128xf32, #tpu.memory_space<vmem>>) attributes {dimension_semantics = [#tpu.dimension_semantics<arbitrary>], iteration_bounds = array<i64: 5>, scalar_prefetch = 0 : i64, scratch_operands = 0 : i64, tpu.core_type = #tpu.core_type<tc>, window_params = [{transform_indices = @transform_0, window_bounds = array<i64: 2, 2000, 128>}, {transform_indices = @transform_1, window_bounds = array<i64: 2, 2000, 1>}, {transform_indices = @transform_2, window_bounds = array<i64: 2000, 128>}, {pipeline_mode = #tpu.pipeline_mode<synchronous>, transform_indices = @transform_3, window_bounds = array<i64: 128, 128>}, {pipeline_mode = #tpu.pipeline_mode<synchronous>, transform_indices = @transform_4, window_bounds = array<i64: 1, 128>}, {pipeline_mode = #tpu.pipeline_mode<synchronous>, transform_indices = @transform_5, window_bounds = array<i64: 128, 384>}, {pipeline_mode = #tpu.pipeline_mode<synchronous>, transform_indices = @transform_6, window_bounds = array<i64: 1, 384>}, {pipeline_mode = #tpu.pipeline_mode<synchronous>, transform_indices = @transform_7, window_bounds = array<i64: 128, 384>}, {pipeline_mode = #tpu.pipeline_mode<synchronous>, transform_indices = @transform_8, window_bounds = array<i64: 1, 384>}, {transform_indices = @transform_9, window_bounds = array<i64: 2000, 128>}]} {
    %get3A = arith.constant 0 : index
    %get3A_0 = arith.constant 0 : index
    %get3A_1 = arith.constant 0 : index
    %get3A_2 = vector.load %arg1[%get3A, %get3A_0, %get3A_1] : memref<2x2000x128xf32, #tpu.memory_space<vmem>>, vector<1x2000x128xf32>
    %get3A_3 = vector.shape_cast %get3A_2 : vector<1x2000x128xf32> to vector<2000x128xf32>
    %get3A_4 = arith.constant 1 : index
    %get3A_5 = arith.constant 0 : index
    %get3A_6 = arith.constant 0 : index
    %get3A_7 = vector.load %arg1[%get3A_4, %get3A_5, %get3A_6] : memref<2x2000x128xf32, #tpu.memory_space<vmem>>, vector<1x2000x128xf32>
    %get3A_8 = vector.shape_cast %get3A_7 : vector<1x2000x128xf32> to vector<2000x128xf32>
    %add3A = arith.addf %get3A_3, %get3A_8 : vector<2000x128xf32>
    %get3A_9 = arith.constant 0 : index
    %get3A_10 = arith.constant 0 : index
    %get3A_11 = arith.constant 0 : index
    %get3A_12 = vector.load %arg2[%get3A_9, %get3A_10, %get3A_11] : memref<2x2000x1xf32, #tpu.memory_space<vmem>>, vector<1x2000x1xf32>
    %get3A_13 = vector.shape_cast %get3A_12 : vector<1x2000x1xf32> to vector<2000xf32>
    %get3A_14 = arith.constant 1 : index
    %get3A_15 = arith.constant 0 : index
    %get3A_16 = arith.constant 0 : index
    %get3A_17 = vector.load %arg2[%get3A_14, %get3A_15, %get3A_16] : memref<2x2000x1xf32, #tpu.memory_space<vmem>>, vector<1x2000x1xf32>
    %get3A_18 = vector.shape_cast %get3A_17 : vector<1x2000x1xf32> to vector<2000xf32>
    %add3A_19 = arith.addf %get3A_13, %get3A_18 : vector<2000xf32>
    %add3A_20 = arith.constant 1.000000e-16 : f32
    %add3A_21 = vector.broadcast %add3A_20 : f32 to vector<2000xf32>
    %add3A_22 = arith.addf %add3A_19, %add3A_21 : vector<2000xf32>
    %div3A = arith.constant 1.000000e+00 : f32
    %div3A_23 = vector.broadcast %div3A : f32 to vector<2000xf32>
    %div3A_24 = arith.divf %div3A_23, %add3A_22 : vector<2000xf32>
    %broadcast_in_dim3A = vector.shape_cast %div3A_24 : vector<2000xf32> to vector<2000x1xf32>
    %mul3A = vector.broadcast %broadcast_in_dim3A : vector<2000x1xf32> to vector<2000x128xf32>
    %mul3A_25 = arith.mulf %add3A, %mul3A : vector<2000x128xf32>
    %get3A_26 = arith.constant 0 : index
    %get3A_27 = arith.constant 0 : index
    %get3A_28 = vector.load %arg4[%get3A_26, %get3A_27] : memref<128x128xf32, #tpu.memory_space<vmem>>, vector<128x128xf32>
    %dot_general3A = arith.constant dense<0.000000e+00> : vector<2000x128xf32>
    %dot_general3A_29 = tpu.matmul %mul3A_25, %get3A_28, %dot_general3A {dimension_numbers = #tpu.dot_dimension_numbers<[1], [0], [0], [1], [0, 0, 1, 1], [], []>, transpose_lhs_hint = false} : vector<2000x128xf32>, vector<128x128xf32>, vector<2000x128xf32> -> vector<2000x128xf32>
    %mul3A_30 = arith.mulf %add3A_19, %div3A_24 : vector<2000xf32>
    %broadcast_in_dim3A_31 = vector.shape_cast %mul3A_30 : vector<2000xf32> to vector<2000x1xf32>
    %get3A_32 = arith.constant 0 : index
    %get3A_33 = arith.constant 0 : index
    %get3A_34 = vector.load %arg5[%get3A_32, %get3A_33] : memref<1x128xf32, #tpu.memory_space<vmem>>, vector<1x128xf32>
    %mul3A_35 = vector.broadcast %broadcast_in_dim3A_31 : vector<2000x1xf32> to vector<2000x128xf32>
    %mul3A_36 = vector.broadcast %get3A_34 : vector<1x128xf32> to vector<2000x128xf32>
    %mul3A_37 = arith.mulf %mul3A_35, %mul3A_36 : vector<2000x128xf32>
    %add3A_38 = arith.addf %dot_general3A_29, %mul3A_37 : vector<2000x128xf32>
    %gt3A = arith.constant 0.000000e+00 : f32
    %gt3A_39 = vector.broadcast %gt3A : f32 to vector<2000x128xf32>
    %gt3A_40 = arith.cmpf ogt, %add3A_38, %gt3A_39 : vector<2000x128xf32>
    %exp3A = math.exp %add3A_38 : vector<2000x128xf32>
    %sub3A = arith.constant 1.000000e+00 : f32
    %sub3A_41 = vector.broadcast %sub3A : f32 to vector<2000x128xf32>
    %sub3A_42 = arith.subf %exp3A, %sub3A_41 : vector<2000x128xf32>
    %select_n3A = arith.select %gt3A_40, %add3A_38, %sub3A_42 : vector<2000x128xi1>, vector<2000x128xf32>
    %get3A_43 = arith.constant 0 : index
    %get3A_44 = arith.constant 0 : index
    %get3A_45 = vector.load %arg3[%get3A_43, %get3A_44] : memref<2000x128xf32, #tpu.memory_space<vmem>>, vector<2000x128xf32>
    %get3A_46 = arith.constant 0 : index
    %get3A_47 = arith.constant 0 : index
    %get3A_48 = vector.load %arg6[%get3A_46, %get3A_47] : memref<128x384xf32, #tpu.memory_space<vmem>>, vector<128x384xf32>
    %dot_general3A_49 = arith.constant dense<0.000000e+00> : vector<2000x384xf32>
    %dot_general3A_50 = tpu.matmul %select_n3A, %get3A_48, %dot_general3A_49 {dimension_numbers = #tpu.dot_dimension_numbers<[1], [0], [0], [1], [0, 0, 1, 1], [], []>, transpose_lhs_hint = false} : vector<2000x128xf32>, vector<128x384xf32>, vector<2000x384xf32> -> vector<2000x384xf32>
    %get3A_51 = arith.constant 0 : index
    %get3A_52 = arith.constant 0 : index
    %get3A_53 = vector.load %arg7[%get3A_51, %get3A_52] : memref<1x384xf32, #tpu.memory_space<vmem>>, vector<1x384xf32>
    %add3A_54 = vector.broadcast %get3A_53 : vector<1x384xf32> to vector<2000x384xf32>
    %add3A_55 = arith.addf %dot_general3A_50, %add3A_54 : vector<2000x384xf32>
    %get3A_56 = arith.constant 0 : index
    %get3A_57 = arith.constant 0 : index
    %get3A_58 = vector.load %arg8[%get3A_56, %get3A_57] : memref<128x384xf32, #tpu.memory_space<vmem>>, vector<128x384xf32>
    %dot_general3A_59 = arith.constant dense<0.000000e+00> : vector<2000x384xf32>
    %dot_general3A_60 = tpu.matmul %get3A_45, %get3A_58, %dot_general3A_59 {dimension_numbers = #tpu.dot_dimension_numbers<[1], [0], [0], [1], [0, 0, 1, 1], [], []>, transpose_lhs_hint = false} : vector<2000x128xf32>, vector<128x384xf32>, vector<2000x384xf32> -> vector<2000x384xf32>
    %get3A_61 = arith.constant 0 : index
    %get3A_62 = arith.constant 0 : index
    %get3A_63 = vector.load %arg9[%get3A_61, %get3A_62] : memref<1x384xf32, #tpu.memory_space<vmem>>, vector<1x384xf32>
    %add3A_64 = vector.broadcast %get3A_63 : vector<1x384xf32> to vector<2000x384xf32>
    %add3A_65 = arith.addf %dot_general3A_60, %add3A_64 : vector<2000x384xf32>
    %slice3A = vector.extract_strided_slice %add3A_55 {offsets = [0, 0], sizes = [2000, 128], strides = [1, 1]} : vector<2000x384xf32> to vector<2000x128xf32>
    %slice3A_66 = vector.extract_strided_slice %add3A_65 {offsets = [0, 0], sizes = [2000, 128], strides = [1, 1]} : vector<2000x384xf32> to vector<2000x128xf32>
    %add3A_67 = arith.addf %slice3A, %slice3A_66 : vector<2000x128xf32>
    %logistic3A = arith.negf %add3A_67 : vector<2000x128xf32>
    %logistic3A_68 = math.exp %logistic3A : vector<2000x128xf32>
    %logistic3A_69 = arith.constant 1.000000e+00 : f32
    %logistic3A_70 = vector.broadcast %logistic3A_69 : f32 to vector<2000x128xf32>
    %logistic3A_71 = arith.addf %logistic3A_70, %logistic3A_68 : vector<2000x128xf32>
    %logistic3A_72 = arith.divf %logistic3A_70, %logistic3A_71 : vector<2000x128xf32>
    %slice3A_73 = vector.extract_strided_slice %add3A_55 {offsets = [0, 128], sizes = [2000, 128], strides = [1, 1]} : vector<2000x384xf32> to vector<2000x128xf32>
    %slice3A_74 = vector.extract_strided_slice %add3A_65 {offsets = [0, 128], sizes = [2000, 128], strides = [1, 1]} : vector<2000x384xf32> to vector<2000x128xf32>
    %add3A_75 = arith.addf %slice3A_73, %slice3A_74 : vector<2000x128xf32>
    %logistic3A_76 = arith.negf %add3A_75 : vector<2000x128xf32>
    %logistic3A_77 = math.exp %logistic3A_76 : vector<2000x128xf32>
    %logistic3A_78 = arith.constant 1.000000e+00 : f32
    %logistic3A_79 = vector.broadcast %logistic3A_78 : f32 to vector<2000x128xf32>
    %logistic3A_80 = arith.addf %logistic3A_79, %logistic3A_77 : vector<2000x128xf32>
    %logistic3A_81 = arith.divf %logistic3A_79, %logistic3A_80 : vector<2000x128xf32>
    %slice3A_82 = vector.extract_strided_slice %add3A_55 {offsets = [0, 256], sizes = [2000, 128], strides = [1, 1]} : vector<2000x384xf32> to vector<2000x128xf32>
    %slice3A_83 = vector.extract_strided_slice %add3A_65 {offsets = [0, 256], sizes = [2000, 128], strides = [1, 1]} : vector<2000x384xf32> to vector<2000x128xf32>
    %mul3A_84 = arith.mulf %logistic3A_72, %slice3A_83 : vector<2000x128xf32>
    %add3A_85 = arith.addf %slice3A_82, %mul3A_84 : vector<2000x128xf32>
    %tanh3A = math.tanh %add3A_85 : vector<2000x128xf32>
    %sub3A_86 = arith.constant 1.000000e+00 : f32
    %sub3A_87 = vector.broadcast %sub3A_86 : f32 to vector<2000x128xf32>
    %sub3A_88 = arith.subf %sub3A_87, %logistic3A_81 : vector<2000x128xf32>
    %mul3A_89 = arith.mulf %sub3A_88, %tanh3A : vector<2000x128xf32>
    %mul3A_90 = arith.mulf %logistic3A_81, %get3A_45 : vector<2000x128xf32>
    %add3A_91 = arith.addf %mul3A_89, %mul3A_90 : vector<2000x128xf32>
    %max3A = arith.constant 0.000000e+00 : f32
    %max3A_92 = vector.broadcast %max3A : f32 to vector<2000x128xf32>
    %max3A_93 = arith.maximumf %add3A_91, %max3A_92 : vector<2000x128xf32>
    %swap3A = arith.constant 0 : index
    %swap3A_94 = arith.constant 0 : index
    %swap3A_95 = vector.load %arg10[%swap3A, %swap3A_94] : memref<2000x128xf32, #tpu.memory_space<vmem>>, vector<2000x128xf32>
    tpu.vector_store %arg10[%swap3A, %swap3A_94], %max3A_93 {strides = array<i32>} : memref<2000x128xf32, #tpu.memory_space<vmem>>, vector<2000x128xf32>,
    return
  }
  func.func @transform_0(%arg0: i32) -> (i32, i32, i32) {
    %c0_i32 = arith.constant 0 : i32
    %c0_i32_0 = arith.constant 0 : i32
    %c0_i32_1 = arith.constant 0 : i32
    return %c0_i32, %arg0, %c0_i32_0 : i32, i32, i32
  }
  func.func @transform_1(%arg0: i32) -> (i32, i32, i32) {
    %c0_i32 = arith.constant 0 : i32
    %c0_i32_0 = arith.constant 0 : i32
    %c0_i32_1 = arith.constant 0 : i32
    return %c0_i32, %arg0, %c0_i32_0 : i32, i32, i32
  }
  func.func @transform_2(%arg0: i32) -> (i32, i32) {
    %c0_i32 = arith.constant 0 : i32
    %c0_i32_0 = arith.constant 0 : i32
    return %arg0, %c0_i32 : i32, i32
  }
  func.func @transform_3(%arg0: i32) -> (i32, i32) {
    %c0_i32 = arith.constant 0 : i32
    %c0_i32_0 = arith.constant 0 : i32
    %c0_i32_1 = arith.constant 0 : i32
    return %c0_i32, %c0_i32_0 : i32, i32
  }
  func.func @transform_4(%arg0: i32) -> (i32, i32) {
    %c0_i32 = arith.constant 0 : i32
    %c0_i32_0 = arith.constant 0 : i32
    %c0_i32_1 = arith.constant 0 : i32
    return %c0_i32, %c0_i32_0 : i32, i32
  }
  func.func @transform_5(%arg0: i32) -> (i32, i32) {
    %c0_i32 = arith.constant 0 : i32
    %c0_i32_0 = arith.constant 0 : i32
    %c0_i32_1 = arith.constant 0 : i32
    return %c0_i32, %c0_i32_0 : i32, i32
  }
  func.func @transform_6(%arg0: i32) -> (i32, i32) {
    %c0_i32 = arith.constant 0 : i32
    %c0_i32_0 = arith.constant 0 : i32
    %c0_i32_1 = arith.constant 0 : i32
    return %c0_i32, %c0_i32_0 : i32, i32
  }
  func.func @transform_7(%arg0: i32) -> (i32, i32) {
    %c0_i32 = arith.constant 0 : i32
    %c0_i32_0 = arith.constant 0 : i32
    %c0_i32_1 = arith.constant 0 : i32
    return %c0_i32, %c0_i32_0 : i32, i32
  }
  func.func @transform_8(%arg0: i32) -> (i32, i32) {
    %c0_i32 = arith.constant 0 : i32
    %c0_i32_0 = arith.constant 0 : i32
    %c0_i32_1 = arith.constant 0 : i32
    return %c0_i32, %c0_i32_0 : i32, i32
  }
  func.func @transform_9(%arg0: i32) -> (i32, i32) {
    %c0_i32 = arith.constant 0 : i32
    %c0_i32_0 = arith.constant 0 : i32
    return %arg0, %c0_i32 : i32, i32
  }
}

</mosaic_0001>

<sc_bundles>
// kernel: kernel.10.cloned.1.call-start
scs
__scs_entry_jumppad:
0x0: {  	(pc) =	sbr.rel $0x88, $3  }
0x1: {  	(tag) =	ssettag $0x0;
	lr =	simm.s32 $0x1  }
0x2: {  	[smem:$0x3F92] =	sst lr;
	_ =	strace $0xD0000000  }
0x3: {  	_ = 	snop  }
0x4: {  	_ = 	snop  }
0x5: {  	_ = 	snop  }
0x6: {  	_ = 	snop  }
0x7: {  	_ = 	snop  }
__scs_overlays_trampoline_lowered:
0x8: {  	[smem:$0x3FA1] =	sst s0  }
0x9: {  	[smem:$0x3FA2] =	sst s1  }
0xa: {  	[smem:$0x3FA3] =	sst s2  }
0xb: {  	[smem:$0x3FA4] =	sst s3  }
0xc: {  	[smem:$0x3FA5] =	sst s4  }
0xd: {  	[smem:$0x3FA6] =	sst s5  }
0xe: {  	[smem:$0x3FA7] =	sst s6  }
0xf: {  	[smem:$0x3FA8] =	sst s7  }
0x10: {  	[smem:$0x3FA9] =	sst s8  }
0x11: {  	[smem:$0x3FAA] =	sst s9;
	s0 =	simm.s32 @!p0 $0x0  }
0x12: {  	s1 =	sld [smem:$0x3F90];
	s0 =	simm.s32 @p0 $0x1  }
0x13: {  	[smem:$0x3FAB] =	sst s0;
	s0 =	simm.s32 @!p1 $0x0  }
0x14: {  	s2 =	sld [smem:$0x3F8F];
	s0 =	simm.s32 @p1 $0x1  }
0x15: {  	[smem:$0x3FAC] =	sst s0;
	s0 =	simm.s32 @!p2 $0x0  }
0x16: {  	s3 =	sld [smem:$0x3FDB];
	s0 =	simm.s32 @p2 $0x1  }
0x17: {  	s4 =	simm.s32 $0x1BF5;
	[smem:$0x3FAE] =	sst s0  }
0x18: {  	s0 =	sld [smem:$0x3F91];
	_ =	swait.ge [sflag:s4], $0x0  }
0x19: {  	s7 =	sld [smem:$0x3F92]  }
0x1a: {  	s8 =	sadd.s32 $0xFFFFE003, lr  }
0x1b: {  	s9 =	sadd.s32 $0xFFFFFEF7, lr;
	s5 =	simm.s32 $0xFFFFFFFF;
	p2 =	slt.u32 s8, $0xFFFFF086  }
0x1c: {  	p1 =	slt.u32 s9, $0xF7A;
	s5 =	simm.s32 @!p2 $0x0  }
0x1d: {  	s5 =	simm.s32 @p1 $0x1;
	p0 =	seq.s32 s7, s2  }
0x1e: {  	s7 =	smul.u32 @!p0 $0xF7A, s2;
	p2 =	seq.s32 @!p0 s5, $0x0  }
0x1f: {  	s9 =	smul.u32 $0xF7A, s1;
	s8 =	simm.s32 @!p0 $0x1BF5;
	p2 =	por !p2, p0  }
0x20: {  	[sflag:s8] =	ssyncset.s32 @!p0 $0xFFFFF086;
	s6 =	sadd.s32 @!p0 s3, s7;
	s7 =	simm.s32 @!p0 $0x108  }
0x21: {  	s3 =	sadd.s32 s3, s9;
	s6 =	sadd.s32 @!p0 $0x88, s6;
	s7 =	simm.s32 @p2 $0x1082  }
0x22: {  	[simem:s7], [sflag:s8] =	dma.local @!p0 [hbm:s6], $0xF7A  }
0x23: {  	s9 =	sor.u32 $0xD0000000, s2;
	s6 =	simm.s32 $0x108;
	_ =	swait.ge @!p0 [sflag:s8], $0x0  }
0x24: {  	s3 =	sadd.s32 $0x88, s3;
	s6 =	simm.s32 @!p1 $0x1082;
	[sflag:s4] =	ssyncset.s32 $0xFFFFF086  }
0x25: {  	[simem:s6], [sflag:s4] =	dma.local [hbm:s3], $0xF7A  }
0x26: {  	[smem:$0x3F92] =	sst s1;
	(tag) =	ssettag s2;
	_ =	strace s9  }
0x27: {  	s1 =	sld [smem:$0x3FA2]  }
0x28: {  	s2 =	sld [smem:$0x3FA3]  }
0x29: {  	s4 =	sld [smem:$0x3FA5]  }
0x2a: {  	p0 =	seq.s32 s5, $0x0;
	s5 =	sld [smem:$0x3FA6]  }
0x2b: {  	s6 =	sld [smem:$0x3FA7]  }
0x2c: {  	s7 =	sld [smem:$0x3FA8]  }
0x2d: {  	s3 =	simm.s32 $0x108;
	s8 =	sld [smem:$0x3FA9]  }
0x2e: {  	s3 =	simm.s32 @!p0 $0x1082;
	s9 =	sld [smem:$0x3FAA]  }
0x2f: {  	lr =	sadd.s32 s0, s3;
	s0 =	sld [smem:$0x3FA1]  }
0x30: {  	s3 =	sld [smem:$0x3FA4]  }
0x31: {  	[smem:$0x3FAD] =	sst s10  }
0x32: {  	s10 =	sld [smem:$0x3FAB];
	_ =	sdelay $0x3  }
0x33: {  	p0 =	seq.s32 s10, $0x1;
	s10 =	sld [smem:$0x3FAD];
	_ =	sdelay $0x3  }
0x34: {  	[smem:$0x3FAD] =	sst s10  }
0x35: {  	s10 =	sld [smem:$0x3FAC];
	_ =	sdelay $0x3  }
0x36: {  	p1 =	seq.s32 s10, $0x1;
	s10 =	sld [smem:$0x3FAD];
	_ =	sdelay $0x3  }
0x37: {  	[smem:$0x3FAD] =	sst s10  }
0x38: {  	s10 =	sld [smem:$0x3FAE]  }
0x39: {  	_ = 	snop;
	(pc) =	sbr.ind lr, $3  }
0x3a: {  	_ = 	snop  }
0x3b: {  	_ = 	snop  }
0x3c: {  	p2 =	seq.s32 s10, $0x1;
	s10 =	sld [smem:$0x3FAD]  }
0x3d: {  	_ =	shalt  }
0x3e: {  	_ =	shalt  }
0x3f: {  	_ =	shalt  }
0x40: {  	_ =	shalt  }
0x41: {  	_ =	shalt  }
0x42: {  	_ =	shalt  }
0x43: {  	_ =	shalt  }
0x44: {  	_ =	shalt  }
0x45: {  	_ =	shalt  }
0x46: {  	_ =	shalt  }
0x47: {  	_ =	shalt  }
0x48: {  	_ =	shalt  }
0x49: {  	_ =	shalt  }
0x4a: {  	_ =	shalt  }
0x4b: {  	_ =	shalt  }
0x4c: {  	_ =	shalt  }
0x4d: {  	_ =	shalt  }
0x4e: {  	_ =	shalt  }
0x4f: {  	_ =	shalt  }
0x50: {  	_ =	shalt  }
0x51: {  	_ =	shalt  }
0x52: {  	_ =	shalt  }
0x53: {  	_ =	shalt  }
0x54: {  	_ =	shalt  }
0x55: {  	_ =	shalt  }
0x56: {  	_ =	shalt  }
0x57: {  	_ =	shalt  }
0x58: {  	_ =	shalt  }
0x59: {  	_ =	shalt  }
0x5a: {  	_ =	shalt  }
0x5b: {  	_ =	shalt  }
0x5c: {  	_ =	shalt  }
0x5d: {  	_ =	shalt  }
0x5e: {  	_ =	shalt  }
0x5f: {  	_ =	shalt  }
0x60: {  	_ =	shalt  }
0x61: {  	_ =	shalt  }
0x62: {  	_ =	shalt  }
0x63: {  	_ =	shalt  }
0x64: {  	_ =	shalt  }
0x65: {  	_ =	shalt  }
0x66: {  	_ =	shalt  }
0x67: {  	_ =	shalt  }
0x68: {  	_ =	shalt  }
0x69: {  	_ =	shalt  }
0x6a: {  	_ =	shalt  }
0x6b: {  	_ =	shalt  }
0x6c: {  	_ =	shalt  }
0x6d: {  	_ =	shalt  }
0x6e: {  	_ =	shalt  }
0x6f: {  	_ =	shalt  }
0x70: {  	_ =	shalt  }
0x71: {  	_ =	shalt  }
0x72: {  	_ =	shalt  }
0x73: {  	_ =	shalt  }
0x74: {  	_ =	shalt  }
0x75: {  	_ =	shalt  }
0x76: {  	_ =	shalt  }
0x77: {  	_ =	shalt  }
0x78: {  	_ =	shalt  }
0x79: {  	_ =	shalt  }
0x7a: {  	_ =	shalt  }
0x7b: {  	_ =	shalt  }
0x7c: {  	_ =	shalt  }
0x7d: {  	_ =	shalt  }
0x7e: {  	_ =	shalt  }
0x7f: {  	_ =	shalt  }
0x80: {  	_ =	shalt  }
0x81: {  	_ =	shalt  }
0x82: {  	_ =	shalt  }
0x83: {  	_ =	shalt  }
0x84: {  	_ =	shalt  }
0x85: {  	_ =	shalt  }
0x86: {  	_ =	shalt  }
0x87: {  	_ =	shalt  }
.Lfunc_end0:
.L_simem_size_0:
called_computation.1_lowered:
.L_overlay_start_0:
0x88: {  	s2 =	sld [smem:$0x3FD9]  }
0x89: {  	s3 =	sld [smem:$0x3FFE];
	_ =	sdelay $0x1  }
0x8a: {  	s1 =	srdreg.scid  }
0x8b: {  	s0 =	sand.u32 $0x1, s1  }
0x8c: {  	s17 =	sshll.u32 s0, $0xA;
	s2 =	sadd.s32 s3, s2  }
0x8d: {  	s2 =	sadd.s32 s2, s17  }
0x8e: {  	[smem:$0x3FB9] =	sst s2  }
0x8f: {  	_ = 	snop  }
0x90: {  	s2 =	sld [smem:$0x3FD0];
	(tm) =	ssettm $0x1  }
0x91: {  	s18 =	sld [smem:$0x3FFB];
	_ =	sdelay $0x3  }
0x92: {  	_ =	strace s18  }
0x93: {  	s3 =	sld [smem:$0x3FFC];
	_ =	sdelay $0x3  }
0x94: {  	_ =	strace s3  }
0x95: {  	s3 =	sld [smem:$0x3FFD];
	_ =	sdelay $0x3  }
0x96: {  	_ =	strace s3  }
0x97: {  	_ =	strace $0x8FFFFFFF  }
0x98: {  	s19 =	sld [smem:$0x3FDB];
	_ =	sdelay $0x1  }
0x99: {  	s4 =	simm.s32 $_scs_section_size  }
0x9a: {  	s5 =	simm.s32 $_size__tile_overlayer_lowered;
	s6 =	simm.s32 $_tile_overlayer_lowered  }
0x9b: {  	s22 =	simm.s32 $0x1BFF;
	s21 =	sshll.u32 s6, $0x1;
	s3 =	sadd.s32 s4, s19  }
0x9c: {  	s7 =	simm.s32 $0x0;
	s20 =	sshll.u32 s5, $0x1;
	s5 =	sadd.s32 s21, s3  }
0x9d: {  	[timem:s7], [sflag:s22] =	dma.local [hbm:s5], s20  }
0x9e: {  	_ =	swait.ge [sflag:s22], s20  }
0x9f: {  	s4 =	ssub.s32 $0x0, s20;
	[sflag:s22] =	ssyncset.done $0x0  }
0xa0: {  	[sflag:s22] =	ssyncadd.s32 s4;
	_ =	sdelay $0x1  }
0xa1: {  	s23 =	simm.s32 $0x1B8B  }
0xa2: {  	_ =	swait.ge [sflag:s23], $0x1  }
0xa3: {  	[sflag:s23] =	ssyncset.done $0x0  }
0xa4: {  	s25 =	simm.s32 $0x1B8E;
	s24 =	sld [smem:$0x3FFE];
	[sflag:s23] =	ssyncadd.s32 $0xFFFFFFFF  }
0xa5: {  	s26 =	simm.s32 $execute0_lowered;
	[smem:$0x3FD2] =	sst s25  }
0xa6: {  	s5 =	sshll.u32 s26, $0x1;
	_ =	strace $0x80000049;
	[dreg:$0x1] =	wrdreg $0xFFFFFFFF  }
0xa7: {  	s28 =	simm.s32 $_size_execute0_lowered;
	s3 =	sadd.s32 s3, s5;
	[dreg:$0x0] =	wrdreg $0x0  }
0xa8: {  	s5 =	sshll.u32 s28, $0x1;
	[dreg:$0x2] =	wrdreg s3  }
0xa9: {  	[dreg:$0x3] =	wrdreg s5  }
0xaa: {  	[dreg:$0x4] =	wrdreg $0xC0  }
0xab: {  	_ =	task [dreg:s7], $0x5FFFF  }
0xac: {  	[dreg:$0x1] =	wrdreg $0xFFFFFFFF  }
0xad: {  	[dreg:$0x0] =	wrdreg $0x60  }
0xae: {  	[dreg:$0x2] =	wrdreg s24  }
0xaf: {  	[dreg:$0x3] =	wrdreg s2  }
0xb0: {  	[dreg:$0x4] =	wrdreg $0xB9800  }
0xb1: {  	[dreg:$0x5] =	wrdreg $0x1F2000  }
0xb2: {  	[dreg:$0x6] =	wrdreg $0x9  }
0xb3: {  	_ =	task.clear_ibuf [dreg:s7], $0x7FFFF;
	_ =	strace $0x90000049  }
0xb4: {  	s29 =	simm.s32 $0x9;
	_ =	strace $0x8000004B  }
0xb5: {  	_ =	swait.ge [sflag:s29], $0x1  }
0xb6: {  	[sflag:s29] =	ssyncadd.s32 $0xFFFFFFFF  }
0xb7: {  	_ =	strace $0x9000004B  }
0xb8: {  	_ =	sfence  }
0xb9: {  	s30 =	sld [smem:$0x0];
	_ =	sdelay $0x2  }
0xba: {  	s31 =	sshll.u32 s1, $0xD;
	s1 =	sshrl.u32 s1, $0x2  }
0xbb: {  	s3 =	sand.u32 $0x4000, s31;
	s1 =	sadd.s32 s1, s30  }
0xbc: {  	s0 =	sor.u32 s3, s0;
	s1 =	sshll.u32 s1, $0x11  }
0xbd: {  	s0 =	sor.u32 s1, s0  }
0xbe: {  	s0 =	sadd.s32 $0x8F2B, s0  }
0xbf: {  	[sflag:s0] =	ssyncadd.remote.s32 $0x1  }
0xc0: {  	_ =	sfence.sel $0xFFFF  }
0xc1: {  	[dreg:$0x0] =	wrdreg $0xFFFFFFFF;
	(pc) =	sbr.abs _section_cstart, $3  }
0xc2: {  	[dreg:$0x1] =	wrdreg $0xFFFFFFFF  }
0xc3: {  	_ =	task.clear_ibuf [dreg:s7], $0x2FFFF;
	_ =	strace $0x9FFFFFFF  }
0xc4: {  	(tm) =	ssettm $0x7FFFFFFF  }
0xc5: {  	_ =	shalt  }
tec
execute0_lowered:
.L_overlay_start_1:
0x0: {  	(tag) =	ssettag $0x1  }
0x1: {  	s0 =	rddreg [dreg:$0x0]  }
0x2: {  	s3 =	rddreg [dreg:$0x1]  }
0x3: {  	s1 =	rddreg [dreg:$0x2]  }
0x4: {  	s2 =	rddreg [dreg:$0x3];
	s4 =	simm.s32 $0x0;
	s5 =	srdreg.scid  }
0x5: {  	s18 =	stileid.u32;
	[smem:$0x7FF] =	sst s4;
	s5 =	sand.u32 $0x1, s5  }
0x6: {  	s6 =	sshll.u32 s18, $0x1;
	s7 =	sadd.s32 $0xA1E800, s0;
	s11 =	smul.u32 $0x4E000, s18  }
0x7: {  	s9 =	sadd.s32 $0x13000, s0;
	s12 =	sadd.s32 $0x22A00, s0;
	s17 =	smul.u32 $0x2700, s18  }
0x8: {  	s13 =	sadd.s32 $0x4A200, s0;
	s23 =	smul.u32 $0xFA, s18;
	s25 =	sshll.u32 s18, $0x6  }
0x9: {  	p2 =	seq.s32 s18, $0x0;
	p6 =	sne.s32 s18, $0xF;
	s31 =	sadd.s32 $0x138000, s1  }
0xa: {  	_ =	strace $0x8000004A;
	s8 =	smul.u32 $0x27100, s5;
	[dreg:$0x5] =	wrdreg s12  }
0xb: {  	s6 =	sor.u32 s5, s6;
	[dreg:$0x7] =	wrdreg s13;
	s26 =	smul.u32 $0x7D, s5  }
0xc: {  	s22 =	ssub.s32 $0x2, s5;
	p0 =	seq.s32 s5, $0x1;
	s21 =	smul.u32 $0x27100, s6  }
0xd: {  	s5 =	sor.u32 s5, s18;
	s10 =	sshll.u32 s6, $0xB;
	s14 =	smul.u32 $0x7D0, s6  }
0xe: {  	s15 =	sshrl.u32 s22, $0x1;
	s11 =	sshrl.u32 s11, $0x2;
	s16 =	smul.u32 $0x138800, s6  }
0xf: {  	[dreg:$0x6] =	wrdreg s17;
	s24 =	sadd.s32 s3, s17;
	s28 =	smul.u32 $0x3E80, s6  }
0x10: {  	s3 =	sadd.s32 $0x27000, s3;
	s17 =	smul.u32 $0x4E200, s18;
	p1 =	sne.s32 s5, $0x0  }
0x11: {  	s5 =	simm.s32 $0x4000;
	s10 =	sadd.s32 s10, s0;
	[dreg:$0xa] =	wrdreg s24  }
0x12: {  	s12 =	sadd.s32 s8, s0;
	s0 =	sadd.s32 $0x4A800, s0;
	[dreg:$0xb] =	wrdreg s3  }
0x13: {  	s11 =	sadd.s32 s11, s1;
	[dreg:$0x8] =	wrdreg s0;
	s0 =	ssub.s32 s22, s15  }
0x14: {  	[dreg:$0x9] =	wrdreg s11;
	s11 =	sor.u32 $0x1C04, s25;
	s10 =	sadd.s32 $0x3000, s10  }
0x15: {  	s15 =	sadd.s32 s26, s23;
	s13 =	sadd.s32 s7, s21;
	[dreg:$0xc] =	wrdreg s10  }
0x16: {  	s19 =	sadd.s32 s9, s14;
	s20 =	sshrl.u32 s16, $0x3;
	[dreg:$0xd] =	wrdreg s13  }
0x17: {  	s3 =	sshrl.u32 s28, $0x3;
	s14 =	simm.s32 $0x3;
	[dreg:$0xe] =	wrdreg s19  }
0x18: {  	s13 =	sadd.s32 s7, s20;
	s7 =	sadd.s32 s17, s7;
	s3 =	sadd.s32 s9, s3  }
0x19: {  	s6 =	sshll.u32 s15, $0x4;
	s0 =	smax.u32 s0, $0x1;
	s10 =	simm.s32 $0x1  }
0x1a: {  	s20 =	simm.s32 $0x0;
	s21 =	sadd.s32 $0x500, s13;
	[dreg:$0x17] =	wrdreg s0  }
0x1b: {  	s6 =	sadd.s32 s6, s9;
	s22 =	sadd.s32 $0x10, s3;
	[dreg:$0xf] =	wrdreg s21  }
0x1c: {  	s7 =	sadd.s32 s8, s7;
	s23 =	sadd.s32 $0xA00, s13;
	[dreg:$0x10] =	wrdreg s22  }
0x1d: {  	s8 =	simm.s32 @!p0 $0x0;
	s24 =	sadd.s32 $0x26700, s13;
	[dreg:$0x11] =	wrdreg s23  }
0x1e: {  	s25 =	sadd.s32 $0x26C00, s13;
	s26 =	sadd.s32 $0x20, s3;
	[dreg:$0x12] =	wrdreg s24  }
0x1f: {  	s28 =	sadd.s32 $0x7B0, s3;
	s3 =	sadd.s32 $0x7C0, s3;
	[dreg:$0x13] =	wrdreg s25  }
0x20: {  	s0 =	simm.s32 $0x4;
	s9 =	simm.s32 $0x9180;
	[dreg:$0x14] =	wrdreg s26  }
0x21: {  	s13 =	simm.s32 $0x2;
	s8 =	simm.s32 @p0 $0x1;
	[dreg:$0x15] =	wrdreg s28  }
0x22: {  	[dreg:$0x16] =	wrdreg s3;
	s24 =	sadd.s32 $0x4AE00, s12;
	s26 =	sadd.s32 $0x1900, s7  }
0x23: {  	s17 =	sadd.s32 $0x50, s6;
	s29 =	sadd.s32 $0x40, s6;
	s30 =	sadd.s32 $0x30, s6  }
0x24: {  	p0 =	sne.s32 @!p2 s18, $0xF;
	s3 =	simm.s32 $0x4180;
	s7 =	simm.s32 $0x6980  }
0x25: {  	s6 =	simm.s32 $0x4100;
	s12 =	simm.s32 $0x50;
	[smem:$0x7FD] =	sst s8  }
0x26: {  	p4 =	por p0, p2;
	p5 =	por !p0, p2;
	s8 =	simm.s32 $0x4080  }
.LBB2_1:
0x27: {  	s15 =	rddreg [dreg:$0x9]  }
0x28: {  	s23 =	rddreg [dreg:$0xa];
	s21 =	sshrl.u32 s15, $0x3  }
0x29: {  	[spmem:s21], [sflag:s11] =	dma.local [hbm:s23], $0x2700  }
0x2a: {  	_ =	swait.ge [sflag:s0], $0x2700  }
0x2b: {  	[sflag:s0] =	ssyncset.done $0x0  }
0x2c: {  	s15 =	sshrl.u32 @p2 s2, $0x3;
	s16 =	rddreg [dreg:$0x5];
	[sflag:s0] =	ssyncadd.s32 $0xFFFFD900  }
0x2d: {  	[spmem:s15], [sflag:s11] =	dma.local @p2 [hbm:s16], $0x4F0  }
0x2e: {  	s15 =	simm.s32 @p2 $0x4  }
0x2f: {  	_ =	swait.ge @p2 [sflag:s15], $0x4F0  }
0x30: {  	[sflag:s15] =	ssyncset.done @p2 $0x0  }
0x31: {  	s16 =	rddreg [dreg:$0xb];
	[sflag:s15] =	ssyncadd.s32 @p2 $0xFFFFFB10;
	s15 =	sshrl.u32 @!p4 s31, $0x3  }
0x32: {  	[spmem:s15], [sflag:s11] =	dma.local @!p4 [hbm:s16], $0x100  }
0x33: {  	s15 =	simm.s32 @!p4 $0x4  }
0x34: {  	_ =	swait.ge @!p4 [sflag:s15], $0x100  }
0x35: {  	[sflag:s15] =	ssyncset.done @!p4 $0x0  }
0x36: {  	[sflag:s15] =	ssyncadd.s32 @!p4 $0xFFFFFF00  }
0x37: {  	[bflag:$0x0] =	sbarrier.arrive $0xFFFF  }
0x38: {  	s25 =	rddreg [dreg:$0xc]  }
0x39: {  	[tilespmem:s4], [sflag:$0x4] =	stream.linear.gather [hbm4b:s25+s4], $0x3E80, $0x38;
	[tilespmem:$0x1F478] =	vst v63  }
0x3a: {  	_ =	swait.ge [sflag:s0], $0x3E80  }
0x3b: {  	[sflag:s0] =	ssyncset.done $0x0  }
0x3c: {  	s16 =	rddreg [dreg:$0xd];
	[sflag:s0] =	ssyncadd.s32 $0xFFFFC180  }
0x3d: {  	[tilespmem:s3], [sflag:$0x1] =	stream.linear.gather [hbm4b:s16+s4], $0x2800, $0x38;
	[tilespmem:$0x1F478] =	vst v63  }
0x3e: {  	s18 =	rddreg [dreg:$0xe]  }
0x3f: {  	[tilespmem:s5], [sflag:$0x1] =	stream.linear.gather [hbm4b:s18+s4], $0x80, $0x38;
	[tilespmem:$0x1F478] =	vst v63  }
0x40: {  	s19 =	rddreg [dreg:$0xf]  }
0x41: {  	[tilespmem:s7], [sflag:$0x2] =	stream.linear.gather [hbm4b:s19+s4], $0x2800, $0x38;
	[tilespmem:$0x1F478] =	vst v63  }
0x42: {  	s22 =	rddreg [dreg:$0x10]  }
0x43: {  	[tilespmem:s8], [sflag:$0x2] =	stream.linear.gather [hbm4b:s22+s4], $0x80, $0x38;
	[tilespmem:$0x1F478] =	vst v63  }
0x44: {  	s23 =	rddreg [dreg:$0x11]  }
0x45: {  	[tilespmem:s9], [sflag:$0x3] =	stream.linear.gather [hbm4b:s23+s4], $0x2800, $0x38;
	[tilespmem:$0x1F478] =	vst v63  }
0x46: {  	s25 =	rddreg [dreg:$0x14]  }
0x47: {  	[tilespmem:s6], [sflag:$0x3] =	stream.linear.gather [hbm4b:s25+s4], $0x80, $0x38;
	[tilespmem:$0x1F478] =	vst v63  }
0x48: {  	_ =	swait.ge [sflag:s10], $0x2800  }
0x49: {  	[sflag:s10] =	ssyncset.done $0x0  }
0x4a: {  	[sflag:s10] =	ssyncadd.s32 $0xFFFFD800  }
0x4b: {  	_ =	swait.ge [sflag:s10], $0x80  }
0x4c: {  	[sflag:s10] =	ssyncset.done $0x0  }
0x4d: {  	s16 =	simm.s32 $0x0;
	[sflag:s10] =	ssyncadd.s32 $0xFFFFFF80  }
0x4e: {  	[spmem:s1] =	stream.indirect.scatter.add.f32 [tilespmem:s3], [sflag:$0x4], $0x80, s16, s12, $0xb8;
	[tilespmem:$0x1F478] =	vst v63  }
0x4f: {  	_ =	swait.ge [sflag:s0], $0x2800  }
0x50: {  	[sflag:s0] =	ssyncset.done $0x0  }
0x51: {  	[sflag:s0] =	ssyncadd.s32 $0xFFFFD800  }
0x52: {  	[spmem:s2] =	stream.indirect.scatter.add.f32 [tilespmem:s5], [sflag:$0x4], $0x1, s16, s12, $0xb8;
	[tilespmem:$0x1F478] =	vst v63  }
0x53: {  	_ =	swait.ge [sflag:s0], $0x50  }
0x54: {  	[sflag:s0] =	ssyncset.done $0x0  }
0x55: {  	s18 =	sadd.s32 $0xFFFFF600, s26;
	[sflag:s0] =	ssyncadd.s32 $0xFFFFFFB0  }
0x56: {  	[tilespmem:s3], [sflag:$0x1] =	stream.linear.gather [hbm4b:s18+s4], $0x2800, $0x38;
	[tilespmem:$0x1F478] =	vst v63  }
0x57: {  	_ = 	snop  }
0x58: {  	[tilespmem:s5], [sflag:$0x1] =	stream.linear.gather [hbm4b:s30+s4], $0x80, $0x38;
	[tilespmem:$0x1F478] =	vst v63  }
0x59: {  	_ =	swait.ge [sflag:s13], $0x2800  }
0x5a: {  	[sflag:s13] =	ssyncset.done $0x0  }
0x5b: {  	[sflag:s13] =	ssyncadd.s32 $0xFFFFD800  }
0x5c: {  	_ =	swait.ge [sflag:s13], $0x80  }
0x5d: {  	[sflag:s13] =	ssyncset.done $0x0  }
0x5e: {  	s19 =	simm.s32 $0x80;
	[sflag:s13] =	ssyncadd.s32 $0xFFFFFF80  }
0x5f: {  	[spmem:s1] =	stream.indirect.scatter.add.f32 [tilespmem:s7], [sflag:$0x4], $0x80, s19, s12, $0xb8;
	[tilespmem:$0x1F478] =	vst v63  }
0x60: {  	_ =	swait.ge [sflag:s0], $0x2800  }
0x61: {  	[sflag:s0] =	ssyncset.done $0x0  }
0x62: {  	[sflag:s0] =	ssyncadd.s32 $0xFFFFD800  }
0x63: {  	[spmem:s2] =	stream.indirect.scatter.add.f32 [tilespmem:s8], [sflag:$0x4], $0x1, s19, s12, $0xb8;
	[tilespmem:$0x1F478] =	vst v63  }
0x64: {  	_ =	swait.ge [sflag:s0], $0x50  }
0x65: {  	[sflag:s0] =	ssyncset.done $0x0  }
0x66: {  	s22 =	sadd.s32 $0xFFFFFB00, s26;
	[sflag:s0] =	ssyncadd.s32 $0xFFFFFFB0  }
0x67: {  	[tilespmem:s7], [sflag:$0x2] =	stream.linear.gather [hbm4b:s22+s4], $0x2800, $0x38;
	[tilespmem:$0x1F478] =	vst v63  }
0x68: {  	_ = 	snop  }
0x69: {  	[tilespmem:s8], [sflag:$0x2] =	stream.linear.gather [hbm4b:s29+s4], $0x80, $0x38;
	[tilespmem:$0x1F478] =	vst v63  }
0x6a: {  	_ =	swait.ge [sflag:s14], $0x2800  }
0x6b: {  	[sflag:s14] =	ssyncset.done $0x0  }
0x6c: {  	[sflag:s14] =	ssyncadd.s32 $0xFFFFD800  }
0x6d: {  	_ =	swait.ge [sflag:s14], $0x80  }
0x6e: {  	[sflag:s14] =	ssyncset.done $0x0  }
0x6f: {  	s23 =	simm.s32 $0x100;
	[sflag:s14] =	ssyncadd.s32 $0xFFFFFF80  }
0x70: {  	[spmem:s1] =	stream.indirect.scatter.add.f32 [tilespmem:s9], [sflag:$0x4], $0x80, s23, s12, $0xb8;
	[tilespmem:$0x1F478] =	vst v63  }
0x71: {  	_ =	swait.ge [sflag:s0], $0x2800  }
0x72: {  	[sflag:s0] =	ssyncset.done $0x0  }
0x73: {  	[sflag:s0] =	ssyncadd.s32 $0xFFFFD800  }
0x74: {  	[spmem:s2] =	stream.indirect.scatter.add.f32 [tilespmem:s6], [sflag:$0x4], $0x1, s23, s12, $0xb8;
	[tilespmem:$0x1F478] =	vst v63  }
0x75: {  	p3 =	por @!p4 $0x0, $0x0;
	p0 =	por $0x0, $0x0;
	_ =	swait.ge [sflag:s0], $0x50  }
0x76: {  	s28 =	smov.u32 s17;
	[sflag:s0] =	ssyncset.done $0x0;
	s25 =	sld [smem:$0x7FD]  }
0x77: {  	p3 =	por @!p5 p0, p0;
	s15 =	sadd.s32 $0xF00, s26;
	[sflag:s0] =	ssyncadd.s32 $0xFFFFFFB0  }
0x78: {  	[tilespmem:s9], [sflag:$0x3] =	stream.linear.gather [hbm4b:s26+s4], $0x2800, $0x38;
	[tilespmem:$0x1F478] =	vst v63  }
0x79: {  	s16 =	sadd.s32 $0x30, s29;
	s22 =	simm.s32 $0x600;
	p0 =	seq.s32 s25, $0x1  }
0x7a: {  	s23 =	sadd.s32 $0x30, s30;
	s25 =	sadd.s32 $0x30, s17;
	p0 =	por @!p2 p3, p3  }
.LBB2_2:
0x7b: {  	[tilespmem:s6], [sflag:$0x3] =	stream.linear.gather [hbm4b:s28+s4], $0x80, $0x38;
	[tilespmem:$0x1F478] =	vst v63  }
0x7c: {  	s18 =	smov.u32 s22;
	s28 =	smov.u32 s25  }
0x7d: {  	p3 =	sne.s32 s22, $0xEA00;
	s22 =	sadd.s32 $0x600, s22;
	_ =	swait.ge [sflag:s10], $0x2800  }
0x7e: {  	[sflag:s10] =	ssyncset.done $0x0  }
0x7f: {  	[sflag:s10] =	ssyncadd.s32 $0xFFFFD800  }
0x80: {  	_ =	swait.ge [sflag:s10], $0x80  }
0x81: {  	[sflag:s10] =	ssyncset.done $0x0  }
0x82: {  	s18 =	sshra.s32 s18, $0x2;
	[sflag:s10] =	ssyncadd.s32 $0xFFFFFF80  }
0x83: {  	[spmem:s1] =	stream.indirect.scatter.add.f32 [tilespmem:s3], [sflag:$0x4], $0x80, s18, s12, $0xb8;
	[tilespmem:$0x1F478] =	vst v63  }
0x84: {  	_ =	swait.ge [sflag:s0], $0x2800  }
0x85: {  	[sflag:s0] =	ssyncset.done $0x0  }
0x86: {  	[sflag:s0] =	ssyncadd.s32 $0xFFFFD800  }
0x87: {  	[spmem:s2] =	stream.indirect.scatter.add.f32 [tilespmem:s5], [sflag:$0x4], $0x1, s18, s12, $0xb8;
	[tilespmem:$0x1F478] =	vst v63  }
0x88: {  	_ =	swait.ge [sflag:s0], $0x50  }
0x89: {  	[sflag:s0] =	ssyncset.done $0x0  }
0x8a: {  	s19 =	sadd.s32 $0xFFFFF600, s15;
	[sflag:s0] =	ssyncadd.s32 $0xFFFFFFB0  }
0x8b: {  	[tilespmem:s3], [sflag:$0x1] =	stream.linear.gather [hbm4b:s19+s4], $0x2800, $0x38;
	[tilespmem:$0x1F478] =	vst v63  }
0x8c: {  	_ = 	snop  }
0x8d: {  	[tilespmem:s5], [sflag:$0x1] =	stream.linear.gather [hbm4b:s23+s4], $0x80, $0x38;
	[tilespmem:$0x1F478] =	vst v63  }
0x8e: {  	_ =	swait.ge [sflag:s13], $0x2800  }
0x8f: {  	[sflag:s13] =	ssyncset.done $0x0  }
0x90: {  	[sflag:s13] =	ssyncadd.s32 $0xFFFFD800  }
0x91: {  	_ =	swait.ge [sflag:s13], $0x80  }
0x92: {  	[sflag:s13] =	ssyncset.done $0x0  }
0x93: {  	s19 =	sadd.s32 $0x80, s18;
	[sflag:s13] =	ssyncadd.s32 $0xFFFFFF80  }
0x94: {  	[spmem:s1] =	stream.indirect.scatter.add.f32 [tilespmem:s7], [sflag:$0x4], $0x80, s19, s12, $0xb8;
	[tilespmem:$0x1F478] =	vst v63  }
0x95: {  	_ =	swait.ge [sflag:s0], $0x2800  }
0x96: {  	[sflag:s0] =	ssyncset.done $0x0  }
0x97: {  	[sflag:s0] =	ssyncadd.s32 $0xFFFFD800  }
0x98: {  	[spmem:s2] =	stream.indirect.scatter.add.f32 [tilespmem:s8], [sflag:$0x4], $0x1, s19, s12, $0xb8;
	[tilespmem:$0x1F478] =	vst v63  }
0x99: {  	_ =	swait.ge [sflag:s0], $0x50  }
0x9a: {  	[sflag:s0] =	ssyncset.done $0x0  }
0x9b: {  	s19 =	sadd.s32 $0xFFFFFB00, s15;
	[sflag:s0] =	ssyncadd.s32 $0xFFFFFFB0  }
0x9c: {  	[tilespmem:s7], [sflag:$0x2] =	stream.linear.gather [hbm4b:s19+s4], $0x2800, $0x38;
	[tilespmem:$0x1F478] =	vst v63  }
0x9d: {  	_ = 	snop  }
0x9e: {  	[tilespmem:s8], [sflag:$0x2] =	stream.linear.gather [hbm4b:s16+s4], $0x80, $0x38;
	[tilespmem:$0x1F478] =	vst v63  }
0x9f: {  	_ =	swait.ge [sflag:s14], $0x2800  }
0xa0: {  	[sflag:s14] =	ssyncset.done $0x0  }
0xa1: {  	[sflag:s14] =	ssyncadd.s32 $0xFFFFD800  }
0xa2: {  	_ =	swait.ge [sflag:s14], $0x80  }
0xa3: {  	[sflag:s14] =	ssyncset.done $0x0  }
0xa4: {  	s18 =	sadd.s32 $0x100, s18;
	[sflag:s14] =	ssyncadd.s32 $0xFFFFFF80  }
0xa5: {  	[spmem:s1] =	stream.indirect.scatter.add.f32 [tilespmem:s9], [sflag:$0x4], $0x80, s18, s12, $0xb8;
	[tilespmem:$0x1F478] =	vst v63  }
0xa6: {  	_ =	swait.ge [sflag:s0], $0x2800  }
0xa7: {  	[sflag:s0] =	ssyncset.done $0x0  }
0xa8: {  	[sflag:s0] =	ssyncadd.s32 $0xFFFFD800  }
0xa9: {  	[spmem:s2] =	stream.indirect.scatter.add.f32 [tilespmem:s6], [sflag:$0x4], $0x1, s18, s12, $0xb8;
	[tilespmem:$0x1F478] =	vst v63  }
.Ltmp0:
0xaa: {  	_ =	swait.ge [sflag:s0], $0x50;
	(pc) =	sbr.rel @p3 .LBB2_2-.Ltmp0, $4  }
0xab: {  	[sflag:s0] =	ssyncset.done $0x0  }
0xac: {  	s23 =	sadd.s32 $0x30, s23;
	[sflag:s0] =	ssyncadd.s32 $0xFFFFFFB0  }
0xad: {  	[tilespmem:s9], [sflag:$0x3] =	stream.linear.gather [hbm4b:s15+s4], $0x2800, $0x38;
	[tilespmem:$0x1F478] =	vst v63  }
0xae: {  	s25 =	sadd.s32 $0x30, s25;
	s16 =	sadd.s32 $0x30, s16;
	s15 =	sadd.s32 $0xF00, s15  }
0xaf: {  	[tilespmem:s6], [sflag:$0x3] =	stream.linear.gather [hbm4b:s28+s4], $0x80, $0x38;
	[tilespmem:$0x1F478] =	vst v63  }
0xb0: {  	_ =	swait.ge [sflag:s10], $0x2800  }
0xb1: {  	[sflag:s10] =	ssyncset.done $0x0  }
0xb2: {  	[sflag:s10] =	ssyncadd.s32 $0xFFFFD800  }
0xb3: {  	_ =	swait.ge [sflag:s10], $0x80  }
0xb4: {  	[sflag:s10] =	ssyncset.done $0x0  }
0xb5: {  	s15 =	simm.s32 $0x3C00;
	[sflag:s10] =	ssyncadd.s32 $0xFFFFFF80  }
0xb6: {  	[spmem:s1] =	stream.indirect.scatter.add.f32 [tilespmem:s3], [sflag:$0x4], $0x80, s15, s12, $0xb8;
	[tilespmem:$0x1F478] =	vst v63  }
0xb7: {  	_ =	swait.ge [sflag:s0], $0x2800  }
0xb8: {  	[sflag:s0] =	ssyncset.done $0x0  }
0xb9: {  	[sflag:s0] =	ssyncadd.s32 $0xFFFFD800  }
0xba: {  	[spmem:s2] =	stream.indirect.scatter.add.f32 [tilespmem:s5], [sflag:$0x4], $0x1, s15, s12, $0xb8;
	[tilespmem:$0x1F478] =	vst v63  }
0xbb: {  	_ =	swait.ge [sflag:s0], $0x50  }
0xbc: {  	[sflag:s0] =	ssyncset.done $0x0  }
0xbd: {  	s23 =	rddreg [dreg:$0x12];
	[sflag:s0] =	ssyncadd.s32 $0xFFFFFFB0  }
0xbe: {  	[tilespmem:s3], [sflag:$0x1] =	stream.linear.gather [hbm4b:s23+s4], $0x2800, $0x38;
	[tilespmem:$0x1F478] =	vst v63  }
0xbf: {  	s25 =	rddreg [dreg:$0x15]  }
0xc0: {  	[tilespmem:s5], [sflag:$0x1] =	stream.linear.gather [hbm4b:s25+s4], $0x80, $0x38;
	[tilespmem:$0x1F478] =	vst v63  }
0xc1: {  	_ =	swait.ge [sflag:s13], $0x2800  }
0xc2: {  	[sflag:s13] =	ssyncset.done $0x0  }
0xc3: {  	[sflag:s13] =	ssyncadd.s32 $0xFFFFD800  }
0xc4: {  	_ =	swait.ge [sflag:s13], $0x80  }
0xc5: {  	[sflag:s13] =	ssyncset.done $0x0  }
0xc6: {  	s28 =	simm.s32 $0x3C80;
	[sflag:s13] =	ssyncadd.s32 $0xFFFFFF80  }
0xc7: {  	[spmem:s1] =	stream.indirect.scatter.add.f32 [tilespmem:s7], [sflag:$0x4], $0x80, s28, s12, $0xb8;
	[tilespmem:$0x1F478] =	vst v63  }
0xc8: {  	_ =	swait.ge [sflag:s0], $0x2800  }
0xc9: {  	[sflag:s0] =	ssyncset.done $0x0  }
0xca: {  	[sflag:s0] =	ssyncadd.s32 $0xFFFFD800  }
0xcb: {  	[spmem:s2] =	stream.indirect.scatter.add.f32 [tilespmem:s8], [sflag:$0x4], $0x1, s28, s12, $0xb8;
	[tilespmem:$0x1F478] =	vst v63  }
0xcc: {  	_ =	swait.ge [sflag:s0], $0x50  }
0xcd: {  	[sflag:s0] =	ssyncset.done $0x0  }
0xce: {  	s16 =	rddreg [dreg:$0x13];
	[sflag:s0] =	ssyncadd.s32 $0xFFFFFFB0  }
0xcf: {  	[tilespmem:s7], [sflag:$0x2] =	stream.linear.gather [hbm4b:s16+s4], $0x2800, $0x38;
	[tilespmem:$0x1F478] =	vst v63  }
0xd0: {  	s18 =	rddreg [dreg:$0x16]  }
0xd1: {  	[tilespmem:s8], [sflag:$0x2] =	stream.linear.gather [hbm4b:s18+s4], $0x80, $0x38;
	[tilespmem:$0x1F478] =	vst v63  }
0xd2: {  	_ =	swait.ge [sflag:s14], $0x2800  }
0xd3: {  	[sflag:s14] =	ssyncset.done $0x0  }
0xd4: {  	[sflag:s14] =	ssyncadd.s32 $0xFFFFD800  }
0xd5: {  	_ =	swait.ge [sflag:s14], $0x80  }
0xd6: {  	[sflag:s14] =	ssyncset.done $0x0  }
0xd7: {  	s19 =	simm.s32 $0x3D00;
	[sflag:s14] =	ssyncadd.s32 $0xFFFFFF80  }
0xd8: {  	[spmem:s1] =	stream.indirect.scatter.add.f32 [tilespmem:s9], [sflag:$0x4], $0x80, s19, s12, $0xb8;
	[tilespmem:$0x1F478] =	vst v63  }
0xd9: {  	_ =	swait.ge [sflag:s0], $0x2800  }
0xda: {  	[sflag:s0] =	ssyncset.done $0x0  }
0xdb: {  	[sflag:s0] =	ssyncadd.s32 $0xFFFFD800  }
0xdc: {  	[spmem:s2] =	stream.indirect.scatter.add.f32 [tilespmem:s6], [sflag:$0x4], $0x1, s19, s12, $0xb8;
	[tilespmem:$0x1F478] =	vst v63  }
0xdd: {  	_ =	swait.ge [sflag:s0], $0x50  }
0xde: {  	[sflag:s0] =	ssyncset.done $0x0  }
0xdf: {  	[sflag:s0] =	ssyncadd.s32 $0xFFFFFFB0  }
0xe0: {  	_ =	swait.ge [sflag:s10], $0x2800  }
0xe1: {  	[sflag:s10] =	ssyncset.done $0x0  }
0xe2: {  	[sflag:s10] =	ssyncadd.s32 $0xFFFFD800  }
0xe3: {  	_ =	swait.ge [sflag:s10], $0x80  }
0xe4: {  	[sflag:s10] =	ssyncset.done $0x0  }
0xe5: {  	s22 =	simm.s32 $0x3D80;
	[sflag:s10] =	ssyncadd.s32 $0xFFFFFF80  }
0xe6: {  	[spmem:s1] =	stream.indirect.scatter.add.f32 [tilespmem:s3], [sflag:$0x4], $0x80, s22, s12, $0xb8;
	[tilespmem:$0x1F478] =	vst v63  }
0xe7: {  	_ =	swait.ge [sflag:s0], $0x2800  }
0xe8: {  	[sflag:s0] =	ssyncset.done $0x0  }
0xe9: {  	[sflag:s0] =	ssyncadd.s32 $0xFFFFD800  }
0xea: {  	[spmem:s2] =	stream.indirect.scatter.add.f32 [tilespmem:s5], [sflag:$0x4], $0x1, s22, s12, $0xb8;
	[tilespmem:$0x1F478] =	vst v63  }
0xeb: {  	_ =	swait.ge [sflag:s0], $0x50  }
0xec: {  	[sflag:s0] =	ssyncset.done $0x0  }
0xed: {  	[sflag:s0] =	ssyncadd.s32 $0xFFFFFFB0  }
0xee: {  	_ =	swait.ge [sflag:s13], $0x2800  }
0xef: {  	[sflag:s13] =	ssyncset.done $0x0  }
0xf0: {  	[sflag:s13] =	ssyncadd.s32 $0xFFFFD800  }
0xf1: {  	_ =	swait.ge [sflag:s13], $0x80  }
0xf2: {  	[sflag:s13] =	ssyncset.done $0x0  }
0xf3: {  	s23 =	simm.s32 $0x3E00;
	[sflag:s13] =	ssyncadd.s32 $0xFFFFFF80  }
0xf4: {  	[spmem:s1] =	stream.indirect.scatter.add.f32 [tilespmem:s7], [sflag:$0x4], $0x80, s23, s12, $0xb8;
	[tilespmem:$0x1F478] =	vst v63  }
0xf5: {  	_ =	swait.ge [sflag:s0], $0x2800  }
0xf6: {  	[sflag:s0] =	ssyncset.done $0x0  }
0xf7: {  	[sflag:s0] =	ssyncadd.s32 $0xFFFFD800  }
0xf8: {  	[spmem:s2] =	stream.indirect.scatter.add.f32 [tilespmem:s8], [sflag:$0x4], $0x1, s23, s12, $0xb8;
	[tilespmem:$0x1F478] =	vst v63  }
0xf9: {  	_ =	swait.ge [sflag:s0], $0x50  }
0xfa: {  	[sflag:s0] =	ssyncset.done $0x0  }
0xfb: {  	[sflag:s0] =	ssyncadd.s32 $0xFFFFFFB0  }
0xfc: {  	[bflag:$0x0] =	sbarrier.arrive $0xFFFF  }
0xfd: {  	s25 =	rddreg [dreg:$0x6]  }
0xfe: {  	s15 =	sadd.s32 s25, s24  }
0xff: {  	[hbm:s15], [sflag:s11] =	dma.local [spmem:s21], $0x2700  }
0x100: {  	_ =	swait.ge [sflag:s0], $0x2700  }
0x101: {  	[sflag:s0] =	ssyncset.done $0x0  }
0x102: {  	s16 =	sshrl.u32 @!p6 s31, $0x3;
	s15 =	sadd.s32 @!p6 $0x27000, s24;
	[sflag:s0] =	ssyncadd.s32 $0xFFFFD900  }
0x103: {  	[hbm:s15], [sflag:s11] =	dma.local @!p6 [spmem:s16], $0x100  }
0x104: {  	s15 =	simm.s32 @!p6 $0x4  }
0x105: {  	_ =	swait.ge @!p6 [sflag:s15], $0x100  }
0x106: {  	[sflag:s15] =	ssyncset.done @!p6 $0x0  }
0x107: {  	s16 =	rddreg [dreg:$0x7];
	[sflag:s15] =	ssyncadd.s32 @!p6 $0xFFFFFF00;
	s15 =	sshrl.u32 @!p1 s2, $0x3  }
0x108: {  	[hbm:s16], [sflag:s11] =	dma.local @!p1 [spmem:s15], $0x4F0  }
0x109: {  	s15 =	simm.s32 @!p1 $0x4  }
0x10a: {  	_ =	swait.ge @!p1 [sflag:s15], $0x4F0  }
0x10b: {  	[sflag:s15] =	ssyncset.done @!p1 $0x0  }
0x10c: {  	s16 =	rddreg [dreg:$0x8];
	[sflag:s15] =	ssyncadd.s32 @!p1 $0xFFFFFB10;
	s15 =	sshrl.u32 @p0 s2, $0x3  }
0x10d: {  	[hbm:s16], [sflag:s11] =	dma.local @p0 [spmem:s15], $0x4F0  }
0x10e: {  	s15 =	simm.s32 @p0 $0x4  }
0x10f: {  	_ =	swait.ge @p0 [sflag:s15], $0x4F0  }
0x110: {  	s20 =	sadd.s32 $0x1, s20;
	s28 =	rddreg [dreg:$0x17]  }
0x111: {  	p3 =	sne.s32 s20, s28  }
.Ltmp1:
0x112: {  	_ = 	snop;
	(pc) =	sbr.rel @p3 .LBB2_1-.Ltmp1, $3  }
0x113: {  	_ =	sdelay $0x1  }
0x114: {  	[sflag:s15] =	ssyncset.done @p0 $0x0  }
0x115: {  	[sflag:s15] =	ssyncadd.s32 @p0 $0xFFFFFB10  }
0x116: {  	_ =	sfence.sel $0x180000  }
0x117: {  	[bflag:$0x0] =	sbarrier.arrive $0xFFFF  }
0x118: {  	_ =	strace $0x9000004A  }
0x119: {  	s0 =	stileid.u32;
	[bflag:$0x2] =	sbarrier.arrive $0xFFFF  }
0x11a: {  	p0 =	sne.s32 s0, $0x0;
	s0 =	rddreg [dreg:$0x4]  }
0x11b: {  	s0 =	sadd.s32 @!p0 $0x100000, s0  }
0x11c: {  	[sflag:s0] =	ssyncadd.tile.s32 @!p0 $0x1;
	_ =	shalt  }
.Lfunc_end2:
_tile_overlayer_lowered:
.L_overlay_start_2:
0x11d: {  	(tag) =	ssettag $0x2  }
0x11e: {  	s0 =	rddreg [dreg:$0x0];
	s2 =	stileid.u32  }
0x11f: {  	s1 =	rddreg [dreg:$0x1];
	p0 =	sne.s32 s2, $0x0  }
0x120: {  	s3 =	rddreg [dreg:$0x2];
	[bflag:$0x3] =	sbarrier.arrive $0xFFFF;
	s2 =	simm.s32 @!p0 $0x1C04  }
0x121: {  	[timem:s3], [sflag:s2] =	dma.local @!p0 [hbm:s0], s1  }
0x122: {  	s0 =	simm.s32 @!p0 $0x4  }
0x123: {  	_ =	swait.ge @!p0 [sflag:s0], s1  }
0x124: {  	s1 =	ssub.s32 @!p0 $0x0, s1;
	[sflag:s0] =	ssyncset.done @!p0 $0x0  }
0x125: {  	[sflag:s0] =	ssyncadd.s32 @!p0 s1  }
0x126: {  	[bflag:$0x3] =	sbarrier.arrive $0xFFFF  }
0x127: {  	_ =	shalt  }

// kernel: kernel.7.cloned.1.call-start
scs
__scs_entry_jumppad:
0x0: {  	(pc) =	sbr.rel $0x88, $3  }
0x1: {  	(tag) =	ssettag $0x0;
	lr =	simm.s32 $0x1  }
0x2: {  	[smem:$0x3F92] =	sst lr;
	_ =	strace $0xD0000000  }
0x3: {  	_ = 	snop  }
0x4: {  	_ = 	snop  }
0x5: {  	_ = 	snop  }
0x6: {  	_ = 	snop  }
0x7: {  	_ = 	snop  }
__scs_overlays_trampoline_lowered:
0x8: {  	[smem:$0x3FA1] =	sst s0  }
0x9: {  	[smem:$0x3FA2] =	sst s1  }
0xa: {  	[smem:$0x3FA3] =	sst s2  }
0xb: {  	[smem:$0x3FA4] =	sst s3  }
0xc: {  	[smem:$0x3FA5] =	sst s4  }
0xd: {  	[smem:$0x3FA6] =	sst s5  }
0xe: {  	[smem:$0x3FA7] =	sst s6  }
0xf: {  	[smem:$0x3FA8] =	sst s7  }
0x10: {  	[smem:$0x3FA9] =	sst s8  }
0x11: {  	[smem:$0x3FAA] =	sst s9;
	s0 =	simm.s32 @!p0 $0x0  }
0x12: {  	s1 =	sld [smem:$0x3F90];
	s0 =	simm.s32 @p0 $0x1  }
0x13: {  	[smem:$0x3FAB] =	sst s0;
	s0 =	simm.s32 @!p1 $0x0  }
0x14: {  	s2 =	sld [smem:$0x3F8F];
	s0 =	simm.s32 @p1 $0x1  }
0x15: {  	[smem:$0x3FAC] =	sst s0;
	s0 =	simm.s32 @!p2 $0x0  }
0x16: {  	s3 =	sld [smem:$0x3FDB];
	s0 =	simm.s32 @p2 $0x1  }
0x17: {  	s4 =	simm.s32 $0x1BF5;
	[smem:$0x3FAE] =	sst s0  }
0x18: {  	s0 =	sld [smem:$0x3F91];
	_ =	swait.ge [sflag:s4], $0x0  }
0x19: {  	s7 =	sld [smem:$0x3F92]  }
0x1a: {  	s8 =	sadd.s32 $0xFFFFE003, lr  }
0x1b: {  	s9 =	sadd.s32 $0xFFFFFEF7, lr;
	s5 =	simm.s32 $0xFFFFFFFF;
	p2 =	slt.u32 s8, $0xFFFFF086  }
0x1c: {  	p1 =	slt.u32 s9, $0xF7A;
	s5 =	simm.s32 @!p2 $0x0  }
0x1d: {  	s5 =	simm.s32 @p1 $0x1;
	p0 =	seq.s32 s7, s2  }
0x1e: {  	s7 =	smul.u32 @!p0 $0xF7A, s2;
	p2 =	seq.s32 @!p0 s5, $0x0  }
0x1f: {  	s9 =	smul.u32 $0xF7A, s1;
	s8 =	simm.s32 @!p0 $0x1BF5;
	p2 =	por !p2, p0  }
0x20: {  	[sflag:s8] =	ssyncset.s32 @!p0 $0xFFFFF086;
	s6 =	sadd.s32 @!p0 s3, s7;
	s7 =	simm.s32 @!p0 $0x108  }
0x21: {  	s3 =	sadd.s32 s3, s9;
	s6 =	sadd.s32 @!p0 $0x88, s6;
	s7 =	simm.s32 @p2 $0x1082  }
0x22: {  	[simem:s7], [sflag:s8] =	dma.local @!p0 [hbm:s6], $0xF7A  }
0x23: {  	s9 =	sor.u32 $0xD0000000, s2;
	s6 =	simm.s32 $0x108;
	_ =	swait.ge @!p0 [sflag:s8], $0x0  }
0x24: {  	s3 =	sadd.s32 $0x88, s3;
	s6 =	simm.s32 @!p1 $0x1082;
	[sflag:s4] =	ssyncset.s32 $0xFFFFF086  }
0x25: {  	[simem:s6], [sflag:s4] =	dma.local [hbm:s3], $0xF7A  }
0x26: {  	[smem:$0x3F92] =	sst s1;
	(tag) =	ssettag s2;
	_ =	strace s9  }
0x27: {  	s1 =	sld [smem:$0x3FA2]  }
0x28: {  	s2 =	sld [smem:$0x3FA3]  }
0x29: {  	s4 =	sld [smem:$0x3FA5]  }
0x2a: {  	p0 =	seq.s32 s5, $0x0;
	s5 =	sld [smem:$0x3FA6]  }
0x2b: {  	s6 =	sld [smem:$0x3FA7]  }
0x2c: {  	s7 =	sld [smem:$0x3FA8]  }
0x2d: {  	s3 =	simm.s32 $0x108;
	s8 =	sld [smem:$0x3FA9]  }
0x2e: {  	s3 =	simm.s32 @!p0 $0x1082;
	s9 =	sld [smem:$0x3FAA]  }
0x2f: {  	lr =	sadd.s32 s0, s3;
	s0 =	sld [smem:$0x3FA1]  }
0x30: {  	s3 =	sld [smem:$0x3FA4]  }
0x31: {  	[smem:$0x3FAD] =	sst s10  }
0x32: {  	s10 =	sld [smem:$0x3FAB];
	_ =	sdelay $0x3  }
0x33: {  	p0 =	seq.s32 s10, $0x1;
	s10 =	sld [smem:$0x3FAD];
	_ =	sdelay $0x3  }
0x34: {  	[smem:$0x3FAD] =	sst s10  }
0x35: {  	s10 =	sld [smem:$0x3FAC];
	_ =	sdelay $0x3  }
0x36: {  	p1 =	seq.s32 s10, $0x1;
	s10 =	sld [smem:$0x3FAD];
	_ =	sdelay $0x3  }
0x37: {  	[smem:$0x3FAD] =	sst s10  }
0x38: {  	s10 =	sld [smem:$0x3FAE]  }
0x39: {  	_ = 	snop;
	(pc) =	sbr.ind lr, $3  }
0x3a: {  	_ = 	snop  }
0x3b: {  	_ = 	snop  }
0x3c: {  	p2 =	seq.s32 s10, $0x1;
	s10 =	sld [smem:$0x3FAD]  }
0x3d: {  	_ =	shalt  }
0x3e: {  	_ =	shalt  }
0x3f: {  	_ =	shalt  }
0x40: {  	_ =	shalt  }
0x41: {  	_ =	shalt  }
0x42: {  	_ =	shalt  }
0x43: {  	_ =	shalt  }
0x44: {  	_ =	shalt  }
0x45: {  	_ =	shalt  }
0x46: {  	_ =	shalt  }
0x47: {  	_ =	shalt  }
0x48: {  	_ =	shalt  }
0x49: {  	_ =	shalt  }
0x4a: {  	_ =	shalt  }
0x4b: {  	_ =	shalt  }
0x4c: {  	_ =	shalt  }
0x4d: {  	_ =	shalt  }
0x4e: {  	_ =	shalt  }
0x4f: {  	_ =	shalt  }
0x50: {  	_ =	shalt  }
0x51: {  	_ =	shalt  }
0x52: {  	_ =	shalt  }
0x53: {  	_ =	shalt  }
0x54: {  	_ =	shalt  }
0x55: {  	_ =	shalt  }
0x56: {  	_ =	shalt  }
0x57: {  	_ =	shalt  }
0x58: {  	_ =	shalt  }
0x59: {  	_ =	shalt  }
0x5a: {  	_ =	shalt  }
0x5b: {  	_ =	shalt  }
0x5c: {  	_ =	shalt  }
0x5d: {  	_ =	shalt  }
0x5e: {  	_ =	shalt  }
0x5f: {  	_ =	shalt  }
0x60: {  	_ =	shalt  }
0x61: {  	_ =	shalt  }
0x62: {  	_ =	shalt  }
0x63: {  	_ =	shalt  }
0x64: {  	_ =	shalt  }
0x65: {  	_ =	shalt  }
0x66: {  	_ =	shalt  }
0x67: {  	_ =	shalt  }
0x68: {  	_ =	shalt  }
0x69: {  	_ =	shalt  }
0x6a: {  	_ =	shalt  }
0x6b: {  	_ =	shalt  }
0x6c: {  	_ =	shalt  }
0x6d: {  	_ =	shalt  }
0x6e: {  	_ =	shalt  }
0x6f: {  	_ =	shalt  }
0x70: {  	_ =	shalt  }
0x71: {  	_ =	shalt  }
0x72: {  	_ =	shalt  }
0x73: {  	_ =	shalt  }
0x74: {  	_ =	shalt  }
0x75: {  	_ =	shalt  }
0x76: {  	_ =	shalt  }
0x77: {  	_ =	shalt  }
0x78: {  	_ =	shalt  }
0x79: {  	_ =	shalt  }
0x7a: {  	_ =	shalt  }
0x7b: {  	_ =	shalt  }
0x7c: {  	_ =	shalt  }
0x7d: {  	_ =	shalt  }
0x7e: {  	_ =	shalt  }
0x7f: {  	_ =	shalt  }
0x80: {  	_ =	shalt  }
0x81: {  	_ =	shalt  }
0x82: {  	_ =	shalt  }
0x83: {  	_ =	shalt  }
0x84: {  	_ =	shalt  }
0x85: {  	_ =	shalt  }
0x86: {  	_ =	shalt  }
0x87: {  	_ =	shalt  }
.Lfunc_end0:
.L_simem_size_0:
called_computation_lowered:
.L_overlay_start_0:
0x88: {  	s2 =	sld [smem:$0x3FD9]  }
0x89: {  	s3 =	sld [smem:$0x3FFE];
	_ =	sdelay $0x1  }
0x8a: {  	s1 =	srdreg.scid  }
0x8b: {  	s0 =	sand.u32 $0x1, s1  }
0x8c: {  	s17 =	sshll.u32 s0, $0xA;
	s2 =	sadd.s32 s3, s2  }
0x8d: {  	s2 =	sadd.s32 s2, s17  }
0x8e: {  	[smem:$0x3FB9] =	sst s2  }
0x8f: {  	_ = 	snop  }
0x90: {  	s2 =	sld [smem:$0x3FD0];
	(tm) =	ssettm $0x1  }
0x91: {  	s18 =	sld [smem:$0x3FFB];
	_ =	sdelay $0x3  }
0x92: {  	_ =	strace s18  }
0x93: {  	s3 =	sld [smem:$0x3FFC];
	_ =	sdelay $0x3  }
0x94: {  	_ =	strace s3  }
0x95: {  	s3 =	sld [smem:$0x3FFD];
	_ =	sdelay $0x3  }
0x96: {  	_ =	strace s3  }
0x97: {  	_ =	strace $0x8FFFFFFF  }
0x98: {  	s19 =	sld [smem:$0x3FDB];
	_ =	sdelay $0x1  }
0x99: {  	s4 =	simm.s32 $_scs_section_size  }
0x9a: {  	s5 =	simm.s32 $_size__tile_overlayer_lowered;
	s6 =	simm.s32 $_tile_overlayer_lowered  }
0x9b: {  	s22 =	simm.s32 $0x1BFF;
	s21 =	sshll.u32 s6, $0x1;
	s3 =	sadd.s32 s4, s19  }
0x9c: {  	s7 =	simm.s32 $0x0;
	s20 =	sshll.u32 s5, $0x1;
	s5 =	sadd.s32 s21, s3  }
0x9d: {  	[timem:s7], [sflag:s22] =	dma.local [hbm:s5], s20  }
0x9e: {  	_ =	swait.ge [sflag:s22], s20  }
0x9f: {  	s4 =	ssub.s32 $0x0, s20;
	[sflag:s22] =	ssyncset.done $0x0  }
0xa0: {  	[sflag:s22] =	ssyncadd.s32 s4;
	_ =	sdelay $0x1  }
0xa1: {  	s23 =	simm.s32 $0x1B8B  }
0xa2: {  	_ =	swait.ge [sflag:s23], $0x1  }
0xa3: {  	[sflag:s23] =	ssyncset.done $0x0  }
0xa4: {  	s25 =	simm.s32 $0x1B8E;
	s24 =	sld [smem:$0x3FFE];
	[sflag:s23] =	ssyncadd.s32 $0xFFFFFFFF  }
0xa5: {  	s26 =	simm.s32 $execute0_lowered;
	[smem:$0x3FD2] =	sst s25  }
0xa6: {  	s5 =	sshll.u32 s26, $0x1;
	_ =	strace $0x80000046;
	[dreg:$0x1] =	wrdreg $0xFFFFFFFF  }
0xa7: {  	s28 =	simm.s32 $_size_execute0_lowered;
	s3 =	sadd.s32 s3, s5;
	[dreg:$0x0] =	wrdreg $0x0  }
0xa8: {  	s5 =	sshll.u32 s28, $0x1;
	[dreg:$0x2] =	wrdreg s3  }
0xa9: {  	[dreg:$0x3] =	wrdreg s5  }
0xaa: {  	[dreg:$0x4] =	wrdreg $0xC0  }
0xab: {  	_ =	task [dreg:s7], $0x5FFFF  }
0xac: {  	[dreg:$0x1] =	wrdreg $0xFFFFFFFF  }
0xad: {  	[dreg:$0x0] =	wrdreg $0x60  }
0xae: {  	[dreg:$0x2] =	wrdreg s2  }
0xaf: {  	[dreg:$0x3] =	wrdreg s24  }
0xb0: {  	[dreg:$0x4] =	wrdreg $0x9  }
0xb1: {  	_ =	task.clear_ibuf [dreg:s7], $0x5FFFF;
	_ =	strace $0x90000046  }
0xb2: {  	s29 =	simm.s32 $0x9;
	_ =	strace $0x80000048  }
0xb3: {  	_ =	swait.ge [sflag:s29], $0x1  }
0xb4: {  	[sflag:s29] =	ssyncadd.s32 $0xFFFFFFFF  }
0xb5: {  	_ =	strace $0x90000048  }
0xb6: {  	_ =	sfence  }
0xb7: {  	s30 =	sld [smem:$0x0];
	_ =	sdelay $0x2  }
0xb8: {  	s31 =	sshll.u32 s1, $0xD;
	s1 =	sshrl.u32 s1, $0x2  }
0xb9: {  	s3 =	sand.u32 $0x4000, s31;
	s1 =	sadd.s32 s1, s30  }
0xba: {  	s0 =	sor.u32 s3, s0;
	s1 =	sshll.u32 s1, $0x11  }
0xbb: {  	s0 =	sor.u32 s1, s0  }
0xbc: {  	s0 =	sadd.s32 $0x8F2B, s0  }
0xbd: {  	[sflag:s0] =	ssyncadd.remote.s32 $0x1  }
0xbe: {  	_ =	sfence.sel $0xFFFF  }
0xbf: {  	[dreg:$0x0] =	wrdreg $0xFFFFFFFF;
	(pc) =	sbr.abs _section_cstart, $3  }
0xc0: {  	[dreg:$0x1] =	wrdreg $0xFFFFFFFF  }
0xc1: {  	_ =	task.clear_ibuf [dreg:s7], $0x2FFFF;
	_ =	strace $0x9FFFFFFF  }
0xc2: {  	(tm) =	ssettm $0x7FFFFFFF  }
0xc3: {  	_ =	shalt  }
tec
execute0_lowered:
.L_overlay_start_1:
0x0: {  	(tag) =	ssettag $0x1  }
0x1: {  	s2 =	rddreg [dreg:$0x0]  }
0x2: {  	s0 =	rddreg [dreg:$0x1];
	s1 =	srdreg.scid  }
0x3: {  	s10 =	stileid.u32;
	s3 =	simm.s32 $0x0;
	s15 =	simm.s32 $0xC  }
0x4: {  	s17 =	simm.s32 $0x50;
	s28 =	simm.s32 $0x1;
	s29 =	simm.s32 $0x2  }
0x5: {  	s30 =	simm.s32 $0x3;
	s31 =	simm.s32 $0x4;
	s16 =	simm.s32 $0x7  }
0x6: {  	s1 =	sand.u32 $0x1, s1;
	s4 =	sshll.u32 s10, $0x1;
	[smem:$0x7FF] =	sst s3  }
0x7: {  	s7 =	sadd.s32 $0x5A800, s0;
	s24 =	smul.u32 $0x4E200, s10;
	s5 =	sor.u32 s1, s4  }
0x8: {  	_ =	strace $0x80000047;
	s8 =	ssub.s32 $0x2, s1;
	s1 =	smul.u32 $0x27100, s1  }
0x9: {  	s4 =	sadd.s32 $0x4A200, s0;
	s6 =	smul.u32 $0x138800, s5;
	s5 =	sshll.u32 s5, $0xB  }
0xa: {  	s9 =	sshrl.u32 s8, $0x1;
	s26 =	sadd.s32 s24, s7;
	s24 =	simm.s32 $0xF800  }
0xb: {  	s0 =	sadd.s32 s5, s0;
	s18 =	ssub.s32 s8, s9;
	s14 =	sadd.s32 s1, s26  }
0xc: {  	s26 =	simm.s32 $0x12000;
	s1 =	simm.s32 $0x6;
	s19 =	sadd.s32 $0x13000, s0  }
0xd: {  	s6 =	sshrl.u32 s6, $0x3;
	s20 =	sadd.s32 $0x3000, s0;
	[dreg:$0x3] =	wrdreg s19  }
0xe: {  	s0 =	sadd.s32 $0x4A800, s0;
	s6 =	sadd.s32 s7, s6;
	[dreg:$0x4] =	wrdreg s20  }
0xf: {  	s5 =	simm.s32 $0x0;
	[dreg:$0xa] =	wrdreg s0;
	s21 =	sadd.s32 $0x25800, s6  }
0x10: {  	s13 =	smax.u32 s18, $0x1;
	s22 =	sadd.s32 $0x25D00, s6;
	[dreg:$0x5] =	wrdreg s21  }
0x11: {  	s18 =	simm.s32 $0x8000;
	s23 =	sadd.s32 $0x26200, s6;
	[dreg:$0x6] =	wrdreg s22  }
0x12: {  	s20 =	simm.s32 $0xA800;
	s25 =	sadd.s32 $0x26700, s6;
	[dreg:$0x7] =	wrdreg s23  }
0x13: {  	s0 =	simm.s32 $0x5;
	s6 =	sadd.s32 $0x26C00, s6;
	[dreg:$0x8] =	wrdreg s25  }
0x14: {  	s19 =	simm.s32 $0x8;
	[dreg:$0x9] =	wrdreg s6;
	s22 =	simm.s32 $0xD000  }
0x15: {  	s21 =	simm.s32 $0x9;
	s23 =	simm.s32 $0xA;
	s25 =	simm.s32 $0xB  }
.LBB2_1:
0x16: {  	s6 =	rddreg [dreg:$0x3]  }
0x17: {  	[tilespmem:s3], [sflag:$0xC] =	stream.linear.gather [hbm4b:s6+s3], $0x3E80, $0x38;
	[tilespmem:$0x18800] =	vst v63  }
0x18: {  	_ =	swait.ge [sflag:s15], $0x3E80  }
0x19: {  	[sflag:s15] =	ssyncset.done $0x0  }
0x1a: {  	s7 =	simm.s32 $0x4000;
	s12 =	rddreg [dreg:$0x4];
	[sflag:s15] =	ssyncadd.s32 $0xFFFFC180  }
0x1b: {  	[tilespmem:s7], [sflag:$0xC] =	stream.linear.gather [hbm4b:s12+s3], $0x3E80, $0x38;
	[tilespmem:$0x18800] =	vst v63  }
0x1c: {  	_ =	swait.ge [sflag:s15], $0x3E80  }
0x1d: {  	[sflag:s15] =	ssyncset.done $0x0  }
0x1e: {  	[sflag:s15] =	ssyncadd.s32 $0xFFFFC180  }
0x1f: {  	[tilespmem:s18], [sflag:$0x1] =	stream.indirect.gather [hbm4b:s2+s17], $0x80, s3, s17, $0xb8;
	[tilespmem:$0x18800] =	vst v63  }
0x20: {  	s7 =	simm.s32 $0x80  }
0x21: {  	[tilespmem:s20], [sflag:$0x2] =	stream.indirect.gather [hbm4b:s2+s17], $0x80, s7, s17, $0xb8;
	[tilespmem:$0x18800] =	vst v63  }
0x22: {  	s8 =	simm.s32 $0x100  }
0x23: {  	[tilespmem:s22], [sflag:$0x3] =	stream.indirect.gather [hbm4b:s2+s17], $0x80, s8, s17, $0xb8;
	[tilespmem:$0x18800] =	vst v63  }
0x24: {  	s9 =	simm.s32 $0x180  }
0x25: {  	[tilespmem:s24], [sflag:$0x4] =	stream.indirect.gather [hbm4b:s2+s17], $0x80, s9, s17, $0xb8;
	[tilespmem:$0x18800] =	vst v63  }
0x26: {  	s10 =	simm.s32 $0x200  }
0x27: {  	[tilespmem:s26], [sflag:$0x5] =	stream.indirect.gather [hbm4b:s2+s17], $0x80, s10, s17, $0xb8;
	[tilespmem:$0x18800] =	vst v63  }
0x28: {  	s11 =	simm.s32 $0x14800;
	s12 =	simm.s32 $0x4000  }
0x29: {  	[tilespmem:s11], [sflag:$0xB] =	stream.indirect.gather [hbm4b:s4+s17], $0x1, s12, s17, $0xb8;
	[tilespmem:$0x18800] =	vst v63  }
0x2a: {  	s7 =	simm.s32 $0x14880;
	s8 =	simm.s32 $0x4080  }
0x2b: {  	[tilespmem:s7], [sflag:$0xB] =	stream.indirect.gather [hbm4b:s4+s17], $0x1, s8, s17, $0xb8;
	[tilespmem:$0x18800] =	vst v63  }
0x2c: {  	s9 =	simm.s32 $0x14900;
	s10 =	simm.s32 $0x4100  }
0x2d: {  	[tilespmem:s9], [sflag:$0xB] =	stream.indirect.gather [hbm4b:s4+s17], $0x1, s10, s17, $0xb8;
	[tilespmem:$0x18800] =	vst v63  }
0x2e: {  	s11 =	simm.s32 $0x14980;
	s12 =	simm.s32 $0x4180  }
0x2f: {  	[tilespmem:s11], [sflag:$0xB] =	stream.indirect.gather [hbm4b:s4+s17], $0x1, s12, s17, $0xb8;
	[tilespmem:$0x18800] =	vst v63  }
0x30: {  	s8 =	simm.s32 $0x14A00;
	s9 =	simm.s32 $0x4200  }
0x31: {  	[tilespmem:s8], [sflag:$0xB] =	stream.indirect.gather [hbm4b:s4+s17], $0x1, s9, s17, $0xb8;
	[tilespmem:$0x18800] =	vst v63  }
0x32: {  	_ =	swait.ge [sflag:s28], $0x2800  }
0x33: {  	[sflag:s28] =	ssyncset.done $0x0  }
0x34: {  	[sflag:s28] =	ssyncadd.s32 $0xFFFFD800  }
0x35: {  	[hbm4b:s14+s3] =	stream.linear.scatter [tilespmem:s18], [sflag:$0x6], $0x2800, $0x38;
	[tilespmem:$0x18800] =	vst v63  }
0x36: {  	_ =	swait.ge [sflag:s29], $0x2800  }
0x37: {  	[sflag:s29] =	ssyncset.done $0x0  }
0x38: {  	s10 =	sadd.s32 $0x500, s14;
	[sflag:s29] =	ssyncadd.s32 $0xFFFFD800  }
0x39: {  	[hbm4b:s10+s3] =	stream.linear.scatter [tilespmem:s20], [sflag:$0x7], $0x2800, $0x38;
	[tilespmem:$0x18800] =	vst v63  }
0x3a: {  	_ =	swait.ge [sflag:s30], $0x2800  }
0x3b: {  	[sflag:s30] =	ssyncset.done $0x0  }
0x3c: {  	s11 =	sadd.s32 $0xA00, s14;
	[sflag:s30] =	ssyncadd.s32 $0xFFFFD800  }
0x3d: {  	[hbm4b:s11+s3] =	stream.linear.scatter [tilespmem:s22], [sflag:$0x8], $0x2800, $0x38;
	[tilespmem:$0x18800] =	vst v63  }
0x3e: {  	_ =	swait.ge [sflag:s31], $0x2800  }
0x3f: {  	[sflag:s31] =	ssyncset.done $0x0  }
0x40: {  	s12 =	sadd.s32 $0xF00, s14;
	[sflag:s31] =	ssyncadd.s32 $0xFFFFD800  }
0x41: {  	[hbm4b:s12+s3] =	stream.linear.scatter [tilespmem:s24], [sflag:$0x9], $0x2800, $0x38;
	[tilespmem:$0x18800] =	vst v63  }
0x42: {  	_ =	swait.ge [sflag:s0], $0x2800  }
0x43: {  	[sflag:s0] =	ssyncset.done $0x0  }
0x44: {  	s7 =	sadd.s32 $0x1400, s14;
	[sflag:s0] =	ssyncadd.s32 $0xFFFFD800  }
0x45: {  	[hbm4b:s7+s3] =	stream.linear.scatter [tilespmem:s26], [sflag:$0xA], $0x2800, $0x38;
	[tilespmem:$0x18800] =	vst v63  }
0x46: {  	_ =	swait.ge [sflag:s1], $0x2800  }
0x47: {  	[sflag:s1] =	ssyncset.done $0x0  }
0x48: {  	s8 =	simm.s32 $0x280;
	[sflag:s1] =	ssyncadd.s32 $0xFFFFD800  }
0x49: {  	[tilespmem:s18], [sflag:$0x1] =	stream.indirect.gather [hbm4b:s2+s17], $0x80, s8, s17, $0xb8;
	[tilespmem:$0x18800] =	vst v63  }
0x4a: {  	_ =	swait.ge [sflag:s16], $0x2800  }
0x4b: {  	[sflag:s16] =	ssyncset.done $0x0  }
0x4c: {  	s9 =	simm.s32 $0x300;
	[sflag:s16] =	ssyncadd.s32 $0xFFFFD800  }
0x4d: {  	[tilespmem:s20], [sflag:$0x2] =	stream.indirect.gather [hbm4b:s2+s17], $0x80, s9, s17, $0xb8;
	[tilespmem:$0x18800] =	vst v63  }
0x4e: {  	_ =	swait.ge [sflag:s19], $0x2800  }
0x4f: {  	[sflag:s19] =	ssyncset.done $0x0  }
0x50: {  	s10 =	simm.s32 $0x380;
	[sflag:s19] =	ssyncadd.s32 $0xFFFFD800  }
0x51: {  	[tilespmem:s22], [sflag:$0x3] =	stream.indirect.gather [hbm4b:s2+s17], $0x80, s10, s17, $0xb8;
	[tilespmem:$0x18800] =	vst v63  }
0x52: {  	_ =	swait.ge [sflag:s21], $0x2800  }
0x53: {  	[sflag:s21] =	ssyncset.done $0x0  }
0x54: {  	s11 =	simm.s32 $0x400;
	[sflag:s21] =	ssyncadd.s32 $0xFFFFD800  }
0x55: {  	[tilespmem:s24], [sflag:$0x4] =	stream.indirect.gather [hbm4b:s2+s17], $0x80, s11, s17, $0xb8;
	[tilespmem:$0x18800] =	vst v63  }
0x56: {  	_ =	swait.ge [sflag:s23], $0x2800  }
0x57: {  	[sflag:s23] =	ssyncset.done $0x0  }
0x58: {  	s12 =	simm.s32 $0x480;
	[sflag:s23] =	ssyncadd.s32 $0xFFFFD800  }
0x59: {  	[tilespmem:s26], [sflag:$0x5] =	stream.indirect.gather [hbm4b:s2+s17], $0x80, s12, s17, $0xb8;
	[tilespmem:$0x18800] =	vst v63  }
0x5a: {  	_ =	swait.ge [sflag:s25], $0x50  }
0x5b: {  	[sflag:s25] =	ssyncset.done $0x0  }
0x5c: {  	[sflag:s25] =	ssyncadd.s32 $0xFFFFFFB0  }
0x5d: {  	_ =	swait.ge [sflag:s25], $0x50  }
0x5e: {  	[sflag:s25] =	ssyncset.done $0x0  }
0x5f: {  	[sflag:s25] =	ssyncadd.s32 $0xFFFFFFB0  }
0x60: {  	_ =	swait.ge [sflag:s25], $0x50  }
0x61: {  	[sflag:s25] =	ssyncset.done $0x0  }
0x62: {  	[sflag:s25] =	ssyncadd.s32 $0xFFFFFFB0  }
0x63: {  	_ =	swait.ge [sflag:s25], $0x50  }
0x64: {  	[sflag:s25] =	ssyncset.done $0x0  }
0x65: {  	[sflag:s25] =	ssyncadd.s32 $0xFFFFFFB0  }
0x66: {  	s6 =	sadd.s32 $0x1900, s14;
	_ =	swait.ge [sflag:s25], $0x50  }
0x67: {  	s7 =	simm.s32 $0x280;
	s9 =	simm.s32 $0x1400;
	[sflag:s25] =	ssyncset.done $0x0  }
.LBB2_2:
0x68: {  	s10 =	sadd.s32 $0x14800, s7  }
0x69: {  	s11 =	sadd.s32 $0x4000, s7;
	[sflag:s25] =	ssyncadd.s32 $0xFFFFFFB0;
	s8 =	smov.u32 s9  }
0x6a: {  	[tilespmem:s10], [sflag:$0xB] =	stream.indirect.gather [hbm4b:s4+s17], $0x1, s11, s17, $0xb8;
	[tilespmem:$0x18800] =	vst v63  }
0x6b: {  	s12 =	sadd.s32 $0x4080, s7;
	s10 =	sadd.s32 $0xA00, s9;
	s11 =	sadd.s32 $0x14880, s7  }
0x6c: {  	[tilespmem:s11], [sflag:$0xB] =	stream.indirect.gather [hbm4b:s4+s17], $0x1, s12, s17, $0xb8;
	[tilespmem:$0x18800] =	vst v63  }
0x6d: {  	p0 =	sne.s32 s9, $0xE600;
	s9 =	sadd.s32 $0x14900, s7;
	s11 =	sadd.s32 $0x4100, s7  }
0x6e: {  	[tilespmem:s9], [sflag:$0xB] =	stream.indirect.gather [hbm4b:s4+s17], $0x1, s11, s17, $0xb8;
	[tilespmem:$0x18800] =	vst v63  }
0x6f: {  	s9 =	sadd.s32 $0x14980, s7;
	s11 =	sadd.s32 $0x4180, s7  }
0x70: {  	[tilespmem:s9], [sflag:$0xB] =	stream.indirect.gather [hbm4b:s4+s17], $0x1, s11, s17, $0xb8;
	[tilespmem:$0x18800] =	vst v63  }
0x71: {  	s9 =	sadd.s32 $0x14A00, s7;
	s11 =	sadd.s32 $0x4200, s7  }
0x72: {  	[tilespmem:s9], [sflag:$0xB] =	stream.indirect.gather [hbm4b:s4+s17], $0x1, s11, s17, $0xb8;
	[tilespmem:$0x18800] =	vst v63  }
0x73: {  	_ =	swait.ge [sflag:s28], $0x2800  }
0x74: {  	[sflag:s28] =	ssyncset.done $0x0  }
0x75: {  	[sflag:s28] =	ssyncadd.s32 $0xFFFFD800  }
0x76: {  	[hbm4b:s6+s3] =	stream.linear.scatter [tilespmem:s18], [sflag:$0x6], $0x2800, $0x38;
	[tilespmem:$0x18800] =	vst v63  }
0x77: {  	_ =	swait.ge [sflag:s29], $0x2800  }
0x78: {  	[sflag:s29] =	ssyncset.done $0x0  }
0x79: {  	s9 =	sadd.s32 $0x500, s6;
	[sflag:s29] =	ssyncadd.s32 $0xFFFFD800  }
0x7a: {  	[hbm4b:s9+s3] =	stream.linear.scatter [tilespmem:s20], [sflag:$0x7], $0x2800, $0x38;
	[tilespmem:$0x18800] =	vst v63  }
0x7b: {  	_ =	swait.ge [sflag:s30], $0x2800  }
0x7c: {  	[sflag:s30] =	ssyncset.done $0x0  }
0x7d: {  	s9 =	sadd.s32 $0xA00, s6;
	[sflag:s30] =	ssyncadd.s32 $0xFFFFD800  }
0x7e: {  	[hbm4b:s9+s3] =	stream.linear.scatter [tilespmem:s22], [sflag:$0x8], $0x2800, $0x38;
	[tilespmem:$0x18800] =	vst v63  }
0x7f: {  	_ =	swait.ge [sflag:s31], $0x2800  }
0x80: {  	[sflag:s31] =	ssyncset.done $0x0  }
0x81: {  	s9 =	sadd.s32 $0xF00, s6;
	[sflag:s31] =	ssyncadd.s32 $0xFFFFD800  }
0x82: {  	[hbm4b:s9+s3] =	stream.linear.scatter [tilespmem:s24], [sflag:$0x9], $0x2800, $0x38;
	[tilespmem:$0x18800] =	vst v63  }
0x83: {  	_ =	swait.ge [sflag:s0], $0x2800  }
0x84: {  	[sflag:s0] =	ssyncset.done $0x0  }
0x85: {  	s9 =	sadd.s32 $0x1400, s6;
	[sflag:s0] =	ssyncadd.s32 $0xFFFFD800  }
0x86: {  	[hbm4b:s9+s3] =	stream.linear.scatter [tilespmem:s26], [sflag:$0xA], $0x2800, $0x38;
	[tilespmem:$0x18800] =	vst v63  }
0x87: {  	_ =	swait.ge [sflag:s1], $0x2800  }
0x88: {  	[sflag:s1] =	ssyncset.done $0x0  }
0x89: {  	s9 =	sadd.s32 $0x280, s7;
	[sflag:s1] =	ssyncadd.s32 $0xFFFFD800  }
0x8a: {  	[tilespmem:s18], [sflag:$0x1] =	stream.indirect.gather [hbm4b:s2+s17], $0x80, s9, s17, $0xb8;
	[tilespmem:$0x18800] =	vst v63  }
0x8b: {  	_ =	swait.ge [sflag:s16], $0x2800  }
0x8c: {  	[sflag:s16] =	ssyncset.done $0x0  }
0x8d: {  	s9 =	sadd.s32 $0x300, s7;
	[sflag:s16] =	ssyncadd.s32 $0xFFFFD800  }
0x8e: {  	[tilespmem:s20], [sflag:$0x2] =	stream.indirect.gather [hbm4b:s2+s17], $0x80, s9, s17, $0xb8;
	[tilespmem:$0x18800] =	vst v63  }
0x8f: {  	_ =	swait.ge [sflag:s19], $0x2800  }
0x90: {  	[sflag:s19] =	ssyncset.done $0x0  }
0x91: {  	s9 =	sadd.s32 $0x380, s7;
	[sflag:s19] =	ssyncadd.s32 $0xFFFFD800  }
0x92: {  	[tilespmem:s22], [sflag:$0x3] =	stream.indirect.gather [hbm4b:s2+s17], $0x80, s9, s17, $0xb8;
	[tilespmem:$0x18800] =	vst v63  }
0x93: {  	_ =	swait.ge [sflag:s21], $0x2800  }
0x94: {  	[sflag:s21] =	ssyncset.done $0x0  }
0x95: {  	s9 =	sadd.s32 $0x400, s7;
	[sflag:s21] =	ssyncadd.s32 $0xFFFFD800  }
0x96: {  	[tilespmem:s24], [sflag:$0x4] =	stream.indirect.gather [hbm4b:s2+s17], $0x80, s9, s17, $0xb8;
	[tilespmem:$0x18800] =	vst v63  }
0x97: {  	_ =	swait.ge [sflag:s23], $0x2800  }
0x98: {  	[sflag:s23] =	ssyncset.done $0x0  }
0x99: {  	s7 =	sadd.s32 $0x480, s7;
	[sflag:s23] =	ssyncadd.s32 $0xFFFFD800  }
0x9a: {  	[tilespmem:s26], [sflag:$0x5] =	stream.indirect.gather [hbm4b:s2+s17], $0x80, s7, s17, $0xb8;
	[tilespmem:$0x18800] =	vst v63  }
0x9b: {  	_ =	swait.ge [sflag:s25], $0x50  }
0x9c: {  	[sflag:s25] =	ssyncset.done $0x0  }
0x9d: {  	[sflag:s25] =	ssyncadd.s32 $0xFFFFFFB0  }
0x9e: {  	_ =	swait.ge [sflag:s25], $0x50  }
0x9f: {  	[sflag:s25] =	ssyncset.done $0x0  }
0xa0: {  	[sflag:s25] =	ssyncadd.s32 $0xFFFFFFB0  }
0xa1: {  	_ =	swait.ge [sflag:s25], $0x50  }
0xa2: {  	[sflag:s25] =	ssyncset.done $0x0  }
0xa3: {  	[sflag:s25] =	ssyncadd.s32 $0xFFFFFFB0  }
.Ltmp0:
0xa4: {  	_ =	swait.ge [sflag:s25], $0x50;
	(pc) =	sbr.rel @p0 .LBB2_2-.Ltmp0, $4  }
0xa5: {  	[sflag:s25] =	ssyncset.done $0x0  }
0xa6: {  	[sflag:s25] =	ssyncadd.s32 $0xFFFFFFB0  }
0xa7: {  	s6 =	sadd.s32 $0x1900, s6;
	_ =	swait.ge [sflag:s25], $0x50  }
0xa8: {  	s9 =	smov.u32 s10;
	s7 =	sshra.s32 s8, $0x2;
	[sflag:s25] =	ssyncset.done $0x0  }
0xa9: {  	s8 =	sadd.s32 $0x14800, s7;
	s9 =	sadd.s32 $0x4000, s7;
	[sflag:s25] =	ssyncadd.s32 $0xFFFFFFB0  }
0xaa: {  	[tilespmem:s8], [sflag:$0xB] =	stream.indirect.gather [hbm4b:s4+s17], $0x1, s9, s17, $0xb8;
	[tilespmem:$0x18800] =	vst v63  }
0xab: {  	s10 =	sadd.s32 $0x4080, s7;
	s9 =	sadd.s32 $0x14880, s7  }
0xac: {  	[tilespmem:s9], [sflag:$0xB] =	stream.indirect.gather [hbm4b:s4+s17], $0x1, s10, s17, $0xb8;
	[tilespmem:$0x18800] =	vst v63  }
0xad: {  	s11 =	sadd.s32 $0x14900, s7;
	s12 =	sadd.s32 $0x4100, s7  }
0xae: {  	[tilespmem:s11], [sflag:$0xB] =	stream.indirect.gather [hbm4b:s4+s17], $0x1, s12, s17, $0xb8;
	[tilespmem:$0x18800] =	vst v63  }
0xaf: {  	s9 =	sadd.s32 $0x14980, s7;
	s10 =	sadd.s32 $0x4180, s7  }
0xb0: {  	[tilespmem:s9], [sflag:$0xB] =	stream.indirect.gather [hbm4b:s4+s17], $0x1, s10, s17, $0xb8;
	[tilespmem:$0x18800] =	vst v63  }
0xb1: {  	s11 =	sadd.s32 $0x14A00, s7;
	s12 =	sadd.s32 $0x4200, s7  }
0xb2: {  	[tilespmem:s11], [sflag:$0xB] =	stream.indirect.gather [hbm4b:s4+s17], $0x1, s12, s17, $0xb8;
	[tilespmem:$0x18800] =	vst v63  }
0xb3: {  	_ =	swait.ge [sflag:s28], $0x2800  }
0xb4: {  	[sflag:s28] =	ssyncset.done $0x0  }
0xb5: {  	[sflag:s28] =	ssyncadd.s32 $0xFFFFD800  }
0xb6: {  	[hbm4b:s6+s3] =	stream.linear.scatter [tilespmem:s18], [sflag:$0x6], $0x2800, $0x38;
	[tilespmem:$0x18800] =	vst v63  }
0xb7: {  	_ =	swait.ge [sflag:s29], $0x2800  }
0xb8: {  	[sflag:s29] =	ssyncset.done $0x0  }
0xb9: {  	s9 =	sadd.s32 $0x500, s6;
	[sflag:s29] =	ssyncadd.s32 $0xFFFFD800  }
0xba: {  	[hbm4b:s9+s3] =	stream.linear.scatter [tilespmem:s20], [sflag:$0x7], $0x2800, $0x38;
	[tilespmem:$0x18800] =	vst v63  }
0xbb: {  	_ =	swait.ge [sflag:s30], $0x2800  }
0xbc: {  	[sflag:s30] =	ssyncset.done $0x0  }
0xbd: {  	s10 =	sadd.s32 $0xA00, s6;
	[sflag:s30] =	ssyncadd.s32 $0xFFFFD800  }
0xbe: {  	[hbm4b:s10+s3] =	stream.linear.scatter [tilespmem:s22], [sflag:$0x8], $0x2800, $0x38;
	[tilespmem:$0x18800] =	vst v63  }
0xbf: {  	_ =	swait.ge [sflag:s31], $0x2800  }
0xc0: {  	[sflag:s31] =	ssyncset.done $0x0  }
0xc1: {  	s11 =	sadd.s32 $0xF00, s6;
	[sflag:s31] =	ssyncadd.s32 $0xFFFFD800  }
0xc2: {  	[hbm4b:s11+s3] =	stream.linear.scatter [tilespmem:s24], [sflag:$0x9], $0x2800, $0x38;
	[tilespmem:$0x18800] =	vst v63  }
0xc3: {  	_ =	swait.ge [sflag:s0], $0x2800  }
0xc4: {  	[sflag:s0] =	ssyncset.done $0x0  }
0xc5: {  	s12 =	sadd.s32 $0x1400, s6;
	[sflag:s0] =	ssyncadd.s32 $0xFFFFD800  }
0xc6: {  	[hbm4b:s12+s3] =	stream.linear.scatter [tilespmem:s26], [sflag:$0xA], $0x2800, $0x38;
	[tilespmem:$0x18800] =	vst v63  }
0xc7: {  	_ =	swait.ge [sflag:s1], $0x2800  }
0xc8: {  	[sflag:s1] =	ssyncset.done $0x0  }
0xc9: {  	s8 =	sadd.s32 $0x280, s7;
	[sflag:s1] =	ssyncadd.s32 $0xFFFFD800  }
0xca: {  	[tilespmem:s18], [sflag:$0x1] =	stream.indirect.gather [hbm4b:s2+s17], $0x80, s8, s17, $0xb8;
	[tilespmem:$0x18800] =	vst v63  }
0xcb: {  	_ =	swait.ge [sflag:s16], $0x2800  }
0xcc: {  	[sflag:s16] =	ssyncset.done $0x0  }
0xcd: {  	s9 =	sadd.s32 $0x300, s7;
	[sflag:s16] =	ssyncadd.s32 $0xFFFFD800  }
0xce: {  	[tilespmem:s20], [sflag:$0x2] =	stream.indirect.gather [hbm4b:s2+s17], $0x80, s9, s17, $0xb8;
	[tilespmem:$0x18800] =	vst v63  }
0xcf: {  	_ =	swait.ge [sflag:s19], $0x2800  }
0xd0: {  	[sflag:s19] =	ssyncset.done $0x0  }
0xd1: {  	s10 =	sadd.s32 $0x380, s7;
	[sflag:s19] =	ssyncadd.s32 $0xFFFFD800  }
0xd2: {  	[tilespmem:s22], [sflag:$0x3] =	stream.indirect.gather [hbm4b:s2+s17], $0x80, s10, s17, $0xb8;
	[tilespmem:$0x18800] =	vst v63  }
0xd3: {  	_ =	swait.ge [sflag:s21], $0x2800  }
0xd4: {  	[sflag:s21] =	ssyncset.done $0x0  }
0xd5: {  	s11 =	sadd.s32 $0x400, s7;
	[sflag:s21] =	ssyncadd.s32 $0xFFFFD800  }
0xd6: {  	[tilespmem:s24], [sflag:$0x4] =	stream.indirect.gather [hbm4b:s2+s17], $0x80, s11, s17, $0xb8;
	[tilespmem:$0x18800] =	vst v63  }
0xd7: {  	_ =	swait.ge [sflag:s23], $0x2800  }
0xd8: {  	[sflag:s23] =	ssyncset.done $0x0  }
0xd9: {  	s12 =	sadd.s32 $0x480, s7;
	[sflag:s23] =	ssyncadd.s32 $0xFFFFD800  }
0xda: {  	[tilespmem:s26], [sflag:$0x5] =	stream.indirect.gather [hbm4b:s2+s17], $0x80, s12, s17, $0xb8;
	[tilespmem:$0x18800] =	vst v63  }
0xdb: {  	_ =	swait.ge [sflag:s25], $0x50  }
0xdc: {  	[sflag:s25] =	ssyncset.done $0x0  }
0xdd: {  	[sflag:s25] =	ssyncadd.s32 $0xFFFFFFB0  }
0xde: {  	_ =	swait.ge [sflag:s25], $0x50  }
0xdf: {  	[sflag:s25] =	ssyncset.done $0x0  }
0xe0: {  	[sflag:s25] =	ssyncadd.s32 $0xFFFFFFB0  }
0xe1: {  	_ =	swait.ge [sflag:s25], $0x50  }
0xe2: {  	[sflag:s25] =	ssyncset.done $0x0  }
0xe3: {  	[sflag:s25] =	ssyncadd.s32 $0xFFFFFFB0  }
0xe4: {  	_ =	swait.ge [sflag:s25], $0x50  }
0xe5: {  	[sflag:s25] =	ssyncset.done $0x0  }
0xe6: {  	[sflag:s25] =	ssyncadd.s32 $0xFFFFFFB0  }
0xe7: {  	_ =	swait.ge [sflag:s25], $0x50  }
0xe8: {  	[sflag:s25] =	ssyncset.done $0x0  }
0xe9: {  	s7 =	simm.s32 $0x7C00;
	s8 =	simm.s32 $0x18400;
	[sflag:s25] =	ssyncadd.s32 $0xFFFFFFB0  }
0xea: {  	[tilespmem:s8], [sflag:$0xB] =	stream.indirect.gather [hbm4b:s4+s17], $0x1, s7, s17, $0xb8;
	[tilespmem:$0x18800] =	vst v63  }
0xeb: {  	s9 =	simm.s32 $0x7C80;
	s10 =	simm.s32 $0x18480  }
0xec: {  	[tilespmem:s10], [sflag:$0xB] =	stream.indirect.gather [hbm4b:s4+s17], $0x1, s9, s17, $0xb8;
	[tilespmem:$0x18800] =	vst v63  }
0xed: {  	s11 =	simm.s32 $0x7D00;
	s12 =	simm.s32 $0x18500  }
0xee: {  	[tilespmem:s12], [sflag:$0xB] =	stream.indirect.gather [hbm4b:s4+s17], $0x1, s11, s17, $0xb8;
	[tilespmem:$0x18800] =	vst v63  }
0xef: {  	s8 =	simm.s32 $0x7D80;
	s9 =	simm.s32 $0x18580  }
0xf0: {  	[tilespmem:s9], [sflag:$0xB] =	stream.indirect.gather [hbm4b:s4+s17], $0x1, s8, s17, $0xb8;
	[tilespmem:$0x18800] =	vst v63  }
0xf1: {  	s10 =	simm.s32 $0x7E00;
	s11 =	simm.s32 $0x18600  }
0xf2: {  	[tilespmem:s11], [sflag:$0xB] =	stream.indirect.gather [hbm4b:s4+s17], $0x1, s10, s17, $0xb8;
	[tilespmem:$0x18800] =	vst v63  }
0xf3: {  	_ =	swait.ge [sflag:s28], $0x2800  }
0xf4: {  	[sflag:s28] =	ssyncset.done $0x0  }
0xf5: {  	s12 =	rddreg [dreg:$0x5];
	[sflag:s28] =	ssyncadd.s32 $0xFFFFD800  }
0xf6: {  	[hbm4b:s12+s3] =	stream.linear.scatter [tilespmem:s18], [sflag:$0x6], $0x2800, $0x38;
	[tilespmem:$0x18800] =	vst v63  }
0xf7: {  	_ =	swait.ge [sflag:s29], $0x2800  }
0xf8: {  	[sflag:s29] =	ssyncset.done $0x0  }
0xf9: {  	s7 =	rddreg [dreg:$0x6];
	[sflag:s29] =	ssyncadd.s32 $0xFFFFD800  }
0xfa: {  	[hbm4b:s7+s3] =	stream.linear.scatter [tilespmem:s20], [sflag:$0x7], $0x2800, $0x38;
	[tilespmem:$0x18800] =	vst v63  }
0xfb: {  	_ =	swait.ge [sflag:s30], $0x2800  }
0xfc: {  	[sflag:s30] =	ssyncset.done $0x0  }
0xfd: {  	s8 =	rddreg [dreg:$0x7];
	[sflag:s30] =	ssyncadd.s32 $0xFFFFD800  }
0xfe: {  	[hbm4b:s8+s3] =	stream.linear.scatter [tilespmem:s22], [sflag:$0x8], $0x2800, $0x38;
	[tilespmem:$0x18800] =	vst v63  }
0xff: {  	_ =	swait.ge [sflag:s31], $0x2800  }
0x100: {  	[sflag:s31] =	ssyncset.done $0x0  }
0x101: {  	s9 =	rddreg [dreg:$0x8];
	[sflag:s31] =	ssyncadd.s32 $0xFFFFD800  }
0x102: {  	[hbm4b:s9+s3] =	stream.linear.scatter [tilespmem:s24], [sflag:$0x9], $0x2800, $0x38;
	[tilespmem:$0x18800] =	vst v63  }
0x103: {  	_ =	swait.ge [sflag:s0], $0x2800  }
0x104: {  	[sflag:s0] =	ssyncset.done $0x0  }
0x105: {  	s10 =	rddreg [dreg:$0x9];
	[sflag:s0] =	ssyncadd.s32 $0xFFFFD800  }
0x106: {  	[hbm4b:s10+s3] =	stream.linear.scatter [tilespmem:s26], [sflag:$0xA], $0x2800, $0x38;
	[tilespmem:$0x18800] =	vst v63  }
0x107: {  	_ =	swait.ge [sflag:s1], $0x2800  }
0x108: {  	[sflag:s1] =	ssyncset.done $0x0  }
0x109: {  	[sflag:s1] =	ssyncadd.s32 $0xFFFFD800  }
0x10a: {  	_ =	swait.ge [sflag:s16], $0x2800  }
0x10b: {  	[sflag:s16] =	ssyncset.done $0x0  }
0x10c: {  	[sflag:s16] =	ssyncadd.s32 $0xFFFFD800  }
0x10d: {  	_ =	swait.ge [sflag:s19], $0x2800  }
0x10e: {  	[sflag:s19] =	ssyncset.done $0x0  }
0x10f: {  	[sflag:s19] =	ssyncadd.s32 $0xFFFFD800  }
0x110: {  	_ =	swait.ge [sflag:s21], $0x2800  }
0x111: {  	[sflag:s21] =	ssyncset.done $0x0  }
0x112: {  	[sflag:s21] =	ssyncadd.s32 $0xFFFFD800  }
0x113: {  	_ =	swait.ge [sflag:s23], $0x2800  }
0x114: {  	[sflag:s23] =	ssyncset.done $0x0  }
0x115: {  	[sflag:s23] =	ssyncadd.s32 $0xFFFFD800  }
0x116: {  	_ =	swait.ge [sflag:s25], $0x50  }
0x117: {  	[sflag:s25] =	ssyncset.done $0x0  }
0x118: {  	[sflag:s25] =	ssyncadd.s32 $0xFFFFFFB0  }
0x119: {  	_ =	swait.ge [sflag:s25], $0x50  }
0x11a: {  	[sflag:s25] =	ssyncset.done $0x0  }
0x11b: {  	[sflag:s25] =	ssyncadd.s32 $0xFFFFFFB0  }
0x11c: {  	_ =	swait.ge [sflag:s25], $0x50  }
0x11d: {  	[sflag:s25] =	ssyncset.done $0x0  }
0x11e: {  	[sflag:s25] =	ssyncadd.s32 $0xFFFFFFB0  }
0x11f: {  	_ =	swait.ge [sflag:s25], $0x50  }
0x120: {  	[sflag:s25] =	ssyncset.done $0x0  }
0x121: {  	[sflag:s25] =	ssyncadd.s32 $0xFFFFFFB0  }
0x122: {  	s5 =	sadd.s32 $0x1, s5;
	_ =	swait.ge [sflag:s25], $0x50  }
0x123: {  	p0 =	sne.s32 s5, s13;
	s12 =	simm.s32 $0x14800;
	[sflag:s25] =	ssyncset.done $0x0  }
.Ltmp1:
0x124: {  	s11 =	rddreg [dreg:$0xa];
	[sflag:s25] =	ssyncadd.s32 $0xFFFFFFB0;
	(pc) =	sbr.rel @p0 .LBB2_1-.Ltmp1, $4  }
0x125: {  	[hbm4b:s11+s3] =	stream.linear.scatter [tilespmem:s12], [sflag:$0xC], $0x3E80, $0x38;
	[tilespmem:$0x18800] =	vst v63  }
0x126: {  	_ =	swait.ge [sflag:s15], $0x3E80  }
0x127: {  	[sflag:s15] =	ssyncset.done $0x0  }
0x128: {  	[sflag:s15] =	ssyncadd.s32 $0xFFFFC180  }
0x129: {  	_ =	sfence.sel $0x180000  }
0x12a: {  	[bflag:$0x0] =	sbarrier.arrive $0xFFFF  }
0x12b: {  	_ =	strace $0x90000047  }
0x12c: {  	s0 =	stileid.u32;
	[bflag:$0x2] =	sbarrier.arrive $0xFFFF  }
0x12d: {  	p0 =	sne.s32 s0, $0x0;
	s0 =	rddreg [dreg:$0x2]  }
0x12e: {  	s0 =	sadd.s32 @!p0 $0x100000, s0  }
0x12f: {  	[sflag:s0] =	ssyncadd.tile.s32 @!p0 $0x1;
	_ =	shalt  }
.Lfunc_end2:
_tile_overlayer_lowered:
.L_overlay_start_2:
0x130: {  	(tag) =	ssettag $0x2  }
0x131: {  	s0 =	rddreg [dreg:$0x0];
	s2 =	stileid.u32  }
0x132: {  	s1 =	rddreg [dreg:$0x1];
	p0 =	sne.s32 s2, $0x0  }
0x133: {  	s3 =	rddreg [dreg:$0x2];
	[bflag:$0x3] =	sbarrier.arrive $0xFFFF;
	s2 =	simm.s32 @!p0 $0x1C0C  }
0x134: {  	[timem:s3], [sflag:s2] =	dma.local @!p0 [hbm:s0], s1  }
0x135: {  	s0 =	simm.s32 @!p0 $0xC  }
0x136: {  	_ =	swait.ge @!p0 [sflag:s0], s1  }
0x137: {  	s1 =	ssub.s32 @!p0 $0x0, s1;
	[sflag:s0] =	ssyncset.done @!p0 $0x0  }
0x138: {  	[sflag:s0] =	ssyncadd.s32 @!p0 s1  }
0x139: {  	[bflag:$0x3] =	sbarrier.arrive $0xFFFF  }
0x13a: {  	_ =	shalt  }

</sc_bundles>
